<compile_context>
chip_gen: v7x
topology: tpu7x:2x2x1
jax: 0.10.2.dev20260603
libtpu: 0.0.44.dev20260713+nightly
codegen_flags: <defaults>
</compile_context>

<pallas_src>
import dataclasses

import jax
import jax.numpy as jnp
from jax.experimental import pallas as pl
from jax.experimental.pallas import tpu as pltpu
from jax.experimental.pallas import tpu_sc as plsc

_B, _I, _L, _P = 128, 768, 512, 3
_MINUS = -100.0
_LANES = 16
_NC = _L // _LANES
_SC_RB = 48


def _sc_piece_pool(x, mask, n_batch):
    out_t = jax.ShapeDtypeStruct((n_batch * _I,), jnp.float32)
    mesh = plsc.VectorSubcoreMesh(core_axis_name="c", subcore_axis_name="s")

    cp = pltpu.CompilerParams()
    if "needs_layout_passes" in pltpu.CompilerParams.__dataclass_fields__:
        cp = dataclasses.replace(cp, needs_layout_passes=False)

    @pl.kernel(out_type=(out_t, out_t, out_t), mesh=mesh,
               scratch_types=[pltpu.VMEM((_P, _L), jnp.float32),
                              pltpu.VMEM((_P * _SC_RB * _LANES,), jnp.float32)],
               compiler_params=cp)
    def k(x_hbm, m_hbm, o1_hbm, o2_hbm, o3_hbm, bias_ref, part_ref):
        def body(x_vmem, m_vmem, o1_vmem, o2_vmem, o3_vmem):
            @pl.loop(0, _NC // 4)
            def _(i):
                for k in range(4):
                    sl = pl.ds(i * 4 * _LANES + k * _LANES, _LANES)
                    mc = m_vmem[0, sl]
                    for p in range(_P):
                        bias_ref[p, sl] = jnp.where(mc == p + 1, 0.0, _MINUS)

            col = jax.lax.iota(jnp.int32, _LANES) * _SC_RB

            @pl.loop(0, _SC_RB)
            def _(r):
                neg = jnp.full((_LANES,), -jnp.inf, jnp.float32)

                def chunk_fn(i, accs):
                    accs = [[accs[2 * p], accs[2 * p + 1]] for p in range(_P)]
                    base = i * 8 * _LANES
                    for k in range(8):
                        sl = pl.ds(base + k * _LANES, _LANES)
                        v = x_vmem[0, r, sl]
                        for p in range(_P):
                            accs[p][k % 2] = jnp.maximum(
                                accs[p][k % 2], v + bias_ref[p, sl])
                    return tuple(a for pair in accs for a in pair)

                flat = jax.lax.fori_loop(0, _NC // 8, chunk_fn, (neg,) * 6)
                acc = [[flat[2 * p], flat[2 * p + 1]] for p in range(_P)]
                for p in range(_P):
                    m = jnp.maximum(acc[p][0], acc[p][1])
                    plsc.store_scatter(part_ref,
                                       [col + (p * _SC_RB * _LANES + r)], m)

            for p, o_vmem in enumerate((o1_vmem, o2_vmem, o3_vmem)):
                base = p * _SC_RB * _LANES
                for g in range(_SC_RB // _LANES):
                    def fold_fn(l, t, _base=base + g * _LANES):
                        return jnp.maximum(
                            t, part_ref[pl.ds(_base + l * _SC_RB, _LANES)])
                    t = jax.lax.fori_loop(
                        1, _LANES, fold_fn,
                        part_ref[pl.ds(base + g * _LANES, _LANES)])
                    o_vmem[pl.ds(g * _LANES, _LANES)] = t

        pltpu.emit_pipeline(
            body,
            grid=(n_batch, _I // _SC_RB),
            in_specs=[
                pl.BlockSpec((1, _SC_RB, _L), index_map=lambda b, j: (b, j, 0)),
                pl.BlockSpec((1, _L), index_map=lambda b, j: (b, 0)),
            ],
            out_specs=[
                pl.BlockSpec((_SC_RB,), index_map=lambda b, j: (b * (_I // _SC_RB) + j,)),
                pl.BlockSpec((_SC_RB,), index_map=lambda b, j: (b * (_I // _SC_RB) + j,)),
                pl.BlockSpec((_SC_RB,), index_map=lambda b, j: (b * (_I // _SC_RB) + j,)),
            ],
            core_axis_name=("c", "s"),
            dimension_semantics=(pltpu.PARALLEL, pltpu.PARALLEL),
        )(x_hbm, m_hbm, o1_hbm, o2_hbm, o3_hbm)

    o1, o2, o3 = k(x, mask)
    o1 = o1.reshape(n_batch, _I)
    o2 = o2.reshape(n_batch, _I)
    o3 = o3.reshape(n_batch, _I)
    return jnp.stack([o1, o2, o3], axis=1)


_SC_NB = 8
_TC_BB = 8


def _tc_body(m_ref, x_ref, o_ref):
    for bb in range(_TC_BB):
        xb = x_ref[bb]
        m = m_ref[bb]
        outs = []
        for p in range(_P):
            bias = jnp.where(m == (p + 1), 0.0, _MINUS)
            outs.append(jnp.max(xb + bias, axis=-1))
        o_ref[bb] = jnp.stack(outs, axis=0)


def _tc_piece_pool(x, mask, b_off, n_batch):
    mask3 = mask.reshape(_B, 1, _L)
    off = b_off // _TC_BB
    return pl.pallas_call(
        _tc_body,
        grid=(n_batch // _TC_BB,),
        in_specs=[
            pl.BlockSpec((_TC_BB, 1, _L), lambda b: (b + off, 0, 0)),
            pl.BlockSpec((_TC_BB, _I, _L), lambda b: (b + off, 0, 0)),
        ],
        out_specs=pl.BlockSpec((_TC_BB, _P, _I), lambda b: (b, 0, 0)),
        out_shape=jax.ShapeDtypeStruct((n_batch, _P, _I), x.dtype),
    )(mask3, x)


def kernel(x, mask, mask_table):
    del mask_table
    sc_out = _sc_piece_pool(x, mask, _SC_NB)
    tc_out = _tc_piece_pool(x, mask, _SC_NB, _B - _SC_NB)
    out = jnp.concatenate([sc_out, tc_out], axis=0)
    return out.reshape(_B, _P * _I)

# --- scband reference (transcript-rebuilt; emitter-appended) ---
"""Pipeline reference for scband-piece-max-pool-64304250355848 (READ-ONLY COPY).

The authoritative reference and input builder live on the scoring server;
editing this copy changes nothing except your own understanding.
"""

import jax, jax.numpy as jnp
import numpy as np

B, I_EMBED, L = 128, 768, 512
PIECE_NUM = 3
KERNEL = 512
MINUS = -100.0


def setup_inputs(seed: int = 0) -> dict:
    key = jax.random.key(seed)
    k1, k2 = jax.random.split(key)
    x = jax.random.normal(k1, (B, I_EMBED, L), dtype=jnp.float32)
    mask = jax.random.randint(k2, (B, L), 0, PIECE_NUM + 1, dtype=jnp.int32)
    # frozen mask embedding: row 0 = zeros, rows 1..P = identity
    mask_table = jnp.asarray(
        np.concatenate([np.zeros((1, PIECE_NUM)), np.identity(PIECE_NUM)], axis=0),
        dtype=jnp.float32,
    )
    return {"x": x, "mask": mask, "mask_table": mask_table}


def reference(x, mask, mask_table):
    Bx, I, Lx = x.shape
    # embedding lookup: (B, L, P)
    me = jnp.take(mask_table, mask, axis=0)
    # transpose(1,2).unsqueeze(2): (B, P, 1, L)
    me = jnp.transpose(me, (0, 2, 1))[:, :, None, :]
    mask_embedded = 1.0 - me
    # x.unsqueeze(1): (B, 1, I, L) -> broadcast add -> (B, P, I, L)
    xc = x[:, None, :, :] + MINUS * mask_embedded
    xc = xc.reshape(-1, I, Lx)
    # MaxPool1d(kernel_size=KERNEL, stride=KERNEL)
    L2 = Lx // KERNEL
    pooled = xc.reshape(-1, I, L2, KERNEL).max(axis=-1)  # (B*P, I, L2)
    if L2 == 1:
        pooled = jnp.squeeze(pooled, axis=-1)  # (B*P, I)
    out = pooled.reshape(Bx, -1)  # (B, P*I)
    return out

if __name__ == "__main__":
    import jax
    _d = setup_inputs()
    print(jax.jit(kernel)(*tuple(_d.values())))

</pallas_src>

<mosaic_0001>
#map = affine_map<(d0, d1) -> (0, 0, 0)>
#map1 = affine_map<(d0, d1) -> (0, 0)>
#map2 = affine_map<(d0, d1) -> (0)>
module attributes {stable_mosaic.version = 14 : i64} {
  func.func @k(%arg0: i32, %arg1: i32, %arg2: memref<128x768x512xf32, #tpu.memory_space<hbm>>, %arg3: memref<128x512xi32, #tpu.memory_space<hbm>>, %arg4: memref<6144xf32, #tpu.memory_space<hbm>>, %arg5: memref<6144xf32, #tpu.memory_space<hbm>>, %arg6: memref<6144xf32, #tpu.memory_space<hbm>>, %arg7: memref<3x512xf32, #tpu.memory_space<vmem>>, %arg8: memref<2304xf32, #tpu.memory_space<vmem>>) attributes {dimension_semantics = [#tpu.dimension_semantics<core_parallel>, #tpu.dimension_semantics<subcore_parallel>], iteration_bounds = array<i64: 2, 16>, scalar_prefetch = 0 : i64, scratch_operands = 2 : i64, tpu.core_type = #tpu.core_type<sc_vector_subcore>, window_params = [{transform_indices = #map}, {transform_indices = #map1}, {transform_indices = #map2}, {transform_indices = #map2}, {transform_indices = #map2}]} {
    %mul3A = arith.constant 1 : i32
    %mul3A_0 = arith.muli %arg1, %mul3A : i32
    %add3A = arith.constant 0 : i32
    %add3A_1 = arith.addi %add3A, %mul3A_0 : i32
    %mul3A_2 = arith.constant 16 : i32
    %mul3A_3 = arith.muli %arg0, %mul3A_2 : i32
    %add3A_4 = arith.addi %add3A_1, %mul3A_3 : i32
    %lt3A = arith.constant 16 : i32
    %lt3A_5 = arith.cmpi slt, %add3A_4, %lt3A : i32
    %jit3A = arith.constant 1 : i32
    %jit3A_6 = arith.constant 0 : i32
    %select_n3A = arith.select %lt3A_5, %jit3A, %jit3A_6 : i32
    %lt3A_7 = arith.constant 16 : i32
    %lt3A_8 = arith.cmpi slt, %add3A_4, %lt3A_7 : i32
    %mul3A_9 = arith.muli %add3A_4, %select_n3A : i32
    %mul3A_10 = arith.constant 0 : i32
    %mul3A_11 = arith.muli %add3A_4, %mul3A_10 : i32
    %add3A_12 = arith.constant 16 : i32
    %add3A_13 = arith.addi %mul3A_11, %add3A_12 : i32
    %select_n3A_14 = arith.select %lt3A_8, %mul3A_9, %add3A_13 : i32
    %mul3A_15 = arith.constant 8 : i32
    %mul3A_16 = arith.muli %mul3A_15, %select_n3A : i32
    "tpu.region"() ({
      %run_scoped3A = memref.alloca() : memref<2x1x48x512xf32, #tpu.memory_space<vmem>>
      %run_scoped3A_17 = tpu.sem_alloc : memref<2x!tpu.dma_semaphore, #tpu.memory_space<semaphore_mem>>
      %run_scoped3A_18 = memref.alloca() : memref<2x1x512xi32, #tpu.memory_space<vmem>>
      %run_scoped3A_19 = tpu.sem_alloc : memref<2x!tpu.dma_semaphore, #tpu.memory_space<semaphore_mem>>
      %run_scoped3A_20 = memref.alloca() : memref<96xf32, #tpu.memory_space<vmem>>
      %run_scoped3A_21 = tpu.sem_alloc : memref<2x!tpu.dma_semaphore, #tpu.memory_space<semaphore_mem>>
      %run_scoped3A_22 = memref.alloca() : memref<96xf32, #tpu.memory_space<vmem>>
      %run_scoped3A_23 = tpu.sem_alloc : memref<2x!tpu.dma_semaphore, #tpu.memory_space<semaphore_mem>>
      %run_scoped3A_24 = memref.alloca() : memref<96xf32, #tpu.memory_space<vmem>>
      %run_scoped3A_25 = tpu.sem_alloc : memref<2x!tpu.dma_semaphore, #tpu.memory_space<semaphore_mem>>
      %gt3A = arith.constant 0 : i32
      %gt3A_26 = arith.cmpi sgt, %mul3A_16, %gt3A : i32
      %convert_element_type3A = arith.extui %gt3A_26 : i1 to i32
      %cond3A = arith.constant 0 : i32
      %cond3A_27 = arith.cmpi ne, %convert_element_type3A, %cond3A : i32
      scf.if %cond3A_27 {
        %mul3A_28 = arith.constant 8 : i32
        %mul3A_29 = arith.muli %mul3A_28, %select_n3A : i32
        %sub3A = arith.constant 1 : i32
        %sub3A_30 = arith.subi %mul3A_29, %sub3A : i32
        %eq3A = arith.constant 0 : i32
        %eq3A_31 = arith.cmpi eq, %sub3A_30, %eq3A : i32
        %add3A_32 = arith.constant 0 : i32
        %add3A_33 = arith.addi %add3A_32, %select_n3A_14 : i32
        %select_n3A_34 = arith.constant true
        %select_n3A_35 = arith.constant 0 : i32
        %select_n3A_36 = arith.constant -1 : i32
        %select_n3A_37 = arith.select %select_n3A_34, %select_n3A_36, %select_n3A_35 : i32
        %eq3A_38 = arith.constant -1 : i32
        %eq3A_39 = arith.cmpi eq, %select_n3A_37, %eq3A_38 : i32
        %sub3A_40 = arith.constant 1 : i32
        %sub3A_41 = arith.subi %select_n3A, %sub3A_40 : i32
        %select_n3A_42 = arith.select %eq3A_39, %sub3A_41, %select_n3A_37 : i32
        %select_n3A_43 = arith.constant 0 : i32
        %select_n3A_44 = arith.constant -1 : i32
        %select_n3A_45 = arith.select %eq3A_39, %select_n3A_44, %select_n3A_43 : i32
        %eq3A_46 = arith.constant -1 : i32
        %eq3A_47 = arith.cmpi eq, %select_n3A_45, %eq3A_46 : i32
        %select_n3A_48 = arith.constant 7 : i32
        %select_n3A_49 = arith.select %eq3A_47, %select_n3A_48, %select_n3A_45 : i32
        %add3A_50 = arith.constant 0 : i32
        %add3A_51 = arith.addi %select_n3A_49, %add3A_50 : i32
        %add3A_52 = arith.addi %select_n3A_42, %select_n3A_14 : i32
        %select_n3A_53 = arith.constant true
        %select_n3A_54 = arith.constant 0 : i32
        %select_n3A_55 = arith.constant 1 : i32
        %select_n3A_56 = arith.select %select_n3A_53, %select_n3A_55, %select_n3A_54 : i32
        %eq3A_57 = arith.cmpi eq, %select_n3A_56, %select_n3A : i32
        %select_n3A_58 = arith.constant 0 : i32
        %select_n3A_59 = arith.select %eq3A_57, %select_n3A_58, %select_n3A_56 : i32
        %select_n3A_60 = arith.constant 0 : i32
        %select_n3A_61 = arith.constant 1 : i32
        %select_n3A_62 = arith.select %eq3A_57, %select_n3A_61, %select_n3A_60 : i32
        %eq3A_63 = arith.constant 8 : i32
        %eq3A_64 = arith.cmpi eq, %select_n3A_62, %eq3A_63 : i32
        %select_n3A_65 = arith.constant 0 : i32
        %select_n3A_66 = arith.select %eq3A_64, %select_n3A_65, %select_n3A_62 : i32
        %add3A_67 = arith.constant 0 : i32
        %add3A_68 = arith.addi %select_n3A_66, %add3A_67 : i32
        %add3A_69 = arith.addi %select_n3A_59, %select_n3A_14 : i32
        %add3A_70 = arith.constant 1 : i32
        %add3A_71 = arith.addi %select_n3A_59, %add3A_70 : i32
        %select_n3A_72 = arith.constant true
        %select_n3A_73 = arith.select %select_n3A_72, %add3A_71, %select_n3A_59 : i32
        %eq3A_74 = arith.cmpi eq, %select_n3A_73, %select_n3A : i32
        %select_n3A_75 = arith.constant 0 : i32
        %select_n3A_76 = arith.select %eq3A_74, %select_n3A_75, %select_n3A_73 : i32
        %add3A_77 = arith.constant 1 : i32
        %add3A_78 = arith.addi %select_n3A_66, %add3A_77 : i32
        %select_n3A_79 = arith.select %eq3A_74, %add3A_78, %select_n3A_66 : i32
        %eq3A_80 = arith.constant 8 : i32
        %eq3A_81 = arith.cmpi eq, %select_n3A_79, %eq3A_80 : i32
        %select_n3A_82 = arith.constant 0 : i32
        %select_n3A_83 = arith.select %eq3A_81, %select_n3A_82, %select_n3A_79 : i32
        %add3A_84 = arith.constant 0 : i32
        %add3A_85 = arith.addi %select_n3A_83, %add3A_84 : i32
        %add3A_86 = arith.addi %select_n3A_76, %select_n3A_14 : i32
        "tpu.trace_start"() <{level = 10 : i32, message = "ep_initialize_0"}> : () -> ()
        %rem3A = arith.constant 0 : i32
        %rem3A_87 = arith.constant 2 : i32
        %rem3A_88 = arith.remui %rem3A, %rem3A_87 : i32
        %mul3A_89 = arith.constant 48 : i32
        %mul3A_90 = arith.muli %mul3A_89, %add3A_33 : i32
        %dma_start3A = arith.constant 0 : i32
        %dma_start3A_91 = arith.constant 0 : i32
        %dma_start3A_92 = arith.constant 0 : i32
        %dma_start3A_93 = tpu.memref_slice %run_scoped3A[%rem3A_88, %dma_start3A, %dma_start3A_91, %dma_start3A_92] : memref<2x1x48x512xf32, #tpu.memory_space<vmem>> -> memref<1x1x48x512xf32, #tpu.memory_space<vmem>>
        %dma_start3A_94 = tpu.memref_squeeze %dma_start3A_93 : memref<1x1x48x512xf32, #tpu.memory_space<vmem>> -> memref<1x48x512xf32, #tpu.memory_space<vmem>>
        %dma_start3A_95 = arith.constant 0 : i32
        %dma_start3A_96 = arith.constant 0 : i32
        %dma_start3A_97 = tpu.memref_slice %arg2[%dma_start3A_95, %mul3A_90, %dma_start3A_96] : memref<128x768x512xf32, #tpu.memory_space<hbm>> -> memref<1x48x512xf32, #tpu.memory_space<hbm>>
        %dma_start3A_98 = tpu.memref_slice %run_scoped3A_17[%rem3A_88] : memref<2x!tpu.dma_semaphore, #tpu.memory_space<semaphore_mem>> -> memref<1x!tpu.dma_semaphore, #tpu.memory_space<semaphore_mem>>
        %dma_start3A_99 = tpu.memref_squeeze %dma_start3A_98 : memref<1x!tpu.dma_semaphore, #tpu.memory_space<semaphore_mem>> -> memref<!tpu.dma_semaphore, #tpu.memory_space<semaphore_mem>>
        %dma_start3A_100 = arith.constant 0 : i32
        %dma_start3A_101 = arith.constant 0 : i32
        %dma_start3A_102 = arith.constant 0 : i32
        %dma_start3A_103 = tpu.memref_slice %run_scoped3A[%rem3A_88, %dma_start3A_100, %dma_start3A_101, %dma_start3A_102] : memref<2x1x48x512xf32, #tpu.memory_space<vmem>> -> memref<1x1x48x512xf32, #tpu.memory_space<vmem>>
        %dma_start3A_104 = tpu.memref_squeeze %dma_start3A_103 : memref<1x1x48x512xf32, #tpu.memory_space<vmem>> -> memref<1x48x512xf32, #tpu.memory_space<vmem>>
        %dma_start3A_105 = arith.constant 0 : i32
        %dma_start3A_106 = arith.constant 0 : i32
        %dma_start3A_107 = tpu.memref_slice %arg2[%dma_start3A_105, %mul3A_90, %dma_start3A_106] : memref<128x768x512xf32, #tpu.memory_space<hbm>> -> memref<1x48x512xf32, #tpu.memory_space<hbm>>
        tpu.enqueue_dma source(%dma_start3A_107 : memref<1x48x512xf32, #tpu.memory_space<hbm>>) target(%dma_start3A_104 : memref<1x48x512xf32, #tpu.memory_space<vmem>>) target_semaphore(%dma_start3A_99 : memref<!tpu.dma_semaphore, #tpu.memory_space<semaphore_mem>>)
        %add3A_108 = arith.constant 0 : i32
        %add3A_109 = arith.constant 1 : i32
        %add3A_110 = arith.addi %add3A_108, %add3A_109 : i32
        %select_n3A_111 = arith.constant true
        %select_n3A_112 = arith.constant 0 : i32
        %select_n3A_113 = arith.select %select_n3A_111, %add3A_110, %select_n3A_112 : i32
        %rem3A_114 = arith.constant 0 : i32
        %rem3A_115 = arith.constant 2 : i32
        %rem3A_116 = arith.remui %rem3A_114, %rem3A_115 : i32
        %dma_start3A_117 = arith.constant 0 : i32
        %dma_start3A_118 = arith.constant 0 : i32
        %dma_start3A_119 = tpu.memref_slice %run_scoped3A_18[%rem3A_116, %dma_start3A_117, %dma_start3A_118] : memref<2x1x512xi32, #tpu.memory_space<vmem>> -> memref<1x1x512xi32, #tpu.memory_space<vmem>>
        %dma_start3A_120 = tpu.memref_squeeze %dma_start3A_119 : memref<1x1x512xi32, #tpu.memory_space<vmem>> -> memref<1x512xi32, #tpu.memory_space<vmem>>
        %dma_start3A_121 = arith.constant 0 : i32
        %dma_start3A_122 = arith.constant 0 : i32
        %dma_start3A_123 = tpu.memref_slice %arg3[%dma_start3A_121, %dma_start3A_122] : memref<128x512xi32, #tpu.memory_space<hbm>> -> memref<1x512xi32, #tpu.memory_space<hbm>>
        %dma_start3A_124 = tpu.memref_slice %run_scoped3A_19[%rem3A_116] : memref<2x!tpu.dma_semaphore, #tpu.memory_space<semaphore_mem>> -> memref<1x!tpu.dma_semaphore, #tpu.memory_space<semaphore_mem>>
        %dma_start3A_125 = tpu.memref_squeeze %dma_start3A_124 : memref<1x!tpu.dma_semaphore, #tpu.memory_space<semaphore_mem>> -> memref<!tpu.dma_semaphore, #tpu.memory_space<semaphore_mem>>
        %dma_start3A_126 = arith.constant 0 : i32
        %dma_start3A_127 = arith.constant 0 : i32
        %dma_start3A_128 = tpu.memref_slice %run_scoped3A_18[%rem3A_116, %dma_start3A_126, %dma_start3A_127] : memref<2x1x512xi32, #tpu.memory_space<vmem>> -> memref<1x1x512xi32, #tpu.memory_space<vmem>>
        %dma_start3A_129 = tpu.memref_squeeze %dma_start3A_128 : memref<1x1x512xi32, #tpu.memory_space<vmem>> -> memref<1x512xi32, #tpu.memory_space<vmem>>
        %dma_start3A_130 = arith.constant 0 : i32
        %dma_start3A_131 = arith.constant 0 : i32
        %dma_start3A_132 = tpu.memref_slice %arg3[%dma_start3A_130, %dma_start3A_131] : memref<128x512xi32, #tpu.memory_space<hbm>> -> memref<1x512xi32, #tpu.memory_space<hbm>>
        tpu.enqueue_dma source(%dma_start3A_132 : memref<1x512xi32, #tpu.memory_space<hbm>>) target(%dma_start3A_129 : memref<1x512xi32, #tpu.memory_space<vmem>>) target_semaphore(%dma_start3A_125 : memref<!tpu.dma_semaphore, #tpu.memory_space<semaphore_mem>>)
        %add3A_133 = arith.constant 0 : i32
        %add3A_134 = arith.constant 1 : i32
        %add3A_135 = arith.addi %add3A_133, %add3A_134 : i32
        %select_n3A_136 = arith.constant true
        %select_n3A_137 = arith.constant 0 : i32
        %select_n3A_138 = arith.select %select_n3A_136, %add3A_135, %select_n3A_137 : i32
        %while3A = arith.constant 0 : i32
        %while3A_139 = arith.constant 0 : i32
        %while3A_140 = arith.constant 0 : i32
        %while3A_141 = arith.constant 0 : i32
        %while3A_142 = arith.constant 0 : i32
        %while3A_143 = arith.constant 0 : i32
        %while3A_144 = arith.constant 0 : i32
        %while3A_145 = arith.constant 0 : i32
        %while3A_146 = arith.constant 0 : i32
        %while3A_147 = arith.constant 0 : i32
        %while3A_148 = arith.constant 0 : i32
        "tpu.trace_stop"() : () -> ()
        %while3A_149 = arith.subi %mul3A_16, %while3A : i32
        %while3A_150 = arith.addi %while3A, %while3A_149 : i32
        %while3A_151 = arith.constant 1 : i32
        %while3A_152 = arith.divsi %while3A_149, %while3A_151 : i32
        %while3A_153 = arith.muli %while3A_152, %while3A_151 : i32
        %while3A_154 = arith.addi %while3A, %while3A_153 : i32
        %while3A_155 = arith.constant 1 : i32
        %while3A_156:12 = scf.for %while3A_255 = %while3A to %while3A_154 step %while3A_155 iter_args(%while3A_256 = %select_n3A_113, %while3A_257 = %while3A_139, %while3A_258 = %select_n3A_138, %while3A_259 = %while3A_140, %while3A_260 = %while3A_141, %while3A_261 = %while3A_142, %while3A_262 = %while3A_143, %while3A_263 = %while3A_144, %while3A_264 = %while3A_145, %while3A_265 = %while3A_146, %while3A_266 = %while3A_147, %while3A_267 = %while3A_148) -> (i32, i32, i32, i32, i32, i32, i32, i32, i32, i32, i32, i32)  : i32 {
          %mul3A_268 = arith.constant 8 : i32
          %mul3A_269 = arith.muli %mul3A_268, %select_n3A : i32
          %eq3A_270 = arith.constant 0 : i32
          %eq3A_271 = arith.cmpi eq, %while3A_255, %eq3A_270 : i32
          %sub3A_272 = arith.constant 1 : i32
          %sub3A_273 = arith.subi %mul3A_269, %sub3A_272 : i32
          %eq3A_274 = arith.cmpi eq, %while3A_255, %sub3A_273 : i32
          %add3A_275 = arith.constant 0 : i32
          %add3A_276 = arith.addi %while3A_266, %add3A_275 : i32
          %add3A_277 = arith.addi %while3A_267, %select_n3A_14 : i32
          %sub3A_278 = arith.constant 1 : i32
          %sub3A_279 = arith.subi %while3A_267, %sub3A_278 : i32
          %select_n3A_280 = arith.constant true
          %select_n3A_281 = arith.select %select_n3A_280, %sub3A_279, %while3A_267 : i32
          %eq3A_282 = arith.constant -1 : i32
          %eq3A_283 = arith.cmpi eq, %select_n3A_281, %eq3A_282 : i32
          %sub3A_284 = arith.constant 1 : i32
          %sub3A_285 = arith.subi %select_n3A, %sub3A_284 : i32
          %select_n3A_286 = arith.select %eq3A_283, %sub3A_285, %select_n3A_281 : i32
          %sub3A_287 = arith.constant 1 : i32
          %sub3A_288 = arith.subi %while3A_266, %sub3A_287 : i32
          %select_n3A_289 = arith.select %eq3A_283, %sub3A_288, %while3A_266 : i32
          %eq3A_290 = arith.constant -1 : i32
          %eq3A_291 = arith.cmpi eq, %select_n3A_289, %eq3A_290 : i32
          %select_n3A_292 = arith.constant 7 : i32
          %select_n3A_293 = arith.select %eq3A_291, %select_n3A_292, %select_n3A_289 : i32
          %add3A_294 = arith.constant 0 : i32
          %add3A_295 = arith.addi %select_n3A_293, %add3A_294 : i32
          %add3A_296 = arith.addi %select_n3A_286, %select_n3A_14 : i32
          %add3A_297 = arith.constant 1 : i32
          %add3A_298 = arith.addi %while3A_267, %add3A_297 : i32
          %select_n3A_299 = arith.constant true
          %select_n3A_300 = arith.select %select_n3A_299, %add3A_298, %while3A_267 : i32
          %eq3A_301 = arith.cmpi eq, %select_n3A_300, %select_n3A : i32
          %select_n3A_302 = arith.constant 0 : i32
          %select_n3A_303 = arith.select %eq3A_301, %select_n3A_302, %select_n3A_300 : i32
          %add3A_304 = arith.constant 1 : i32
          %add3A_305 = arith.addi %while3A_266, %add3A_304 : i32
          %select_n3A_306 = arith.select %eq3A_301, %add3A_305, %while3A_266 : i32
          %eq3A_307 = arith.constant 8 : i32
          %eq3A_308 = arith.cmpi eq, %select_n3A_306, %eq3A_307 : i32
          %select_n3A_309 = arith.constant 0 : i32
          %select_n3A_310 = arith.select %eq3A_308, %select_n3A_309, %select_n3A_306 : i32
          %add3A_311 = arith.constant 0 : i32
          %add3A_312 = arith.addi %select_n3A_310, %add3A_311 : i32
          %add3A_313 = arith.addi %select_n3A_303, %select_n3A_14 : i32
          %add3A_314 = arith.constant 1 : i32
          %add3A_315 = arith.addi %select_n3A_303, %add3A_314 : i32
          %select_n3A_316 = arith.constant true
          %select_n3A_317 = arith.select %select_n3A_316, %add3A_315, %select_n3A_303 : i32
          %eq3A_318 = arith.cmpi eq, %select_n3A_317, %select_n3A : i32
          %select_n3A_319 = arith.constant 0 : i32
          %select_n3A_320 = arith.select %eq3A_318, %select_n3A_319, %select_n3A_317 : i32
          %add3A_321 = arith.constant 1 : i32
          %add3A_322 = arith.addi %select_n3A_310, %add3A_321 : i32
          %select_n3A_323 = arith.select %eq3A_318, %add3A_322, %select_n3A_310 : i32
          %eq3A_324 = arith.constant 8 : i32
          %eq3A_325 = arith.cmpi eq, %select_n3A_323, %eq3A_324 : i32
          %select_n3A_326 = arith.constant 0 : i32
          %select_n3A_327 = arith.select %eq3A_325, %select_n3A_326, %select_n3A_323 : i32
          %add3A_328 = arith.constant 0 : i32
          %add3A_329 = arith.addi %select_n3A_327, %add3A_328 : i32
          %add3A_330 = arith.addi %select_n3A_320, %select_n3A_14 : i32
          %ne3A = arith.cmpi ne, %add3A_276, %add3A_312 : i32
          %ne3A_331 = arith.cmpi ne, %add3A_277, %add3A_313 : i32
          %or3A = arith.constant false
          %or3A_332 = arith.ori %or3A, %ne3A : i1
          %or3A_333 = arith.ori %or3A_332, %ne3A_331 : i1
          %or3A_334 = arith.constant false
          %or3A_335 = arith.ori %or3A_333, %or3A_334 : i1
          %sub3A_336 = arith.constant 2 : i32
          %sub3A_337 = arith.subi %mul3A_269, %sub3A_336 : i32
          %add3A_338 = arith.constant 1 : i32
          %add3A_339 = arith.addi %sub3A_337, %add3A_338 : i32
          %ge3A = arith.cmpi sge, %while3A_255, %add3A_339 : i32
          %not3A = arith.constant true
          %not3A_340 = arith.xori %ge3A, %not3A : i1
          %and3A = arith.andi %or3A_335, %not3A_340 : i1
          %convert_element_type3A_341 = arith.extui %and3A : i1 to i32
          %cond3A_342 = arith.constant 0 : i32
          %cond3A_343 = arith.cmpi ne, %convert_element_type3A_341, %cond3A_342 : i32
          scf.if %cond3A_343 {
            "tpu.trace_start"() <{level = 10 : i32, message = "ep_copy_in"}> : () -> ()
            %rem3A_805 = arith.constant 2 : i32
            %rem3A_806 = arith.remui %while3A_256, %rem3A_805 : i32
            %mul3A_807 = arith.constant 1 : i32
            %mul3A_808 = arith.muli %mul3A_807, %add3A_312 : i32
            %mul3A_809 = arith.constant 48 : i32
            %mul3A_810 = arith.muli %mul3A_809, %add3A_313 : i32
            %dma_start3A_811 = arith.constant 0 : i32
            %dma_start3A_812 = arith.constant 0 : i32
            %dma_start3A_813 = arith.constant 0 : i32
            %dma_start3A_814 = tpu.memref_slice %run_scoped3A[%rem3A_806, %dma_start3A_811, %dma_start3A_812, %dma_start3A_813] : memref<2x1x48x512xf32, #tpu.memory_space<vmem>> -> memref<1x1x48x512xf32, #tpu.memory_space<vmem>>
            %dma_start3A_815 = tpu.memref_squeeze %dma_start3A_814 : memref<1x1x48x512xf32, #tpu.memory_space<vmem>> -> memref<1x48x512xf32, #tpu.memory_space<vmem>>
            %dma_start3A_816 = arith.constant 0 : i32
            %dma_start3A_817 = tpu.memref_slice %arg2[%mul3A_808, %mul3A_810, %dma_start3A_816] : memref<128x768x512xf32, #tpu.memory_space<hbm>> -> memref<1x48x512xf32, #tpu.memory_space<hbm>>
            %dma_start3A_818 = tpu.memref_slice %run_scoped3A_17[%rem3A_806] : memref<2x!tpu.dma_semaphore, #tpu.memory_space<semaphore_mem>> -> memref<1x!tpu.dma_semaphore, #tpu.memory_space<semaphore_mem>>
            %dma_start3A_819 = tpu.memref_squeeze %dma_start3A_818 : memref<1x!tpu.dma_semaphore, #tpu.memory_space<semaphore_mem>> -> memref<!tpu.dma_semaphore, #tpu.memory_space<semaphore_mem>>
            %dma_start3A_820 = arith.constant 0 : i32
            %dma_start3A_821 = arith.constant 0 : i32
            %dma_start3A_822 = arith.constant 0 : i32
            %dma_start3A_823 = tpu.memref_slice %run_scoped3A[%rem3A_806, %dma_start3A_820, %dma_start3A_821, %dma_start3A_822] : memref<2x1x48x512xf32, #tpu.memory_space<vmem>> -> memref<1x1x48x512xf32, #tpu.memory_space<vmem>>
            %dma_start3A_824 = tpu.memref_squeeze %dma_start3A_823 : memref<1x1x48x512xf32, #tpu.memory_space<vmem>> -> memref<1x48x512xf32, #tpu.memory_space<vmem>>
            %dma_start3A_825 = arith.constant 0 : i32
            %dma_start3A_826 = tpu.memref_slice %arg2[%mul3A_808, %mul3A_810, %dma_start3A_825] : memref<128x768x512xf32, #tpu.memory_space<hbm>> -> memref<1x48x512xf32, #tpu.memory_space<hbm>>
            tpu.enqueue_dma source(%dma_start3A_826 : memref<1x48x512xf32, #tpu.memory_space<hbm>>) target(%dma_start3A_824 : memref<1x48x512xf32, #tpu.memory_space<vmem>>) target_semaphore(%dma_start3A_819 : memref<!tpu.dma_semaphore, #tpu.memory_space<semaphore_mem>>)
            "tpu.trace_stop"() : () -> ()
          } else {
          }
          %and3A_344 = arith.constant true
          %and3A_345 = arith.andi %and3A, %and3A_344 : i1
          %add3A_346 = arith.constant 1 : i32
          %add3A_347 = arith.addi %while3A_256, %add3A_346 : i32
          %select_n3A_348 = arith.select %and3A_345, %add3A_347, %while3A_256 : i32
          %ne3A_349 = arith.cmpi ne, %add3A_276, %add3A_312 : i32
          %or3A_350 = arith.constant false
          %or3A_351 = arith.ori %or3A_350, %ne3A_349 : i1
          %or3A_352 = arith.constant false
          %or3A_353 = arith.ori %or3A_351, %or3A_352 : i1
          %sub3A_354 = arith.constant 2 : i32
          %sub3A_355 = arith.subi %mul3A_269, %sub3A_354 : i32
          %add3A_356 = arith.constant 1 : i32
          %add3A_357 = arith.addi %sub3A_355, %add3A_356 : i32
          %ge3A_358 = arith.cmpi sge, %while3A_255, %add3A_357 : i32
          %not3A_359 = arith.constant true
          %not3A_360 = arith.xori %ge3A_358, %not3A_359 : i1
          %and3A_361 = arith.andi %or3A_353, %not3A_360 : i1
          %convert_element_type3A_362 = arith.extui %and3A_361 : i1 to i32
          %cond3A_363 = arith.constant 0 : i32
          %cond3A_364 = arith.cmpi ne, %convert_element_type3A_362, %cond3A_363 : i32
          scf.if %cond3A_364 {
            "tpu.trace_start"() <{level = 10 : i32, message = "ep_copy_in"}> : () -> ()
            %rem3A_805 = arith.constant 2 : i32
            %rem3A_806 = arith.remui %while3A_258, %rem3A_805 : i32
            %mul3A_807 = arith.constant 1 : i32
            %mul3A_808 = arith.muli %mul3A_807, %add3A_312 : i32
            %dma_start3A_809 = arith.constant 0 : i32
            %dma_start3A_810 = arith.constant 0 : i32
            %dma_start3A_811 = tpu.memref_slice %run_scoped3A_18[%rem3A_806, %dma_start3A_809, %dma_start3A_810] : memref<2x1x512xi32, #tpu.memory_space<vmem>> -> memref<1x1x512xi32, #tpu.memory_space<vmem>>
            %dma_start3A_812 = tpu.memref_squeeze %dma_start3A_811 : memref<1x1x512xi32, #tpu.memory_space<vmem>> -> memref<1x512xi32, #tpu.memory_space<vmem>>
            %dma_start3A_813 = arith.constant 0 : i32
            %dma_start3A_814 = tpu.memref_slice %arg3[%mul3A_808, %dma_start3A_813] : memref<128x512xi32, #tpu.memory_space<hbm>> -> memref<1x512xi32, #tpu.memory_space<hbm>>
            %dma_start3A_815 = tpu.memref_slice %run_scoped3A_19[%rem3A_806] : memref<2x!tpu.dma_semaphore, #tpu.memory_space<semaphore_mem>> -> memref<1x!tpu.dma_semaphore, #tpu.memory_space<semaphore_mem>>
            %dma_start3A_816 = tpu.memref_squeeze %dma_start3A_815 : memref<1x!tpu.dma_semaphore, #tpu.memory_space<semaphore_mem>> -> memref<!tpu.dma_semaphore, #tpu.memory_space<semaphore_mem>>
            %dma_start3A_817 = arith.constant 0 : i32
            %dma_start3A_818 = arith.constant 0 : i32
            %dma_start3A_819 = tpu.memref_slice %run_scoped3A_18[%rem3A_806, %dma_start3A_817, %dma_start3A_818] : memref<2x1x512xi32, #tpu.memory_space<vmem>> -> memref<1x1x512xi32, #tpu.memory_space<vmem>>
            %dma_start3A_820 = tpu.memref_squeeze %dma_start3A_819 : memref<1x1x512xi32, #tpu.memory_space<vmem>> -> memref<1x512xi32, #tpu.memory_space<vmem>>
            %dma_start3A_821 = arith.constant 0 : i32
            %dma_start3A_822 = tpu.memref_slice %arg3[%mul3A_808, %dma_start3A_821] : memref<128x512xi32, #tpu.memory_space<hbm>> -> memref<1x512xi32, #tpu.memory_space<hbm>>
            tpu.enqueue_dma source(%dma_start3A_822 : memref<1x512xi32, #tpu.memory_space<hbm>>) target(%dma_start3A_820 : memref<1x512xi32, #tpu.memory_space<vmem>>) target_semaphore(%dma_start3A_816 : memref<!tpu.dma_semaphore, #tpu.memory_space<semaphore_mem>>)
            "tpu.trace_stop"() : () -> ()
          } else {
          }
          %and3A_365 = arith.constant true
          %and3A_366 = arith.andi %and3A_361, %and3A_365 : i1
          %add3A_367 = arith.constant 1 : i32
          %add3A_368 = arith.addi %while3A_258, %add3A_367 : i32
          %select_n3A_369 = arith.select %and3A_366, %add3A_368, %while3A_258 : i32
          %mul3A_370 = arith.constant 16 : i32
          %mul3A_371 = arith.muli %add3A_276, %mul3A_370 : i32
          %add3A_372 = arith.addi %mul3A_371, %add3A_277 : i32
          %mul3A_373 = arith.constant 16 : i32
          %mul3A_374 = arith.muli %add3A_312, %mul3A_373 : i32
          %add3A_375 = arith.addi %mul3A_374, %add3A_313 : i32
          %ne3A_376 = arith.cmpi ne, %add3A_372, %add3A_375 : i32
          %or3A_377 = arith.constant false
          %or3A_378 = arith.ori %or3A_377, %ne3A_376 : i1
          %sub3A_379 = arith.constant 2 : i32
          %sub3A_380 = arith.subi %mul3A_269, %sub3A_379 : i32
          %add3A_381 = arith.constant 1 : i32
          %add3A_382 = arith.addi %sub3A_380, %add3A_381 : i32
          %ge3A_383 = arith.cmpi sge, %while3A_255, %add3A_382 : i32
          %not3A_384 = arith.constant true
          %not3A_385 = arith.xori %ge3A_383, %not3A_384 : i1
          %and3A_386 = arith.andi %or3A_378, %not3A_385 : i1
          %mul3A_387 = arith.constant 16 : i32
          %mul3A_388 = arith.muli %add3A_276, %mul3A_387 : i32
          %add3A_389 = arith.addi %mul3A_388, %add3A_277 : i32
          %mul3A_390 = arith.constant 16 : i32
          %mul3A_391 = arith.muli %add3A_312, %mul3A_390 : i32
          %add3A_392 = arith.addi %mul3A_391, %add3A_313 : i32
          %ne3A_393 = arith.cmpi ne, %add3A_389, %add3A_392 : i32
          %or3A_394 = arith.constant false
          %or3A_395 = arith.ori %or3A_394, %ne3A_393 : i1
          %sub3A_396 = arith.constant 2 : i32
          %sub3A_397 = arith.subi %mul3A_269, %sub3A_396 : i32
          %add3A_398 = arith.constant 1 : i32
          %add3A_399 = arith.addi %sub3A_397, %add3A_398 : i32
          %ge3A_400 = arith.cmpi sge, %while3A_255, %add3A_399 : i32
          %not3A_401 = arith.constant true
          %not3A_402 = arith.xori %ge3A_400, %not3A_401 : i1
          %and3A_403 = arith.andi %or3A_395, %not3A_402 : i1
          %mul3A_404 = arith.constant 16 : i32
          %mul3A_405 = arith.muli %add3A_276, %mul3A_404 : i32
          %add3A_406 = arith.addi %mul3A_405, %add3A_277 : i32
          %mul3A_407 = arith.constant 16 : i32
          %mul3A_408 = arith.muli %add3A_312, %mul3A_407 : i32
          %add3A_409 = arith.addi %mul3A_408, %add3A_313 : i32
          %ne3A_410 = arith.cmpi ne, %add3A_406, %add3A_409 : i32
          %or3A_411 = arith.constant false
          %or3A_412 = arith.ori %or3A_411, %ne3A_410 : i1
          %sub3A_413 = arith.constant 2 : i32
          %sub3A_414 = arith.subi %mul3A_269, %sub3A_413 : i32
          %add3A_415 = arith.constant 1 : i32
          %add3A_416 = arith.addi %sub3A_414, %add3A_415 : i32
          %ge3A_417 = arith.cmpi sge, %while3A_255, %add3A_416 : i32
          %not3A_418 = arith.constant true
          %not3A_419 = arith.xori %ge3A_417, %not3A_418 : i1
          %and3A_420 = arith.andi %or3A_412, %not3A_419 : i1
          %ne3A_421 = arith.cmpi ne, %add3A_276, %add3A_295 : i32
          %ne3A_422 = arith.cmpi ne, %add3A_277, %add3A_296 : i32
          %or3A_423 = arith.constant false
          %or3A_424 = arith.ori %or3A_423, %ne3A_421 : i1
          %or3A_425 = arith.ori %or3A_424, %ne3A_422 : i1
          %or3A_426 = arith.constant false
          %or3A_427 = arith.ori %or3A_425, %or3A_426 : i1
          %or3A_428 = arith.ori %or3A_427, %eq3A_271 : i1
          %convert_element_type3A_429 = arith.extui %or3A_428 : i1 to i32
          %cond3A_430 = arith.constant 0 : i32
          %cond3A_431 = arith.cmpi ne, %convert_element_type3A_429, %cond3A_430 : i32
          scf.if %cond3A_431 {
            "tpu.trace_start"() <{level = 10 : i32, message = "ep_wait_in"}> : () -> ()
            %mul3A_805 = arith.constant 1 : i32
            %mul3A_806 = arith.muli %mul3A_805, %add3A_276 : i32
            %mul3A_807 = arith.constant 48 : i32
            %mul3A_808 = arith.muli %mul3A_807, %add3A_277 : i32
            %rem3A_809 = arith.constant 2 : i32
            %rem3A_810 = arith.remui %while3A_257, %rem3A_809 : i32
            %dma_wait3A = arith.constant 0 : i32
            %dma_wait3A_811 = arith.constant 0 : i32
            %dma_wait3A_812 = arith.constant 0 : i32
            %dma_wait3A_813 = tpu.memref_slice %run_scoped3A[%rem3A_810, %dma_wait3A, %dma_wait3A_811, %dma_wait3A_812] : memref<2x1x48x512xf32, #tpu.memory_space<vmem>> -> memref<1x1x48x512xf32, #tpu.memory_space<vmem>>
            %dma_wait3A_814 = tpu.memref_squeeze %dma_wait3A_813 : memref<1x1x48x512xf32, #tpu.memory_space<vmem>> -> memref<1x48x512xf32, #tpu.memory_space<vmem>>
            %dma_wait3A_815 = arith.constant 0 : i32
            %dma_wait3A_816 = tpu.memref_slice %arg2[%mul3A_806, %mul3A_808, %dma_wait3A_815] : memref<128x768x512xf32, #tpu.memory_space<hbm>> -> memref<1x48x512xf32, #tpu.memory_space<hbm>>
            %dma_wait3A_817 = tpu.memref_slice %run_scoped3A_17[%rem3A_810] : memref<2x!tpu.dma_semaphore, #tpu.memory_space<semaphore_mem>> -> memref<1x!tpu.dma_semaphore, #tpu.memory_space<semaphore_mem>>
            %dma_wait3A_818 = tpu.memref_squeeze %dma_wait3A_817 : memref<1x!tpu.dma_semaphore, #tpu.memory_space<semaphore_mem>> -> memref<!tpu.dma_semaphore, #tpu.memory_space<semaphore_mem>>
            %dma_wait3A_819 = arith.constant 0 : i32
            %dma_wait3A_820 = arith.constant 0 : i32
            %dma_wait3A_821 = arith.constant 0 : i32
            %dma_wait3A_822 = tpu.memref_slice %run_scoped3A[%rem3A_810, %dma_wait3A_819, %dma_wait3A_820, %dma_wait3A_821] : memref<2x1x48x512xf32, #tpu.memory_space<vmem>> -> memref<1x1x48x512xf32, #tpu.memory_space<vmem>>
            %dma_wait3A_823 = tpu.memref_squeeze %dma_wait3A_822 : memref<1x1x48x512xf32, #tpu.memory_space<vmem>> -> memref<1x48x512xf32, #tpu.memory_space<vmem>>
            %dma_wait3A_824 = arith.constant 0 : i32
            %dma_wait3A_825 = tpu.memref_slice %arg2[%mul3A_806, %mul3A_808, %dma_wait3A_824] : memref<128x768x512xf32, #tpu.memory_space<hbm>> -> memref<1x48x512xf32, #tpu.memory_space<hbm>>
            tpu.wait_dma2 semaphore(%dma_wait3A_818 : memref<!tpu.dma_semaphore, #tpu.memory_space<semaphore_mem>>) src(%dma_wait3A_825 : memref<1x48x512xf32, #tpu.memory_space<hbm>>) dst(%dma_wait3A_823 : memref<1x48x512xf32, #tpu.memory_space<vmem>>)
            "tpu.trace_stop"() : () -> ()
          } else {
          }
          %ne3A_432 = arith.cmpi ne, %add3A_276, %add3A_295 : i32
          %or3A_433 = arith.constant false
          %or3A_434 = arith.ori %or3A_433, %ne3A_432 : i1
          %or3A_435 = arith.constant false
          %or3A_436 = arith.ori %or3A_434, %or3A_435 : i1
          %or3A_437 = arith.ori %or3A_436, %eq3A_271 : i1
          %convert_element_type3A_438 = arith.extui %or3A_437 : i1 to i32
          %cond3A_439 = arith.constant 0 : i32
          %cond3A_440 = arith.cmpi ne, %convert_element_type3A_438, %cond3A_439 : i32
          scf.if %cond3A_440 {
            "tpu.trace_start"() <{level = 10 : i32, message = "ep_wait_in"}> : () -> ()
            %mul3A_805 = arith.constant 1 : i32
            %mul3A_806 = arith.muli %mul3A_805, %add3A_276 : i32
            %rem3A_807 = arith.constant 2 : i32
            %rem3A_808 = arith.remui %while3A_259, %rem3A_807 : i32
            %dma_wait3A = arith.constant 0 : i32
            %dma_wait3A_809 = arith.constant 0 : i32
            %dma_wait3A_810 = tpu.memref_slice %run_scoped3A_18[%rem3A_808, %dma_wait3A, %dma_wait3A_809] : memref<2x1x512xi32, #tpu.memory_space<vmem>> -> memref<1x1x512xi32, #tpu.memory_space<vmem>>
            %dma_wait3A_811 = tpu.memref_squeeze %dma_wait3A_810 : memref<1x1x512xi32, #tpu.memory_space<vmem>> -> memref<1x512xi32, #tpu.memory_space<vmem>>
            %dma_wait3A_812 = arith.constant 0 : i32
            %dma_wait3A_813 = tpu.memref_slice %arg3[%mul3A_806, %dma_wait3A_812] : memref<128x512xi32, #tpu.memory_space<hbm>> -> memref<1x512xi32, #tpu.memory_space<hbm>>
            %dma_wait3A_814 = tpu.memref_slice %run_scoped3A_19[%rem3A_808] : memref<2x!tpu.dma_semaphore, #tpu.memory_space<semaphore_mem>> -> memref<1x!tpu.dma_semaphore, #tpu.memory_space<semaphore_mem>>
            %dma_wait3A_815 = tpu.memref_squeeze %dma_wait3A_814 : memref<1x!tpu.dma_semaphore, #tpu.memory_space<semaphore_mem>> -> memref<!tpu.dma_semaphore, #tpu.memory_space<semaphore_mem>>
            %dma_wait3A_816 = arith.constant 0 : i32
            %dma_wait3A_817 = arith.constant 0 : i32
            %dma_wait3A_818 = tpu.memref_slice %run_scoped3A_18[%rem3A_808, %dma_wait3A_816, %dma_wait3A_817] : memref<2x1x512xi32, #tpu.memory_space<vmem>> -> memref<1x1x512xi32, #tpu.memory_space<vmem>>
            %dma_wait3A_819 = tpu.memref_squeeze %dma_wait3A_818 : memref<1x1x512xi32, #tpu.memory_space<vmem>> -> memref<1x512xi32, #tpu.memory_space<vmem>>
            %dma_wait3A_820 = arith.constant 0 : i32
            %dma_wait3A_821 = tpu.memref_slice %arg3[%mul3A_806, %dma_wait3A_820] : memref<128x512xi32, #tpu.memory_space<hbm>> -> memref<1x512xi32, #tpu.memory_space<hbm>>
            tpu.wait_dma2 semaphore(%dma_wait3A_815 : memref<!tpu.dma_semaphore, #tpu.memory_space<semaphore_mem>>) src(%dma_wait3A_821 : memref<1x512xi32, #tpu.memory_space<hbm>>) dst(%dma_wait3A_819 : memref<1x512xi32, #tpu.memory_space<vmem>>)
            "tpu.trace_stop"() : () -> ()
          } else {
          }
          %mul3A_441 = arith.constant 16 : i32
          %mul3A_442 = arith.muli %add3A_276, %mul3A_441 : i32
          %add3A_443 = arith.addi %mul3A_442, %add3A_277 : i32
          %mul3A_444 = arith.constant 16 : i32
          %mul3A_445 = arith.muli %add3A_295, %mul3A_444 : i32
          %add3A_446 = arith.addi %mul3A_445, %add3A_296 : i32
          %ne3A_447 = arith.cmpi ne, %add3A_443, %add3A_446 : i32
          %or3A_448 = arith.constant false
          %or3A_449 = arith.ori %or3A_448, %ne3A_447 : i1
          %or3A_450 = arith.ori %or3A_449, %eq3A_271 : i1
          %convert_element_type3A_451 = arith.extui %or3A_450 : i1 to i32
          %cond3A_452 = arith.constant 0 : i32
          %cond3A_453 = arith.cmpi ne, %convert_element_type3A_451, %cond3A_452 : i32
          scf.if %cond3A_453 {
          } else {
          }
          %mul3A_454 = arith.constant 16 : i32
          %mul3A_455 = arith.muli %add3A_276, %mul3A_454 : i32
          %add3A_456 = arith.addi %mul3A_455, %add3A_277 : i32
          %mul3A_457 = arith.constant 16 : i32
          %mul3A_458 = arith.muli %add3A_295, %mul3A_457 : i32
          %add3A_459 = arith.addi %mul3A_458, %add3A_296 : i32
          %ne3A_460 = arith.cmpi ne, %add3A_456, %add3A_459 : i32
          %or3A_461 = arith.constant false
          %or3A_462 = arith.ori %or3A_461, %ne3A_460 : i1
          %or3A_463 = arith.ori %or3A_462, %eq3A_271 : i1
          %convert_element_type3A_464 = arith.extui %or3A_463 : i1 to i32
          %cond3A_465 = arith.constant 0 : i32
          %cond3A_466 = arith.cmpi ne, %convert_element_type3A_464, %cond3A_465 : i32
          scf.if %cond3A_466 {
          } else {
          }
          %mul3A_467 = arith.constant 16 : i32
          %mul3A_468 = arith.muli %add3A_276, %mul3A_467 : i32
          %add3A_469 = arith.addi %mul3A_468, %add3A_277 : i32
          %mul3A_470 = arith.constant 16 : i32
          %mul3A_471 = arith.muli %add3A_295, %mul3A_470 : i32
          %add3A_472 = arith.addi %mul3A_471, %add3A_296 : i32
          %ne3A_473 = arith.cmpi ne, %add3A_469, %add3A_472 : i32
          %or3A_474 = arith.constant false
          %or3A_475 = arith.ori %or3A_474, %ne3A_473 : i1
          %or3A_476 = arith.ori %or3A_475, %eq3A_271 : i1
          %convert_element_type3A_477 = arith.extui %or3A_476 : i1 to i32
          %cond3A_478 = arith.constant 0 : i32
          %cond3A_479 = arith.cmpi ne, %convert_element_type3A_477, %cond3A_478 : i32
          scf.if %cond3A_479 {
          } else {
          }
          %rem3A_480 = arith.constant 2 : i32
          %rem3A_481 = arith.remui %while3A_257, %rem3A_480 : i32
          %rem3A_482 = arith.constant 2 : i32
          %rem3A_483 = arith.remui %while3A_259, %rem3A_482 : i32
          %rem3A_484 = arith.constant 2 : i32
          %rem3A_485 = arith.remui %while3A_260, %rem3A_484 : i32
          %mul3A_486 = arith.constant 48 : i32
          %mul3A_487 = arith.muli %rem3A_485, %mul3A_486 : i32
          %rem3A_488 = arith.constant 2 : i32
          %rem3A_489 = arith.remui %while3A_262, %rem3A_488 : i32
          %mul3A_490 = arith.constant 48 : i32
          %mul3A_491 = arith.muli %rem3A_489, %mul3A_490 : i32
          %rem3A_492 = arith.constant 2 : i32
          %rem3A_493 = arith.remui %while3A_264, %rem3A_492 : i32
          %mul3A_494 = arith.constant 48 : i32
          %mul3A_495 = arith.muli %rem3A_493, %mul3A_494 : i32
          "tpu.trace_start"() <{level = 10 : i32, message = "ep_run_kernel"}> : () -> ()
          %scan3A = arith.constant 0 : i32
          %scan3A_496 = arith.constant 8 : i32
          %scan3A_497 = arith.addi %scan3A, %scan3A_496 : i32
          %scan3A_498 = arith.constant 1 : i32
          scf.for %scan3A_805 = %scan3A to %scan3A_497 step %scan3A_498  : i32 {
            %mul3A_806 = arith.constant 1 : i32
            %mul3A_807 = arith.muli %scan3A_805, %mul3A_806 : i32
            %add3A_808 = arith.constant 0 : i32
            %add3A_809 = arith.addi %add3A_808, %mul3A_807 : i32
            %mul3A_810 = arith.constant 4 : i32
            %mul3A_811 = arith.muli %add3A_809, %mul3A_810 : i32
            %mul3A_812 = arith.constant 16 : i32
            %mul3A_813 = arith.muli %mul3A_811, %mul3A_812 : i32
            %add3A_814 = arith.constant 0 : i32
            %add3A_815 = arith.addi %mul3A_813, %add3A_814 : i32
            %get3A_816 = arith.constant 0 : i32
            %get3A_817 = arith.constant 0 : i32
            %get3A_818 = arith.constant 0 : i32
            %get3A_819 = tpu.memref_slice %run_scoped3A_18[%rem3A_483, %get3A_817, %get3A_818] : memref<2x1x512xi32, #tpu.memory_space<vmem>> -> memref<1x1x512xi32, #tpu.memory_space<vmem>>
            %get3A_820 = tpu.memref_squeeze %get3A_819 : memref<1x1x512xi32, #tpu.memory_space<vmem>> -> memref<1x512xi32, #tpu.memory_space<vmem>>
            %get3A_821 = arith.index_cast %get3A_816 : i32 to index
            %get3A_822 = arith.index_cast %add3A_815 : i32 to index
            %get3A_823 = tpu.vector_load %get3A_820[%get3A_821, %get3A_822] {strides = array<i32>} : memref<1x512xi32, #tpu.memory_space<vmem>>, vector<16xi32>,
            %eq3A_824 = arith.constant 1 : i32
            %eq3A_825 = vector.broadcast %eq3A_824 : i32 to vector<16xi32>
            %eq3A_826 = arith.cmpi eq, %get3A_823, %eq3A_825 : vector<16xi32>
            %jit3A_827 = arith.constant 0.000000e+00 : f32
            %jit3A_828 = arith.constant -1.000000e+02 : f32
            %broadcast_in_dim3A = vector.broadcast %jit3A_827 : f32 to vector<16xf32>
            %broadcast_in_dim3A_829 = vector.broadcast %jit3A_828 : f32 to vector<16xf32>
            %select_n3A_830 = arith.select %eq3A_826, %broadcast_in_dim3A, %broadcast_in_dim3A_829 : vector<16xi1>, vector<16xf32>
            %swap3A_831 = arith.constant 0 : i32
            %swap3A_832 = arith.index_cast %swap3A_831 : i32 to index
            %swap3A_833 = arith.index_cast %add3A_815 : i32 to index
            %swap3A_834 = tpu.vector_load %arg7[%swap3A_832, %swap3A_833] {strides = array<i32>} : memref<3x512xf32, #tpu.memory_space<vmem>>, vector<16xf32>,
            tpu.vector_store %arg7[%swap3A_832, %swap3A_833], %select_n3A_830 {strides = array<i32>} : memref<3x512xf32, #tpu.memory_space<vmem>>, vector<16xf32>,
            %eq3A_835 = arith.constant 2 : i32
            %eq3A_836 = vector.broadcast %eq3A_835 : i32 to vector<16xi32>
            %eq3A_837 = arith.cmpi eq, %get3A_823, %eq3A_836 : vector<16xi32>
            %jit3A_838 = arith.constant 0.000000e+00 : f32
            %jit3A_839 = arith.constant -1.000000e+02 : f32
            %broadcast_in_dim3A_840 = vector.broadcast %jit3A_838 : f32 to vector<16xf32>
            %broadcast_in_dim3A_841 = vector.broadcast %jit3A_839 : f32 to vector<16xf32>
            %select_n3A_842 = arith.select %eq3A_837, %broadcast_in_dim3A_840, %broadcast_in_dim3A_841 : vector<16xi1>, vector<16xf32>
            %swap3A_843 = arith.constant 1 : i32
            %swap3A_844 = arith.index_cast %swap3A_843 : i32 to index
            %swap3A_845 = arith.index_cast %add3A_815 : i32 to index
            %swap3A_846 = tpu.vector_load %arg7[%swap3A_844, %swap3A_845] {strides = array<i32>} : memref<3x512xf32, #tpu.memory_space<vmem>>, vector<16xf32>,
            tpu.vector_store %arg7[%swap3A_844, %swap3A_845], %select_n3A_842 {strides = array<i32>} : memref<3x512xf32, #tpu.memory_space<vmem>>, vector<16xf32>,
            %eq3A_847 = arith.constant 3 : i32
            %eq3A_848 = vector.broadcast %eq3A_847 : i32 to vector<16xi32>
            %eq3A_849 = arith.cmpi eq, %get3A_823, %eq3A_848 : vector<16xi32>
            %jit3A_850 = arith.constant 0.000000e+00 : f32
            %jit3A_851 = arith.constant -1.000000e+02 : f32
            %broadcast_in_dim3A_852 = vector.broadcast %jit3A_850 : f32 to vector<16xf32>
            %broadcast_in_dim3A_853 = vector.broadcast %jit3A_851 : f32 to vector<16xf32>
            %select_n3A_854 = arith.select %eq3A_849, %broadcast_in_dim3A_852, %broadcast_in_dim3A_853 : vector<16xi1>, vector<16xf32>
            %swap3A_855 = arith.constant 2 : i32
            %swap3A_856 = arith.index_cast %swap3A_855 : i32 to index
            %swap3A_857 = arith.index_cast %add3A_815 : i32 to index
            %swap3A_858 = tpu.vector_load %arg7[%swap3A_856, %swap3A_857] {strides = array<i32>} : memref<3x512xf32, #tpu.memory_space<vmem>>, vector<16xf32>,
            tpu.vector_store %arg7[%swap3A_856, %swap3A_857], %select_n3A_854 {strides = array<i32>} : memref<3x512xf32, #tpu.memory_space<vmem>>, vector<16xf32>,
            %mul3A_859 = arith.constant 4 : i32
            %mul3A_860 = arith.muli %add3A_809, %mul3A_859 : i32
            %mul3A_861 = arith.constant 16 : i32
            %mul3A_862 = arith.muli %mul3A_860, %mul3A_861 : i32
            %add3A_863 = arith.constant 16 : i32
            %add3A_864 = arith.addi %mul3A_862, %add3A_863 : i32
            %get3A_865 = arith.constant 0 : i32
            %get3A_866 = arith.constant 0 : i32
            %get3A_867 = arith.constant 0 : i32
            %get3A_868 = tpu.memref_slice %run_scoped3A_18[%rem3A_483, %get3A_866, %get3A_867] : memref<2x1x512xi32, #tpu.memory_space<vmem>> -> memref<1x1x512xi32, #tpu.memory_space<vmem>>
            %get3A_869 = tpu.memref_squeeze %get3A_868 : memref<1x1x512xi32, #tpu.memory_space<vmem>> -> memref<1x512xi32, #tpu.memory_space<vmem>>
            %get3A_870 = arith.index_cast %get3A_865 : i32 to index
            %get3A_871 = arith.index_cast %add3A_864 : i32 to index
            %get3A_872 = tpu.vector_load %get3A_869[%get3A_870, %get3A_871] {strides = array<i32>} : memref<1x512xi32, #tpu.memory_space<vmem>>, vector<16xi32>,
            %eq3A_873 = arith.constant 1 : i32
            %eq3A_874 = vector.broadcast %eq3A_873 : i32 to vector<16xi32>
            %eq3A_875 = arith.cmpi eq, %get3A_872, %eq3A_874 : vector<16xi32>
            %jit3A_876 = arith.constant 0.000000e+00 : f32
            %jit3A_877 = arith.constant -1.000000e+02 : f32
            %broadcast_in_dim3A_878 = vector.broadcast %jit3A_876 : f32 to vector<16xf32>
            %broadcast_in_dim3A_879 = vector.broadcast %jit3A_877 : f32 to vector<16xf32>
            %select_n3A_880 = arith.select %eq3A_875, %broadcast_in_dim3A_878, %broadcast_in_dim3A_879 : vector<16xi1>, vector<16xf32>
            %swap3A_881 = arith.constant 0 : i32
            %swap3A_882 = arith.index_cast %swap3A_881 : i32 to index
            %swap3A_883 = arith.index_cast %add3A_864 : i32 to index
            %swap3A_884 = tpu.vector_load %arg7[%swap3A_882, %swap3A_883] {strides = array<i32>} : memref<3x512xf32, #tpu.memory_space<vmem>>, vector<16xf32>,
            tpu.vector_store %arg7[%swap3A_882, %swap3A_883], %select_n3A_880 {strides = array<i32>} : memref<3x512xf32, #tpu.memory_space<vmem>>, vector<16xf32>,
            %eq3A_885 = arith.constant 2 : i32
            %eq3A_886 = vector.broadcast %eq3A_885 : i32 to vector<16xi32>
            %eq3A_887 = arith.cmpi eq, %get3A_872, %eq3A_886 : vector<16xi32>
            %jit3A_888 = arith.constant 0.000000e+00 : f32
            %jit3A_889 = arith.constant -1.000000e+02 : f32
            %broadcast_in_dim3A_890 = vector.broadcast %jit3A_888 : f32 to vector<16xf32>
            %broadcast_in_dim3A_891 = vector.broadcast %jit3A_889 : f32 to vector<16xf32>
            %select_n3A_892 = arith.select %eq3A_887, %broadcast_in_dim3A_890, %broadcast_in_dim3A_891 : vector<16xi1>, vector<16xf32>
            %swap3A_893 = arith.constant 1 : i32
            %swap3A_894 = arith.index_cast %swap3A_893 : i32 to index
            %swap3A_895 = arith.index_cast %add3A_864 : i32 to index
            %swap3A_896 = tpu.vector_load %arg7[%swap3A_894, %swap3A_895] {strides = array<i32>} : memref<3x512xf32, #tpu.memory_space<vmem>>, vector<16xf32>,
            tpu.vector_store %arg7[%swap3A_894, %swap3A_895], %select_n3A_892 {strides = array<i32>} : memref<3x512xf32, #tpu.memory_space<vmem>>, vector<16xf32>,
            %eq3A_897 = arith.constant 3 : i32
            %eq3A_898 = vector.broadcast %eq3A_897 : i32 to vector<16xi32>
            %eq3A_899 = arith.cmpi eq, %get3A_872, %eq3A_898 : vector<16xi32>
            %jit3A_900 = arith.constant 0.000000e+00 : f32
            %jit3A_901 = arith.constant -1.000000e+02 : f32
            %broadcast_in_dim3A_902 = vector.broadcast %jit3A_900 : f32 to vector<16xf32>
            %broadcast_in_dim3A_903 = vector.broadcast %jit3A_901 : f32 to vector<16xf32>
            %select_n3A_904 = arith.select %eq3A_899, %broadcast_in_dim3A_902, %broadcast_in_dim3A_903 : vector<16xi1>, vector<16xf32>
            %swap3A_905 = arith.constant 2 : i32
            %swap3A_906 = arith.index_cast %swap3A_905 : i32 to index
            %swap3A_907 = arith.index_cast %add3A_864 : i32 to index
            %swap3A_908 = tpu.vector_load %arg7[%swap3A_906, %swap3A_907] {strides = array<i32>} : memref<3x512xf32, #tpu.memory_space<vmem>>, vector<16xf32>,
            tpu.vector_store %arg7[%swap3A_906, %swap3A_907], %select_n3A_904 {strides = array<i32>} : memref<3x512xf32, #tpu.memory_space<vmem>>, vector<16xf32>,
            %mul3A_909 = arith.constant 4 : i32
            %mul3A_910 = arith.muli %add3A_809, %mul3A_909 : i32
            %mul3A_911 = arith.constant 16 : i32
            %mul3A_912 = arith.muli %mul3A_910, %mul3A_911 : i32
            %add3A_913 = arith.constant 32 : i32
            %add3A_914 = arith.addi %mul3A_912, %add3A_913 : i32
            %get3A_915 = arith.constant 0 : i32
            %get3A_916 = arith.constant 0 : i32
            %get3A_917 = arith.constant 0 : i32
            %get3A_918 = tpu.memref_slice %run_scoped3A_18[%rem3A_483, %get3A_916, %get3A_917] : memref<2x1x512xi32, #tpu.memory_space<vmem>> -> memref<1x1x512xi32, #tpu.memory_space<vmem>>
            %get3A_919 = tpu.memref_squeeze %get3A_918 : memref<1x1x512xi32, #tpu.memory_space<vmem>> -> memref<1x512xi32, #tpu.memory_space<vmem>>
            %get3A_920 = arith.index_cast %get3A_915 : i32 to index
            %get3A_921 = arith.index_cast %add3A_914 : i32 to index
            %get3A_922 = tpu.vector_load %get3A_919[%get3A_920, %get3A_921] {strides = array<i32>} : memref<1x512xi32, #tpu.memory_space<vmem>>, vector<16xi32>,
            %eq3A_923 = arith.constant 1 : i32
            %eq3A_924 = vector.broadcast %eq3A_923 : i32 to vector<16xi32>
            %eq3A_925 = arith.cmpi eq, %get3A_922, %eq3A_924 : vector<16xi32>
            %jit3A_926 = arith.constant 0.000000e+00 : f32
            %jit3A_927 = arith.constant -1.000000e+02 : f32
            %broadcast_in_dim3A_928 = vector.broadcast %jit3A_926 : f32 to vector<16xf32>
            %broadcast_in_dim3A_929 = vector.broadcast %jit3A_927 : f32 to vector<16xf32>
            %select_n3A_930 = arith.select %eq3A_925, %broadcast_in_dim3A_928, %broadcast_in_dim3A_929 : vector<16xi1>, vector<16xf32>
            %swap3A_931 = arith.constant 0 : i32
            %swap3A_932 = arith.index_cast %swap3A_931 : i32 to index
            %swap3A_933 = arith.index_cast %add3A_914 : i32 to index
            %swap3A_934 = tpu.vector_load %arg7[%swap3A_932, %swap3A_933] {strides = array<i32>} : memref<3x512xf32, #tpu.memory_space<vmem>>, vector<16xf32>,
            tpu.vector_store %arg7[%swap3A_932, %swap3A_933], %select_n3A_930 {strides = array<i32>} : memref<3x512xf32, #tpu.memory_space<vmem>>, vector<16xf32>,
            %eq3A_935 = arith.constant 2 : i32
            %eq3A_936 = vector.broadcast %eq3A_935 : i32 to vector<16xi32>
            %eq3A_937 = arith.cmpi eq, %get3A_922, %eq3A_936 : vector<16xi32>
            %jit3A_938 = arith.constant 0.000000e+00 : f32
            %jit3A_939 = arith.constant -1.000000e+02 : f32
            %broadcast_in_dim3A_940 = vector.broadcast %jit3A_938 : f32 to vector<16xf32>
            %broadcast_in_dim3A_941 = vector.broadcast %jit3A_939 : f32 to vector<16xf32>
            %select_n3A_942 = arith.select %eq3A_937, %broadcast_in_dim3A_940, %broadcast_in_dim3A_941 : vector<16xi1>, vector<16xf32>
            %swap3A_943 = arith.constant 1 : i32
            %swap3A_944 = arith.index_cast %swap3A_943 : i32 to index
            %swap3A_945 = arith.index_cast %add3A_914 : i32 to index
            %swap3A_946 = tpu.vector_load %arg7[%swap3A_944, %swap3A_945] {strides = array<i32>} : memref<3x512xf32, #tpu.memory_space<vmem>>, vector<16xf32>,
            tpu.vector_store %arg7[%swap3A_944, %swap3A_945], %select_n3A_942 {strides = array<i32>} : memref<3x512xf32, #tpu.memory_space<vmem>>, vector<16xf32>,
            %eq3A_947 = arith.constant 3 : i32
            %eq3A_948 = vector.broadcast %eq3A_947 : i32 to vector<16xi32>
            %eq3A_949 = arith.cmpi eq, %get3A_922, %eq3A_948 : vector<16xi32>
            %jit3A_950 = arith.constant 0.000000e+00 : f32
            %jit3A_951 = arith.constant -1.000000e+02 : f32
            %broadcast_in_dim3A_952 = vector.broadcast %jit3A_950 : f32 to vector<16xf32>
            %broadcast_in_dim3A_953 = vector.broadcast %jit3A_951 : f32 to vector<16xf32>
            %select_n3A_954 = arith.select %eq3A_949, %broadcast_in_dim3A_952, %broadcast_in_dim3A_953 : vector<16xi1>, vector<16xf32>
            %swap3A_955 = arith.constant 2 : i32
            %swap3A_956 = arith.index_cast %swap3A_955 : i32 to index
            %swap3A_957 = arith.index_cast %add3A_914 : i32 to index
            %swap3A_958 = tpu.vector_load %arg7[%swap3A_956, %swap3A_957] {strides = array<i32>} : memref<3x512xf32, #tpu.memory_space<vmem>>, vector<16xf32>,
            tpu.vector_store %arg7[%swap3A_956, %swap3A_957], %select_n3A_954 {strides = array<i32>} : memref<3x512xf32, #tpu.memory_space<vmem>>, vector<16xf32>,
            %mul3A_959 = arith.constant 4 : i32
            %mul3A_960 = arith.muli %add3A_809, %mul3A_959 : i32
            %mul3A_961 = arith.constant 16 : i32
            %mul3A_962 = arith.muli %mul3A_960, %mul3A_961 : i32
            %add3A_963 = arith.constant 48 : i32
            %add3A_964 = arith.addi %mul3A_962, %add3A_963 : i32
            %get3A_965 = arith.constant 0 : i32
            %get3A_966 = arith.constant 0 : i32
            %get3A_967 = arith.constant 0 : i32
            %get3A_968 = tpu.memref_slice %run_scoped3A_18[%rem3A_483, %get3A_966, %get3A_967] : memref<2x1x512xi32, #tpu.memory_space<vmem>> -> memref<1x1x512xi32, #tpu.memory_space<vmem>>
            %get3A_969 = tpu.memref_squeeze %get3A_968 : memref<1x1x512xi32, #tpu.memory_space<vmem>> -> memref<1x512xi32, #tpu.memory_space<vmem>>
            %get3A_970 = arith.index_cast %get3A_965 : i32 to index
            %get3A_971 = arith.index_cast %add3A_964 : i32 to index
            %get3A_972 = tpu.vector_load %get3A_969[%get3A_970, %get3A_971] {strides = array<i32>} : memref<1x512xi32, #tpu.memory_space<vmem>>, vector<16xi32>,
            %eq3A_973 = arith.constant 1 : i32
            %eq3A_974 = vector.broadcast %eq3A_973 : i32 to vector<16xi32>
            %eq3A_975 = arith.cmpi eq, %get3A_972, %eq3A_974 : vector<16xi32>
            %jit3A_976 = arith.constant 0.000000e+00 : f32
            %jit3A_977 = arith.constant -1.000000e+02 : f32
            %broadcast_in_dim3A_978 = vector.broadcast %jit3A_976 : f32 to vector<16xf32>
            %broadcast_in_dim3A_979 = vector.broadcast %jit3A_977 : f32 to vector<16xf32>
            %select_n3A_980 = arith.select %eq3A_975, %broadcast_in_dim3A_978, %broadcast_in_dim3A_979 : vector<16xi1>, vector<16xf32>
            %swap3A_981 = arith.constant 0 : i32
            %swap3A_982 = arith.index_cast %swap3A_981 : i32 to index
            %swap3A_983 = arith.index_cast %add3A_964 : i32 to index
            %swap3A_984 = tpu.vector_load %arg7[%swap3A_982, %swap3A_983] {strides = array<i32>} : memref<3x512xf32, #tpu.memory_space<vmem>>, vector<16xf32>,
            tpu.vector_store %arg7[%swap3A_982, %swap3A_983], %select_n3A_980 {strides = array<i32>} : memref<3x512xf32, #tpu.memory_space<vmem>>, vector<16xf32>,
            %eq3A_985 = arith.constant 2 : i32
            %eq3A_986 = vector.broadcast %eq3A_985 : i32 to vector<16xi32>
            %eq3A_987 = arith.cmpi eq, %get3A_972, %eq3A_986 : vector<16xi32>
            %jit3A_988 = arith.constant 0.000000e+00 : f32
            %jit3A_989 = arith.constant -1.000000e+02 : f32
            %broadcast_in_dim3A_990 = vector.broadcast %jit3A_988 : f32 to vector<16xf32>
            %broadcast_in_dim3A_991 = vector.broadcast %jit3A_989 : f32 to vector<16xf32>
            %select_n3A_992 = arith.select %eq3A_987, %broadcast_in_dim3A_990, %broadcast_in_dim3A_991 : vector<16xi1>, vector<16xf32>
            %swap3A_993 = arith.constant 1 : i32
            %swap3A_994 = arith.index_cast %swap3A_993 : i32 to index
            %swap3A_995 = arith.index_cast %add3A_964 : i32 to index
            %swap3A_996 = tpu.vector_load %arg7[%swap3A_994, %swap3A_995] {strides = array<i32>} : memref<3x512xf32, #tpu.memory_space<vmem>>, vector<16xf32>,
            tpu.vector_store %arg7[%swap3A_994, %swap3A_995], %select_n3A_992 {strides = array<i32>} : memref<3x512xf32, #tpu.memory_space<vmem>>, vector<16xf32>,
            %eq3A_997 = arith.constant 3 : i32
            %eq3A_998 = vector.broadcast %eq3A_997 : i32 to vector<16xi32>
            %eq3A_999 = arith.cmpi eq, %get3A_972, %eq3A_998 : vector<16xi32>
            %jit3A_1000 = arith.constant 0.000000e+00 : f32
            %jit3A_1001 = arith.constant -1.000000e+02 : f32
            %broadcast_in_dim3A_1002 = vector.broadcast %jit3A_1000 : f32 to vector<16xf32>
            %broadcast_in_dim3A_1003 = vector.broadcast %jit3A_1001 : f32 to vector<16xf32>
            %select_n3A_1004 = arith.select %eq3A_999, %broadcast_in_dim3A_1002, %broadcast_in_dim3A_1003 : vector<16xi1>, vector<16xf32>
            %swap3A_1005 = arith.constant 2 : i32
            %swap3A_1006 = arith.index_cast %swap3A_1005 : i32 to index
            %swap3A_1007 = arith.index_cast %add3A_964 : i32 to index
            %swap3A_1008 = tpu.vector_load %arg7[%swap3A_1006, %swap3A_1007] {strides = array<i32>} : memref<3x512xf32, #tpu.memory_space<vmem>>, vector<16xf32>,
            tpu.vector_store %arg7[%swap3A_1006, %swap3A_1007], %select_n3A_1004 {strides = array<i32>} : memref<3x512xf32, #tpu.memory_space<vmem>>, vector<16xf32>,
          }
          %scan3A_499 = arith.constant 8 : i32
          %iota3A = tpu.iota {dimensions = array<i32: 0>} : vector<16xi32>
          %mul3A_500 = arith.constant 48 : i32
          %mul3A_501 = vector.broadcast %mul3A_500 : i32 to vector<16xi32>
          %mul3A_502 = arith.muli %iota3A, %mul3A_501 : vector<16xi32>
          %scan3A_503 = arith.constant 0 : i32
          %scan3A_504 = arith.constant 48 : i32
          %scan3A_505 = arith.addi %scan3A_503, %scan3A_504 : i32
          %scan3A_506 = arith.constant 1 : i32
          scf.for %scan3A_805 = %scan3A_503 to %scan3A_505 step %scan3A_506  : i32 {
            %mul3A_806 = arith.constant 1 : i32
            %mul3A_807 = arith.muli %scan3A_805, %mul3A_806 : i32
            %add3A_808 = arith.constant 0 : i32
            %add3A_809 = arith.addi %add3A_808, %mul3A_807 : i32
            %broadcast_in_dim3A = arith.constant 0xFF800000 : f32
            %broadcast_in_dim3A_810 = vector.broadcast %broadcast_in_dim3A : f32 to vector<16xf32>
            %scan3A_811 = arith.constant 0 : i32
            %scan3A_812 = arith.constant 4 : i32
            %scan3A_813 = arith.addi %scan3A_811, %scan3A_812 : i32
            %scan3A_814 = arith.constant 1 : i32
            %scan3A_815:6 = scf.for %scan3A_831 = %scan3A_811 to %scan3A_813 step %scan3A_814 iter_args(%scan3A_832 = %broadcast_in_dim3A_810, %scan3A_833 = %broadcast_in_dim3A_810, %scan3A_834 = %broadcast_in_dim3A_810, %scan3A_835 = %broadcast_in_dim3A_810, %scan3A_836 = %broadcast_in_dim3A_810, %scan3A_837 = %broadcast_in_dim3A_810) -> (vector<16xf32>, vector<16xf32>, vector<16xf32>, vector<16xf32>, vector<16xf32>, vector<16xf32>)  : i32 {
              %mul3A_838 = arith.constant 8 : i32
              %mul3A_839 = arith.muli %scan3A_831, %mul3A_838 : i32
              %mul3A_840 = arith.constant 16 : i32
              %mul3A_841 = arith.muli %mul3A_839, %mul3A_840 : i32
              %add3A_842 = arith.constant 0 : i32
              %add3A_843 = arith.addi %mul3A_841, %add3A_842 : i32
              %get3A_844 = arith.constant 0 : i32
              %get3A_845 = arith.constant 0 : i32
              %get3A_846 = arith.constant 0 : i32
              %get3A_847 = arith.constant 0 : i32
              %get3A_848 = tpu.memref_slice %run_scoped3A[%rem3A_481, %get3A_845, %get3A_846, %get3A_847] : memref<2x1x48x512xf32, #tpu.memory_space<vmem>> -> memref<1x1x48x512xf32, #tpu.memory_space<vmem>>
              %get3A_849 = tpu.memref_squeeze %get3A_848 : memref<1x1x48x512xf32, #tpu.memory_space<vmem>> -> memref<1x48x512xf32, #tpu.memory_space<vmem>>
              %get3A_850 = arith.index_cast %get3A_844 : i32 to index
              %get3A_851 = arith.index_cast %add3A_809 : i32 to index
              %get3A_852 = arith.index_cast %add3A_843 : i32 to index
              %get3A_853 = tpu.vector_load %get3A_849[%get3A_850, %get3A_851, %get3A_852] {strides = array<i32>} : memref<1x48x512xf32, #tpu.memory_space<vmem>>, vector<16xf32>,
              %get3A_854 = arith.constant 0 : i32
              %get3A_855 = arith.index_cast %get3A_854 : i32 to index
              %get3A_856 = arith.index_cast %add3A_843 : i32 to index
              %get3A_857 = tpu.vector_load %arg7[%get3A_855, %get3A_856] {strides = array<i32>} : memref<3x512xf32, #tpu.memory_space<vmem>>, vector<16xf32>,
              %add3A_858 = arith.addf %get3A_853, %get3A_857 : vector<16xf32>
              %max3A_859 = arith.maximumf %scan3A_832, %add3A_858 : vector<16xf32>
              %get3A_860 = arith.constant 1 : i32
              %get3A_861 = arith.index_cast %get3A_860 : i32 to index
              %get3A_862 = arith.index_cast %add3A_843 : i32 to index
              %get3A_863 = tpu.vector_load %arg7[%get3A_861, %get3A_862] {strides = array<i32>} : memref<3x512xf32, #tpu.memory_space<vmem>>, vector<16xf32>,
              %add3A_864 = arith.addf %get3A_853, %get3A_863 : vector<16xf32>
              %max3A_865 = arith.maximumf %scan3A_834, %add3A_864 : vector<16xf32>
              %get3A_866 = arith.constant 2 : i32
              %get3A_867 = arith.index_cast %get3A_866 : i32 to index
              %get3A_868 = arith.index_cast %add3A_843 : i32 to index
              %get3A_869 = tpu.vector_load %arg7[%get3A_867, %get3A_868] {strides = array<i32>} : memref<3x512xf32, #tpu.memory_space<vmem>>, vector<16xf32>,
              %add3A_870 = arith.addf %get3A_853, %get3A_869 : vector<16xf32>
              %max3A_871 = arith.maximumf %scan3A_836, %add3A_870 : vector<16xf32>
              %add3A_872 = arith.constant 16 : i32
              %add3A_873 = arith.addi %mul3A_841, %add3A_872 : i32
              %get3A_874 = arith.constant 0 : i32
              %get3A_875 = arith.constant 0 : i32
              %get3A_876 = arith.constant 0 : i32
              %get3A_877 = arith.constant 0 : i32
              %get3A_878 = tpu.memref_slice %run_scoped3A[%rem3A_481, %get3A_875, %get3A_876, %get3A_877] : memref<2x1x48x512xf32, #tpu.memory_space<vmem>> -> memref<1x1x48x512xf32, #tpu.memory_space<vmem>>
              %get3A_879 = tpu.memref_squeeze %get3A_878 : memref<1x1x48x512xf32, #tpu.memory_space<vmem>> -> memref<1x48x512xf32, #tpu.memory_space<vmem>>
              %get3A_880 = arith.index_cast %get3A_874 : i32 to index
              %get3A_881 = arith.index_cast %add3A_809 : i32 to index
              %get3A_882 = arith.index_cast %add3A_873 : i32 to index
              %get3A_883 = tpu.vector_load %get3A_879[%get3A_880, %get3A_881, %get3A_882] {strides = array<i32>} : memref<1x48x512xf32, #tpu.memory_space<vmem>>, vector<16xf32>,
              %get3A_884 = arith.constant 0 : i32
              %get3A_885 = arith.index_cast %get3A_884 : i32 to index
              %get3A_886 = arith.index_cast %add3A_873 : i32 to index
              %get3A_887 = tpu.vector_load %arg7[%get3A_885, %get3A_886] {strides = array<i32>} : memref<3x512xf32, #tpu.memory_space<vmem>>, vector<16xf32>,
              %add3A_888 = arith.addf %get3A_883, %get3A_887 : vector<16xf32>
              %max3A_889 = arith.maximumf %scan3A_833, %add3A_888 : vector<16xf32>
              %get3A_890 = arith.constant 1 : i32
              %get3A_891 = arith.index_cast %get3A_890 : i32 to index
              %get3A_892 = arith.index_cast %add3A_873 : i32 to index
              %get3A_893 = tpu.vector_load %arg7[%get3A_891, %get3A_892] {strides = array<i32>} : memref<3x512xf32, #tpu.memory_space<vmem>>, vector<16xf32>,
              %add3A_894 = arith.addf %get3A_883, %get3A_893 : vector<16xf32>
              %max3A_895 = arith.maximumf %scan3A_835, %add3A_894 : vector<16xf32>
              %get3A_896 = arith.constant 2 : i32
              %get3A_897 = arith.index_cast %get3A_896 : i32 to index
              %get3A_898 = arith.index_cast %add3A_873 : i32 to index
              %get3A_899 = tpu.vector_load %arg7[%get3A_897, %get3A_898] {strides = array<i32>} : memref<3x512xf32, #tpu.memory_space<vmem>>, vector<16xf32>,
              %add3A_900 = arith.addf %get3A_883, %get3A_899 : vector<16xf32>
              %max3A_901 = arith.maximumf %scan3A_837, %add3A_900 : vector<16xf32>
              %add3A_902 = arith.constant 32 : i32
              %add3A_903 = arith.addi %mul3A_841, %add3A_902 : i32
              %get3A_904 = arith.constant 0 : i32
              %get3A_905 = arith.constant 0 : i32
              %get3A_906 = arith.constant 0 : i32
              %get3A_907 = arith.constant 0 : i32
              %get3A_908 = tpu.memref_slice %run_scoped3A[%rem3A_481, %get3A_905, %get3A_906, %get3A_907] : memref<2x1x48x512xf32, #tpu.memory_space<vmem>> -> memref<1x1x48x512xf32, #tpu.memory_space<vmem>>
              %get3A_909 = tpu.memref_squeeze %get3A_908 : memref<1x1x48x512xf32, #tpu.memory_space<vmem>> -> memref<1x48x512xf32, #tpu.memory_space<vmem>>
              %get3A_910 = arith.index_cast %get3A_904 : i32 to index
              %get3A_911 = arith.index_cast %add3A_809 : i32 to index
              %get3A_912 = arith.index_cast %add3A_903 : i32 to index
              %get3A_913 = tpu.vector_load %get3A_909[%get3A_910, %get3A_911, %get3A_912] {strides = array<i32>} : memref<1x48x512xf32, #tpu.memory_space<vmem>>, vector<16xf32>,
              %get3A_914 = arith.constant 0 : i32
              %get3A_915 = arith.index_cast %get3A_914 : i32 to index
              %get3A_916 = arith.index_cast %add3A_903 : i32 to index
              %get3A_917 = tpu.vector_load %arg7[%get3A_915, %get3A_916] {strides = array<i32>} : memref<3x512xf32, #tpu.memory_space<vmem>>, vector<16xf32>,
              %add3A_918 = arith.addf %get3A_913, %get3A_917 : vector<16xf32>
              %max3A_919 = arith.maximumf %max3A_859, %add3A_918 : vector<16xf32>
              %get3A_920 = arith.constant 1 : i32
              %get3A_921 = arith.index_cast %get3A_920 : i32 to index
              %get3A_922 = arith.index_cast %add3A_903 : i32 to index
              %get3A_923 = tpu.vector_load %arg7[%get3A_921, %get3A_922] {strides = array<i32>} : memref<3x512xf32, #tpu.memory_space<vmem>>, vector<16xf32>,
              %add3A_924 = arith.addf %get3A_913, %get3A_923 : vector<16xf32>
              %max3A_925 = arith.maximumf %max3A_865, %add3A_924 : vector<16xf32>
              %get3A_926 = arith.constant 2 : i32
              %get3A_927 = arith.index_cast %get3A_926 : i32 to index
              %get3A_928 = arith.index_cast %add3A_903 : i32 to index
              %get3A_929 = tpu.vector_load %arg7[%get3A_927, %get3A_928] {strides = array<i32>} : memref<3x512xf32, #tpu.memory_space<vmem>>, vector<16xf32>,
              %add3A_930 = arith.addf %get3A_913, %get3A_929 : vector<16xf32>
              %max3A_931 = arith.maximumf %max3A_871, %add3A_930 : vector<16xf32>
              %add3A_932 = arith.constant 48 : i32
              %add3A_933 = arith.addi %mul3A_841, %add3A_932 : i32
              %get3A_934 = arith.constant 0 : i32
              %get3A_935 = arith.constant 0 : i32
              %get3A_936 = arith.constant 0 : i32
              %get3A_937 = arith.constant 0 : i32
              %get3A_938 = tpu.memref_slice %run_scoped3A[%rem3A_481, %get3A_935, %get3A_936, %get3A_937] : memref<2x1x48x512xf32, #tpu.memory_space<vmem>> -> memref<1x1x48x512xf32, #tpu.memory_space<vmem>>
              %get3A_939 = tpu.memref_squeeze %get3A_938 : memref<1x1x48x512xf32, #tpu.memory_space<vmem>> -> memref<1x48x512xf32, #tpu.memory_space<vmem>>
              %get3A_940 = arith.index_cast %get3A_934 : i32 to index
              %get3A_941 = arith.index_cast %add3A_809 : i32 to index
              %get3A_942 = arith.index_cast %add3A_933 : i32 to index
              %get3A_943 = tpu.vector_load %get3A_939[%get3A_940, %get3A_941, %get3A_942] {strides = array<i32>} : memref<1x48x512xf32, #tpu.memory_space<vmem>>, vector<16xf32>,
              %get3A_944 = arith.constant 0 : i32
              %get3A_945 = arith.index_cast %get3A_944 : i32 to index
              %get3A_946 = arith.index_cast %add3A_933 : i32 to index
              %get3A_947 = tpu.vector_load %arg7[%get3A_945, %get3A_946] {strides = array<i32>} : memref<3x512xf32, #tpu.memory_space<vmem>>, vector<16xf32>,
              %add3A_948 = arith.addf %get3A_943, %get3A_947 : vector<16xf32>
              %max3A_949 = arith.maximumf %max3A_889, %add3A_948 : vector<16xf32>
              %get3A_950 = arith.constant 1 : i32
              %get3A_951 = arith.index_cast %get3A_950 : i32 to index
              %get3A_952 = arith.index_cast %add3A_933 : i32 to index
              %get3A_953 = tpu.vector_load %arg7[%get3A_951, %get3A_952] {strides = array<i32>} : memref<3x512xf32, #tpu.memory_space<vmem>>, vector<16xf32>,
              %add3A_954 = arith.addf %get3A_943, %get3A_953 : vector<16xf32>
              %max3A_955 = arith.maximumf %max3A_895, %add3A_954 : vector<16xf32>
              %get3A_956 = arith.constant 2 : i32
              %get3A_957 = arith.index_cast %get3A_956 : i32 to index
              %get3A_958 = arith.index_cast %add3A_933 : i32 to index
              %get3A_959 = tpu.vector_load %arg7[%get3A_957, %get3A_958] {strides = array<i32>} : memref<3x512xf32, #tpu.memory_space<vmem>>, vector<16xf32>,
              %add3A_960 = arith.addf %get3A_943, %get3A_959 : vector<16xf32>
              %max3A_961 = arith.maximumf %max3A_901, %add3A_960 : vector<16xf32>
              %add3A_962 = arith.constant 64 : i32
              %add3A_963 = arith.addi %mul3A_841, %add3A_962 : i32
              %get3A_964 = arith.constant 0 : i32
              %get3A_965 = arith.constant 0 : i32
              %get3A_966 = arith.constant 0 : i32
              %get3A_967 = arith.constant 0 : i32
              %get3A_968 = tpu.memref_slice %run_scoped3A[%rem3A_481, %get3A_965, %get3A_966, %get3A_967] : memref<2x1x48x512xf32, #tpu.memory_space<vmem>> -> memref<1x1x48x512xf32, #tpu.memory_space<vmem>>
              %get3A_969 = tpu.memref_squeeze %get3A_968 : memref<1x1x48x512xf32, #tpu.memory_space<vmem>> -> memref<1x48x512xf32, #tpu.memory_space<vmem>>
              %get3A_970 = arith.index_cast %get3A_964 : i32 to index
              %get3A_971 = arith.index_cast %add3A_809 : i32 to index
              %get3A_972 = arith.index_cast %add3A_963 : i32 to index
              %get3A_973 = tpu.vector_load %get3A_969[%get3A_970, %get3A_971, %get3A_972] {strides = array<i32>} : memref<1x48x512xf32, #tpu.memory_space<vmem>>, vector<16xf32>,
              %get3A_974 = arith.constant 0 : i32
              %get3A_975 = arith.index_cast %get3A_974 : i32 to index
              %get3A_976 = arith.index_cast %add3A_963 : i32 to index
              %get3A_977 = tpu.vector_load %arg7[%get3A_975, %get3A_976] {strides = array<i32>} : memref<3x512xf32, #tpu.memory_space<vmem>>, vector<16xf32>,
              %add3A_978 = arith.addf %get3A_973, %get3A_977 : vector<16xf32>
              %max3A_979 = arith.maximumf %max3A_919, %add3A_978 : vector<16xf32>
              %get3A_980 = arith.constant 1 : i32
              %get3A_981 = arith.index_cast %get3A_980 : i32 to index
              %get3A_982 = arith.index_cast %add3A_963 : i32 to index
              %get3A_983 = tpu.vector_load %arg7[%get3A_981, %get3A_982] {strides = array<i32>} : memref<3x512xf32, #tpu.memory_space<vmem>>, vector<16xf32>,
              %add3A_984 = arith.addf %get3A_973, %get3A_983 : vector<16xf32>
              %max3A_985 = arith.maximumf %max3A_925, %add3A_984 : vector<16xf32>
              %get3A_986 = arith.constant 2 : i32
              %get3A_987 = arith.index_cast %get3A_986 : i32 to index
              %get3A_988 = arith.index_cast %add3A_963 : i32 to index
              %get3A_989 = tpu.vector_load %arg7[%get3A_987, %get3A_988] {strides = array<i32>} : memref<3x512xf32, #tpu.memory_space<vmem>>, vector<16xf32>,
              %add3A_990 = arith.addf %get3A_973, %get3A_989 : vector<16xf32>
              %max3A_991 = arith.maximumf %max3A_931, %add3A_990 : vector<16xf32>
              %add3A_992 = arith.constant 80 : i32
              %add3A_993 = arith.addi %mul3A_841, %add3A_992 : i32
              %get3A_994 = arith.constant 0 : i32
              %get3A_995 = arith.constant 0 : i32
              %get3A_996 = arith.constant 0 : i32
              %get3A_997 = arith.constant 0 : i32
              %get3A_998 = tpu.memref_slice %run_scoped3A[%rem3A_481, %get3A_995, %get3A_996, %get3A_997] : memref<2x1x48x512xf32, #tpu.memory_space<vmem>> -> memref<1x1x48x512xf32, #tpu.memory_space<vmem>>
              %get3A_999 = tpu.memref_squeeze %get3A_998 : memref<1x1x48x512xf32, #tpu.memory_space<vmem>> -> memref<1x48x512xf32, #tpu.memory_space<vmem>>
              %get3A_1000 = arith.index_cast %get3A_994 : i32 to index
              %get3A_1001 = arith.index_cast %add3A_809 : i32 to index
              %get3A_1002 = arith.index_cast %add3A_993 : i32 to index
              %get3A_1003 = tpu.vector_load %get3A_999[%get3A_1000, %get3A_1001, %get3A_1002] {strides = array<i32>} : memref<1x48x512xf32, #tpu.memory_space<vmem>>, vector<16xf32>,
              %get3A_1004 = arith.constant 0 : i32
              %get3A_1005 = arith.index_cast %get3A_1004 : i32 to index
              %get3A_1006 = arith.index_cast %add3A_993 : i32 to index
              %get3A_1007 = tpu.vector_load %arg7[%get3A_1005, %get3A_1006] {strides = array<i32>} : memref<3x512xf32, #tpu.memory_space<vmem>>, vector<16xf32>,
              %add3A_1008 = arith.addf %get3A_1003, %get3A_1007 : vector<16xf32>
              %max3A_1009 = arith.maximumf %max3A_949, %add3A_1008 : vector<16xf32>
              %get3A_1010 = arith.constant 1 : i32
              %get3A_1011 = arith.index_cast %get3A_1010 : i32 to index
              %get3A_1012 = arith.index_cast %add3A_993 : i32 to index
              %get3A_1013 = tpu.vector_load %arg7[%get3A_1011, %get3A_1012] {strides = array<i32>} : memref<3x512xf32, #tpu.memory_space<vmem>>, vector<16xf32>,
              %add3A_1014 = arith.addf %get3A_1003, %get3A_1013 : vector<16xf32>
              %max3A_1015 = arith.maximumf %max3A_955, %add3A_1014 : vector<16xf32>
              %get3A_1016 = arith.constant 2 : i32
              %get3A_1017 = arith.index_cast %get3A_1016 : i32 to index
              %get3A_1018 = arith.index_cast %add3A_993 : i32 to index
              %get3A_1019 = tpu.vector_load %arg7[%get3A_1017, %get3A_1018] {strides = array<i32>} : memref<3x512xf32, #tpu.memory_space<vmem>>, vector<16xf32>,
              %add3A_1020 = arith.addf %get3A_1003, %get3A_1019 : vector<16xf32>
              %max3A_1021 = arith.maximumf %max3A_961, %add3A_1020 : vector<16xf32>
              %add3A_1022 = arith.constant 96 : i32
              %add3A_1023 = arith.addi %mul3A_841, %add3A_1022 : i32
              %get3A_1024 = arith.constant 0 : i32
              %get3A_1025 = arith.constant 0 : i32
              %get3A_1026 = arith.constant 0 : i32
              %get3A_1027 = arith.constant 0 : i32
              %get3A_1028 = tpu.memref_slice %run_scoped3A[%rem3A_481, %get3A_1025, %get3A_1026, %get3A_1027] : memref<2x1x48x512xf32, #tpu.memory_space<vmem>> -> memref<1x1x48x512xf32, #tpu.memory_space<vmem>>
              %get3A_1029 = tpu.memref_squeeze %get3A_1028 : memref<1x1x48x512xf32, #tpu.memory_space<vmem>> -> memref<1x48x512xf32, #tpu.memory_space<vmem>>
              %get3A_1030 = arith.index_cast %get3A_1024 : i32 to index
              %get3A_1031 = arith.index_cast %add3A_809 : i32 to index
              %get3A_1032 = arith.index_cast %add3A_1023 : i32 to index
              %get3A_1033 = tpu.vector_load %get3A_1029[%get3A_1030, %get3A_1031, %get3A_1032] {strides = array<i32>} : memref<1x48x512xf32, #tpu.memory_space<vmem>>, vector<16xf32>,
              %get3A_1034 = arith.constant 0 : i32
              %get3A_1035 = arith.index_cast %get3A_1034 : i32 to index
              %get3A_1036 = arith.index_cast %add3A_1023 : i32 to index
              %get3A_1037 = tpu.vector_load %arg7[%get3A_1035, %get3A_1036] {strides = array<i32>} : memref<3x512xf32, #tpu.memory_space<vmem>>, vector<16xf32>,
              %add3A_1038 = arith.addf %get3A_1033, %get3A_1037 : vector<16xf32>
              %max3A_1039 = arith.maximumf %max3A_979, %add3A_1038 : vector<16xf32>
              %get3A_1040 = arith.constant 1 : i32
              %get3A_1041 = arith.index_cast %get3A_1040 : i32 to index
              %get3A_1042 = arith.index_cast %add3A_1023 : i32 to index
              %get3A_1043 = tpu.vector_load %arg7[%get3A_1041, %get3A_1042] {strides = array<i32>} : memref<3x512xf32, #tpu.memory_space<vmem>>, vector<16xf32>,
              %add3A_1044 = arith.addf %get3A_1033, %get3A_1043 : vector<16xf32>
              %max3A_1045 = arith.maximumf %max3A_985, %add3A_1044 : vector<16xf32>
              %get3A_1046 = arith.constant 2 : i32
              %get3A_1047 = arith.index_cast %get3A_1046 : i32 to index
              %get3A_1048 = arith.index_cast %add3A_1023 : i32 to index
              %get3A_1049 = tpu.vector_load %arg7[%get3A_1047, %get3A_1048] {strides = array<i32>} : memref<3x512xf32, #tpu.memory_space<vmem>>, vector<16xf32>,
              %add3A_1050 = arith.addf %get3A_1033, %get3A_1049 : vector<16xf32>
              %max3A_1051 = arith.maximumf %max3A_991, %add3A_1050 : vector<16xf32>
              %add3A_1052 = arith.constant 112 : i32
              %add3A_1053 = arith.addi %mul3A_841, %add3A_1052 : i32
              %get3A_1054 = arith.constant 0 : i32
              %get3A_1055 = arith.constant 0 : i32
              %get3A_1056 = arith.constant 0 : i32
              %get3A_1057 = arith.constant 0 : i32
              %get3A_1058 = tpu.memref_slice %run_scoped3A[%rem3A_481, %get3A_1055, %get3A_1056, %get3A_1057] : memref<2x1x48x512xf32, #tpu.memory_space<vmem>> -> memref<1x1x48x512xf32, #tpu.memory_space<vmem>>
              %get3A_1059 = tpu.memref_squeeze %get3A_1058 : memref<1x1x48x512xf32, #tpu.memory_space<vmem>> -> memref<1x48x512xf32, #tpu.memory_space<vmem>>
              %get3A_1060 = arith.index_cast %get3A_1054 : i32 to index
              %get3A_1061 = arith.index_cast %add3A_809 : i32 to index
              %get3A_1062 = arith.index_cast %add3A_1053 : i32 to index
              %get3A_1063 = tpu.vector_load %get3A_1059[%get3A_1060, %get3A_1061, %get3A_1062] {strides = array<i32>} : memref<1x48x512xf32, #tpu.memory_space<vmem>>, vector<16xf32>,
              %get3A_1064 = arith.constant 0 : i32
              %get3A_1065 = arith.index_cast %get3A_1064 : i32 to index
              %get3A_1066 = arith.index_cast %add3A_1053 : i32 to index
              %get3A_1067 = tpu.vector_load %arg7[%get3A_1065, %get3A_1066] {strides = array<i32>} : memref<3x512xf32, #tpu.memory_space<vmem>>, vector<16xf32>,
              %add3A_1068 = arith.addf %get3A_1063, %get3A_1067 : vector<16xf32>
              %max3A_1069 = arith.maximumf %max3A_1009, %add3A_1068 : vector<16xf32>
              %get3A_1070 = arith.constant 1 : i32
              %get3A_1071 = arith.index_cast %get3A_1070 : i32 to index
              %get3A_1072 = arith.index_cast %add3A_1053 : i32 to index
              %get3A_1073 = tpu.vector_load %arg7[%get3A_1071, %get3A_1072] {strides = array<i32>} : memref<3x512xf32, #tpu.memory_space<vmem>>, vector<16xf32>,
              %add3A_1074 = arith.addf %get3A_1063, %get3A_1073 : vector<16xf32>
              %max3A_1075 = arith.maximumf %max3A_1015, %add3A_1074 : vector<16xf32>
              %get3A_1076 = arith.constant 2 : i32
              %get3A_1077 = arith.index_cast %get3A_1076 : i32 to index
              %get3A_1078 = arith.index_cast %add3A_1053 : i32 to index
              %get3A_1079 = tpu.vector_load %arg7[%get3A_1077, %get3A_1078] {strides = array<i32>} : memref<3x512xf32, #tpu.memory_space<vmem>>, vector<16xf32>,
              %add3A_1080 = arith.addf %get3A_1063, %get3A_1079 : vector<16xf32>
              %max3A_1081 = arith.maximumf %max3A_1021, %add3A_1080 : vector<16xf32>
              scf.yield %max3A_1039, %max3A_1069, %max3A_1045, %max3A_1075, %max3A_1051, %max3A_1081 : vector<16xf32>, vector<16xf32>, vector<16xf32>, vector<16xf32>, vector<16xf32>, vector<16xf32>
            }
            %scan3A_816 = arith.constant 4 : i32
            %max3A = arith.maximumf %scan3A_815#0, %scan3A_815#1 : vector<16xf32>
            %add3A_817 = arith.constant 0 : i32
            %add3A_818 = arith.addi %add3A_817, %add3A_809 : i32
            %add3A_819 = vector.broadcast %add3A_818 : i32 to vector<16xi32>
            %add3A_820 = arith.addi %mul3A_502, %add3A_819 : vector<16xi32>
            tpu.vector_store_idx %arg8[%add3A_820], %max3A : memref<2304xf32, #tpu.memory_space<vmem>>[vector<16xi32>], vector<16xf32>,
            %max3A_821 = arith.maximumf %scan3A_815#2, %scan3A_815#3 : vector<16xf32>
            %add3A_822 = arith.constant 768 : i32
            %add3A_823 = arith.addi %add3A_822, %add3A_809 : i32
            %add3A_824 = vector.broadcast %add3A_823 : i32 to vector<16xi32>
            %add3A_825 = arith.addi %mul3A_502, %add3A_824 : vector<16xi32>
            tpu.vector_store_idx %arg8[%add3A_825], %max3A_821 : memref<2304xf32, #tpu.memory_space<vmem>>[vector<16xi32>], vector<16xf32>,
            %max3A_826 = arith.maximumf %scan3A_815#4, %scan3A_815#5 : vector<16xf32>
            %add3A_827 = arith.constant 1536 : i32
            %add3A_828 = arith.addi %add3A_827, %add3A_809 : i32
            %add3A_829 = vector.broadcast %add3A_828 : i32 to vector<16xi32>
            %add3A_830 = arith.addi %mul3A_502, %add3A_829 : vector<16xi32>
            tpu.vector_store_idx %arg8[%add3A_830], %max3A_826 : memref<2304xf32, #tpu.memory_space<vmem>>[vector<16xi32>], vector<16xf32>,
          }
          %scan3A_507 = arith.constant 48 : i32
          %get3A = arith.constant 0 : index
          %get3A_508 = tpu.vector_load %arg8[%get3A] {strides = array<i32>} : memref<2304xf32, #tpu.memory_space<vmem>>, vector<16xf32>,
          %scan3A_509 = arith.constant 1 : i32
          %scan3A_510 = arith.constant 15 : i32
          %scan3A_511 = arith.addi %scan3A_509, %scan3A_510 : i32
          %scan3A_512 = arith.constant 1 : i32
          %scan3A_513 = scf.for %scan3A_805 = %scan3A_509 to %scan3A_511 step %scan3A_512 iter_args(%scan3A_806 = %get3A_508) -> (vector<16xf32>)  : i32 {
            %mul3A_807 = arith.constant 48 : i32
            %mul3A_808 = arith.muli %scan3A_805, %mul3A_807 : i32
            %add3A_809 = arith.constant 0 : i32
            %add3A_810 = arith.addi %add3A_809, %mul3A_808 : i32
            %get3A_811 = arith.index_cast %add3A_810 : i32 to index
            %get3A_812 = tpu.vector_load %arg8[%get3A_811] {strides = array<i32>} : memref<2304xf32, #tpu.memory_space<vmem>>, vector<16xf32>,
            %max3A = arith.maximumf %scan3A_806, %get3A_812 : vector<16xf32>
            scf.yield %max3A : vector<16xf32>
          }
          %scan3A_514 = arith.constant 15 : i32
          %swap3A = tpu.memref_slice %run_scoped3A_20[%mul3A_487] : memref<96xf32, #tpu.memory_space<vmem>> -> memref<48xf32, #tpu.memory_space<vmem>>
          %swap3A_515 = arith.constant 0 : index
          %swap3A_516 = tpu.vector_load %swap3A[%swap3A_515] {strides = array<i32>} : memref<48xf32, #tpu.memory_space<vmem>>, vector<16xf32>,
          tpu.vector_store %swap3A[%swap3A_515], %scan3A_513 {strides = array<i32>} : memref<48xf32, #tpu.memory_space<vmem>>, vector<16xf32>,
          %get3A_517 = arith.constant 16 : index
          %get3A_518 = tpu.vector_load %arg8[%get3A_517] {strides = array<i32>} : memref<2304xf32, #tpu.memory_space<vmem>>, vector<16xf32>,
          %scan3A_519 = arith.constant 1 : i32
          %scan3A_520 = arith.constant 15 : i32
          %scan3A_521 = arith.addi %scan3A_519, %scan3A_520 : i32
          %scan3A_522 = arith.constant 1 : i32
          %scan3A_523 = scf.for %scan3A_805 = %scan3A_519 to %scan3A_521 step %scan3A_522 iter_args(%scan3A_806 = %get3A_518) -> (vector<16xf32>)  : i32 {
            %mul3A_807 = arith.constant 48 : i32
            %mul3A_808 = arith.muli %scan3A_805, %mul3A_807 : i32
            %add3A_809 = arith.constant 16 : i32
            %add3A_810 = arith.addi %add3A_809, %mul3A_808 : i32
            %get3A_811 = arith.index_cast %add3A_810 : i32 to index
            %get3A_812 = tpu.vector_load %arg8[%get3A_811] {strides = array<i32>} : memref<2304xf32, #tpu.memory_space<vmem>>, vector<16xf32>,
            %max3A = arith.maximumf %scan3A_806, %get3A_812 : vector<16xf32>
            scf.yield %max3A : vector<16xf32>
          }
          %scan3A_524 = arith.constant 15 : i32
          %swap3A_525 = tpu.memref_slice %run_scoped3A_20[%mul3A_487] : memref<96xf32, #tpu.memory_space<vmem>> -> memref<48xf32, #tpu.memory_space<vmem>>
          %swap3A_526 = arith.constant 16 : index
          %swap3A_527 = tpu.vector_load %swap3A_525[%swap3A_526] {strides = array<i32>} : memref<48xf32, #tpu.memory_space<vmem>>, vector<16xf32>,
          tpu.vector_store %swap3A_525[%swap3A_526], %scan3A_523 {strides = array<i32>} : memref<48xf32, #tpu.memory_space<vmem>>, vector<16xf32>,
          %get3A_528 = arith.constant 32 : index
          %get3A_529 = tpu.vector_load %arg8[%get3A_528] {strides = array<i32>} : memref<2304xf32, #tpu.memory_space<vmem>>, vector<16xf32>,
          %scan3A_530 = arith.constant 1 : i32
          %scan3A_531 = arith.constant 15 : i32
          %scan3A_532 = arith.addi %scan3A_530, %scan3A_531 : i32
          %scan3A_533 = arith.constant 1 : i32
          %scan3A_534 = scf.for %scan3A_805 = %scan3A_530 to %scan3A_532 step %scan3A_533 iter_args(%scan3A_806 = %get3A_529) -> (vector<16xf32>)  : i32 {
            %mul3A_807 = arith.constant 48 : i32
            %mul3A_808 = arith.muli %scan3A_805, %mul3A_807 : i32
            %add3A_809 = arith.constant 32 : i32
            %add3A_810 = arith.addi %add3A_809, %mul3A_808 : i32
            %get3A_811 = arith.index_cast %add3A_810 : i32 to index
            %get3A_812 = tpu.vector_load %arg8[%get3A_811] {strides = array<i32>} : memref<2304xf32, #tpu.memory_space<vmem>>, vector<16xf32>,
            %max3A = arith.maximumf %scan3A_806, %get3A_812 : vector<16xf32>
            scf.yield %max3A : vector<16xf32>
          }
          %scan3A_535 = arith.constant 15 : i32
          %swap3A_536 = tpu.memref_slice %run_scoped3A_20[%mul3A_487] : memref<96xf32, #tpu.memory_space<vmem>> -> memref<48xf32, #tpu.memory_space<vmem>>
          %swap3A_537 = arith.constant 32 : index
          %swap3A_538 = tpu.vector_load %swap3A_536[%swap3A_537] {strides = array<i32>} : memref<48xf32, #tpu.memory_space<vmem>>, vector<16xf32>,
          tpu.vector_store %swap3A_536[%swap3A_537], %scan3A_534 {strides = array<i32>} : memref<48xf32, #tpu.memory_space<vmem>>, vector<16xf32>,
          %get3A_539 = arith.constant 768 : index
          %get3A_540 = tpu.vector_load %arg8[%get3A_539] {strides = array<i32>} : memref<2304xf32, #tpu.memory_space<vmem>>, vector<16xf32>,
          %scan3A_541 = arith.constant 1 : i32
          %scan3A_542 = arith.constant 15 : i32
          %scan3A_543 = arith.addi %scan3A_541, %scan3A_542 : i32
          %scan3A_544 = arith.constant 1 : i32
          %scan3A_545 = scf.for %scan3A_805 = %scan3A_541 to %scan3A_543 step %scan3A_544 iter_args(%scan3A_806 = %get3A_540) -> (vector<16xf32>)  : i32 {
            %mul3A_807 = arith.constant 48 : i32
            %mul3A_808 = arith.muli %scan3A_805, %mul3A_807 : i32
            %add3A_809 = arith.constant 768 : i32
            %add3A_810 = arith.addi %add3A_809, %mul3A_808 : i32
            %get3A_811 = arith.index_cast %add3A_810 : i32 to index
            %get3A_812 = tpu.vector_load %arg8[%get3A_811] {strides = array<i32>} : memref<2304xf32, #tpu.memory_space<vmem>>, vector<16xf32>,
            %max3A = arith.maximumf %scan3A_806, %get3A_812 : vector<16xf32>
            scf.yield %max3A : vector<16xf32>
          }
          %scan3A_546 = arith.constant 15 : i32
          %swap3A_547 = tpu.memref_slice %run_scoped3A_22[%mul3A_491] : memref<96xf32, #tpu.memory_space<vmem>> -> memref<48xf32, #tpu.memory_space<vmem>>
          %swap3A_548 = arith.constant 0 : index
          %swap3A_549 = tpu.vector_load %swap3A_547[%swap3A_548] {strides = array<i32>} : memref<48xf32, #tpu.memory_space<vmem>>, vector<16xf32>,
          tpu.vector_store %swap3A_547[%swap3A_548], %scan3A_545 {strides = array<i32>} : memref<48xf32, #tpu.memory_space<vmem>>, vector<16xf32>,
          %get3A_550 = arith.constant 784 : index
          %get3A_551 = tpu.vector_load %arg8[%get3A_550] {strides = array<i32>} : memref<2304xf32, #tpu.memory_space<vmem>>, vector<16xf32>,
          %scan3A_552 = arith.constant 1 : i32
          %scan3A_553 = arith.constant 15 : i32
          %scan3A_554 = arith.addi %scan3A_552, %scan3A_553 : i32
          %scan3A_555 = arith.constant 1 : i32
          %scan3A_556 = scf.for %scan3A_805 = %scan3A_552 to %scan3A_554 step %scan3A_555 iter_args(%scan3A_806 = %get3A_551) -> (vector<16xf32>)  : i32 {
            %mul3A_807 = arith.constant 48 : i32
            %mul3A_808 = arith.muli %scan3A_805, %mul3A_807 : i32
            %add3A_809 = arith.constant 784 : i32
            %add3A_810 = arith.addi %add3A_809, %mul3A_808 : i32
            %get3A_811 = arith.index_cast %add3A_810 : i32 to index
            %get3A_812 = tpu.vector_load %arg8[%get3A_811] {strides = array<i32>} : memref<2304xf32, #tpu.memory_space<vmem>>, vector<16xf32>,
            %max3A = arith.maximumf %scan3A_806, %get3A_812 : vector<16xf32>
            scf.yield %max3A : vector<16xf32>
          }
          %scan3A_557 = arith.constant 15 : i32
          %swap3A_558 = tpu.memref_slice %run_scoped3A_22[%mul3A_491] : memref<96xf32, #tpu.memory_space<vmem>> -> memref<48xf32, #tpu.memory_space<vmem>>
          %swap3A_559 = arith.constant 16 : index
          %swap3A_560 = tpu.vector_load %swap3A_558[%swap3A_559] {strides = array<i32>} : memref<48xf32, #tpu.memory_space<vmem>>, vector<16xf32>,
          tpu.vector_store %swap3A_558[%swap3A_559], %scan3A_556 {strides = array<i32>} : memref<48xf32, #tpu.memory_space<vmem>>, vector<16xf32>,
          %get3A_561 = arith.constant 800 : index
          %get3A_562 = tpu.vector_load %arg8[%get3A_561] {strides = array<i32>} : memref<2304xf32, #tpu.memory_space<vmem>>, vector<16xf32>,
          %scan3A_563 = arith.constant 1 : i32
          %scan3A_564 = arith.constant 15 : i32
          %scan3A_565 = arith.addi %scan3A_563, %scan3A_564 : i32
          %scan3A_566 = arith.constant 1 : i32
          %scan3A_567 = scf.for %scan3A_805 = %scan3A_563 to %scan3A_565 step %scan3A_566 iter_args(%scan3A_806 = %get3A_562) -> (vector<16xf32>)  : i32 {
            %mul3A_807 = arith.constant 48 : i32
            %mul3A_808 = arith.muli %scan3A_805, %mul3A_807 : i32
            %add3A_809 = arith.constant 800 : i32
            %add3A_810 = arith.addi %add3A_809, %mul3A_808 : i32
            %get3A_811 = arith.index_cast %add3A_810 : i32 to index
            %get3A_812 = tpu.vector_load %arg8[%get3A_811] {strides = array<i32>} : memref<2304xf32, #tpu.memory_space<vmem>>, vector<16xf32>,
            %max3A = arith.maximumf %scan3A_806, %get3A_812 : vector<16xf32>
            scf.yield %max3A : vector<16xf32>
          }
          %scan3A_568 = arith.constant 15 : i32
          %swap3A_569 = tpu.memref_slice %run_scoped3A_22[%mul3A_491] : memref<96xf32, #tpu.memory_space<vmem>> -> memref<48xf32, #tpu.memory_space<vmem>>
          %swap3A_570 = arith.constant 32 : index
          %swap3A_571 = tpu.vector_load %swap3A_569[%swap3A_570] {strides = array<i32>} : memref<48xf32, #tpu.memory_space<vmem>>, vector<16xf32>,
          tpu.vector_store %swap3A_569[%swap3A_570], %scan3A_567 {strides = array<i32>} : memref<48xf32, #tpu.memory_space<vmem>>, vector<16xf32>,
          %get3A_572 = arith.constant 1536 : index
          %get3A_573 = tpu.vector_load %arg8[%get3A_572] {strides = array<i32>} : memref<2304xf32, #tpu.memory_space<vmem>>, vector<16xf32>,
          %scan3A_574 = arith.constant 1 : i32
          %scan3A_575 = arith.constant 15 : i32
          %scan3A_576 = arith.addi %scan3A_574, %scan3A_575 : i32
          %scan3A_577 = arith.constant 1 : i32
          %scan3A_578 = scf.for %scan3A_805 = %scan3A_574 to %scan3A_576 step %scan3A_577 iter_args(%scan3A_806 = %get3A_573) -> (vector<16xf32>)  : i32 {
            %mul3A_807 = arith.constant 48 : i32
            %mul3A_808 = arith.muli %scan3A_805, %mul3A_807 : i32
            %add3A_809 = arith.constant 1536 : i32
            %add3A_810 = arith.addi %add3A_809, %mul3A_808 : i32
            %get3A_811 = arith.index_cast %add3A_810 : i32 to index
            %get3A_812 = tpu.vector_load %arg8[%get3A_811] {strides = array<i32>} : memref<2304xf32, #tpu.memory_space<vmem>>, vector<16xf32>,
            %max3A = arith.maximumf %scan3A_806, %get3A_812 : vector<16xf32>
            scf.yield %max3A : vector<16xf32>
          }
          %scan3A_579 = arith.constant 15 : i32
          %swap3A_580 = tpu.memref_slice %run_scoped3A_24[%mul3A_495] : memref<96xf32, #tpu.memory_space<vmem>> -> memref<48xf32, #tpu.memory_space<vmem>>
          %swap3A_581 = arith.constant 0 : index
          %swap3A_582 = tpu.vector_load %swap3A_580[%swap3A_581] {strides = array<i32>} : memref<48xf32, #tpu.memory_space<vmem>>, vector<16xf32>,
          tpu.vector_store %swap3A_580[%swap3A_581], %scan3A_578 {strides = array<i32>} : memref<48xf32, #tpu.memory_space<vmem>>, vector<16xf32>,
          %get3A_583 = arith.constant 1552 : index
          %get3A_584 = tpu.vector_load %arg8[%get3A_583] {strides = array<i32>} : memref<2304xf32, #tpu.memory_space<vmem>>, vector<16xf32>,
          %scan3A_585 = arith.constant 1 : i32
          %scan3A_586 = arith.constant 15 : i32
          %scan3A_587 = arith.addi %scan3A_585, %scan3A_586 : i32
          %scan3A_588 = arith.constant 1 : i32
          %scan3A_589 = scf.for %scan3A_805 = %scan3A_585 to %scan3A_587 step %scan3A_588 iter_args(%scan3A_806 = %get3A_584) -> (vector<16xf32>)  : i32 {
            %mul3A_807 = arith.constant 48 : i32
            %mul3A_808 = arith.muli %scan3A_805, %mul3A_807 : i32
            %add3A_809 = arith.constant 1552 : i32
            %add3A_810 = arith.addi %add3A_809, %mul3A_808 : i32
            %get3A_811 = arith.index_cast %add3A_810 : i32 to index
            %get3A_812 = tpu.vector_load %arg8[%get3A_811] {strides = array<i32>} : memref<2304xf32, #tpu.memory_space<vmem>>, vector<16xf32>,
            %max3A = arith.maximumf %scan3A_806, %get3A_812 : vector<16xf32>
            scf.yield %max3A : vector<16xf32>
          }
          %scan3A_590 = arith.constant 15 : i32
          %swap3A_591 = tpu.memref_slice %run_scoped3A_24[%mul3A_495] : memref<96xf32, #tpu.memory_space<vmem>> -> memref<48xf32, #tpu.memory_space<vmem>>
          %swap3A_592 = arith.constant 16 : index
          %swap3A_593 = tpu.vector_load %swap3A_591[%swap3A_592] {strides = array<i32>} : memref<48xf32, #tpu.memory_space<vmem>>, vector<16xf32>,
          tpu.vector_store %swap3A_591[%swap3A_592], %scan3A_589 {strides = array<i32>} : memref<48xf32, #tpu.memory_space<vmem>>, vector<16xf32>,
          %get3A_594 = arith.constant 1568 : index
          %get3A_595 = tpu.vector_load %arg8[%get3A_594] {strides = array<i32>} : memref<2304xf32, #tpu.memory_space<vmem>>, vector<16xf32>,
          %scan3A_596 = arith.constant 1 : i32
          %scan3A_597 = arith.constant 15 : i32
          %scan3A_598 = arith.addi %scan3A_596, %scan3A_597 : i32
          %scan3A_599 = arith.constant 1 : i32
          %scan3A_600 = scf.for %scan3A_805 = %scan3A_596 to %scan3A_598 step %scan3A_599 iter_args(%scan3A_806 = %get3A_595) -> (vector<16xf32>)  : i32 {
            %mul3A_807 = arith.constant 48 : i32
            %mul3A_808 = arith.muli %scan3A_805, %mul3A_807 : i32
            %add3A_809 = arith.constant 1568 : i32
            %add3A_810 = arith.addi %add3A_809, %mul3A_808 : i32
            %get3A_811 = arith.index_cast %add3A_810 : i32 to index
            %get3A_812 = tpu.vector_load %arg8[%get3A_811] {strides = array<i32>} : memref<2304xf32, #tpu.memory_space<vmem>>, vector<16xf32>,
            %max3A = arith.maximumf %scan3A_806, %get3A_812 : vector<16xf32>
            scf.yield %max3A : vector<16xf32>
          }
          %scan3A_601 = arith.constant 15 : i32
          %swap3A_602 = tpu.memref_slice %run_scoped3A_24[%mul3A_495] : memref<96xf32, #tpu.memory_space<vmem>> -> memref<48xf32, #tpu.memory_space<vmem>>
          %swap3A_603 = arith.constant 32 : index
          %swap3A_604 = tpu.vector_load %swap3A_602[%swap3A_603] {strides = array<i32>} : memref<48xf32, #tpu.memory_space<vmem>>, vector<16xf32>,
          tpu.vector_store %swap3A_602[%swap3A_603], %scan3A_600 {strides = array<i32>} : memref<48xf32, #tpu.memory_space<vmem>>, vector<16xf32>,
          "tpu.trace_stop"() : () -> ()
          %ne3A_605 = arith.cmpi ne, %add3A_276, %add3A_312 : i32
          %ne3A_606 = arith.cmpi ne, %add3A_277, %add3A_313 : i32
          %or3A_607 = arith.constant false
          %or3A_608 = arith.ori %or3A_607, %ne3A_605 : i1
          %or3A_609 = arith.ori %or3A_608, %ne3A_606 : i1
          %or3A_610 = arith.constant false
          %or3A_611 = arith.ori %or3A_609, %or3A_610 : i1
          %or3A_612 = arith.ori %or3A_611, %eq3A_274 : i1
          %convert_element_type3A_613 = arith.extui %or3A_612 : i1 to i32
          %cond3A_614 = arith.constant 0 : i32
          %cond3A_615 = arith.cmpi ne, %convert_element_type3A_613, %cond3A_614 : i32
          scf.if %cond3A_615 {
          } else {
          }
          %and3A_616 = arith.constant false
          %and3A_617 = arith.andi %or3A_612, %and3A_616 : i1
          %ne3A_618 = arith.cmpi ne, %add3A_276, %add3A_312 : i32
          %or3A_619 = arith.constant false
          %or3A_620 = arith.ori %or3A_619, %ne3A_618 : i1
          %or3A_621 = arith.constant false
          %or3A_622 = arith.ori %or3A_620, %or3A_621 : i1
          %or3A_623 = arith.ori %or3A_622, %eq3A_274 : i1
          %convert_element_type3A_624 = arith.extui %or3A_623 : i1 to i32
          %cond3A_625 = arith.constant 0 : i32
          %cond3A_626 = arith.cmpi ne, %convert_element_type3A_624, %cond3A_625 : i32
          scf.if %cond3A_626 {
          } else {
          }
          %and3A_627 = arith.constant false
          %and3A_628 = arith.andi %or3A_623, %and3A_627 : i1
          %mul3A_629 = arith.constant 16 : i32
          %mul3A_630 = arith.muli %add3A_276, %mul3A_629 : i32
          %add3A_631 = arith.addi %mul3A_630, %add3A_277 : i32
          %mul3A_632 = arith.constant 16 : i32
          %mul3A_633 = arith.muli %add3A_312, %mul3A_632 : i32
          %add3A_634 = arith.addi %mul3A_633, %add3A_313 : i32
          %ne3A_635 = arith.cmpi ne, %add3A_631, %add3A_634 : i32
          %or3A_636 = arith.constant false
          %or3A_637 = arith.ori %or3A_636, %ne3A_635 : i1
          %or3A_638 = arith.ori %or3A_637, %eq3A_274 : i1
          %convert_element_type3A_639 = arith.extui %or3A_638 : i1 to i32
          %cond3A_640 = arith.constant 0 : i32
          %cond3A_641 = arith.cmpi ne, %convert_element_type3A_639, %cond3A_640 : i32
          scf.if %cond3A_641 {
            "tpu.trace_start"() <{level = 10 : i32, message = "ep_copy_out"}> : () -> ()
            %rem3A_805 = arith.constant 2 : i32
            %rem3A_806 = arith.remui %while3A_260, %rem3A_805 : i32
            %mul3A_807 = arith.constant 16 : i32
            %mul3A_808 = arith.muli %add3A_276, %mul3A_807 : i32
            %add3A_809 = arith.addi %mul3A_808, %add3A_277 : i32
            %mul3A_810 = arith.constant 48 : i32
            %mul3A_811 = arith.muli %mul3A_810, %add3A_809 : i32
            %mul3A_812 = arith.constant 48 : i32
            %mul3A_813 = arith.muli %rem3A_806, %mul3A_812 : i32
            %add3A_814 = arith.constant 0 : i32
            %add3A_815 = arith.addi %mul3A_813, %add3A_814 : i32
            %dma_start3A_816 = tpu.memref_slice %run_scoped3A_20[%add3A_815] : memref<96xf32, #tpu.memory_space<vmem>> -> memref<48xf32, #tpu.memory_space<vmem>>
            %dma_start3A_817 = tpu.memref_slice %arg4[%mul3A_811] : memref<6144xf32, #tpu.memory_space<hbm>> -> memref<48xf32, #tpu.memory_space<hbm>>
            %dma_start3A_818 = tpu.memref_slice %run_scoped3A_21[%rem3A_806] : memref<2x!tpu.dma_semaphore, #tpu.memory_space<semaphore_mem>> -> memref<1x!tpu.dma_semaphore, #tpu.memory_space<semaphore_mem>>
            %dma_start3A_819 = tpu.memref_squeeze %dma_start3A_818 : memref<1x!tpu.dma_semaphore, #tpu.memory_space<semaphore_mem>> -> memref<!tpu.dma_semaphore, #tpu.memory_space<semaphore_mem>>
            %dma_start3A_820 = tpu.memref_slice %arg4[%mul3A_811] : memref<6144xf32, #tpu.memory_space<hbm>> -> memref<48xf32, #tpu.memory_space<hbm>>
            %dma_start3A_821 = tpu.memref_slice %run_scoped3A_20[%add3A_815] : memref<96xf32, #tpu.memory_space<vmem>> -> memref<48xf32, #tpu.memory_space<vmem>>
            tpu.enqueue_dma source(%dma_start3A_821 : memref<48xf32, #tpu.memory_space<vmem>>) target(%dma_start3A_820 : memref<48xf32, #tpu.memory_space<hbm>>) target_semaphore(%dma_start3A_819 : memref<!tpu.dma_semaphore, #tpu.memory_space<semaphore_mem>>)
            "tpu.trace_stop"() : () -> ()
          } else {
          }
          %and3A_642 = arith.constant true
          %and3A_643 = arith.andi %or3A_638, %and3A_642 : i1
          %add3A_644 = arith.constant 1 : i32
          %add3A_645 = arith.addi %while3A_260, %add3A_644 : i32
          %select_n3A_646 = arith.select %and3A_643, %add3A_645, %while3A_260 : i32
          %mul3A_647 = arith.constant 16 : i32
          %mul3A_648 = arith.muli %add3A_276, %mul3A_647 : i32
          %add3A_649 = arith.addi %mul3A_648, %add3A_277 : i32
          %mul3A_650 = arith.constant 16 : i32
          %mul3A_651 = arith.muli %add3A_312, %mul3A_650 : i32
          %add3A_652 = arith.addi %mul3A_651, %add3A_313 : i32
          %ne3A_653 = arith.cmpi ne, %add3A_649, %add3A_652 : i32
          %or3A_654 = arith.constant false
          %or3A_655 = arith.ori %or3A_654, %ne3A_653 : i1
          %or3A_656 = arith.ori %or3A_655, %eq3A_274 : i1
          %convert_element_type3A_657 = arith.extui %or3A_656 : i1 to i32
          %cond3A_658 = arith.constant 0 : i32
          %cond3A_659 = arith.cmpi ne, %convert_element_type3A_657, %cond3A_658 : i32
          scf.if %cond3A_659 {
            "tpu.trace_start"() <{level = 10 : i32, message = "ep_copy_out"}> : () -> ()
            %rem3A_805 = arith.constant 2 : i32
            %rem3A_806 = arith.remui %while3A_262, %rem3A_805 : i32
            %mul3A_807 = arith.constant 16 : i32
            %mul3A_808 = arith.muli %add3A_276, %mul3A_807 : i32
            %add3A_809 = arith.addi %mul3A_808, %add3A_277 : i32
            %mul3A_810 = arith.constant 48 : i32
            %mul3A_811 = arith.muli %mul3A_810, %add3A_809 : i32
            %mul3A_812 = arith.constant 48 : i32
            %mul3A_813 = arith.muli %rem3A_806, %mul3A_812 : i32
            %add3A_814 = arith.constant 0 : i32
            %add3A_815 = arith.addi %mul3A_813, %add3A_814 : i32
            %dma_start3A_816 = tpu.memref_slice %run_scoped3A_22[%add3A_815] : memref<96xf32, #tpu.memory_space<vmem>> -> memref<48xf32, #tpu.memory_space<vmem>>
            %dma_start3A_817 = tpu.memref_slice %arg5[%mul3A_811] : memref<6144xf32, #tpu.memory_space<hbm>> -> memref<48xf32, #tpu.memory_space<hbm>>
            %dma_start3A_818 = tpu.memref_slice %run_scoped3A_23[%rem3A_806] : memref<2x!tpu.dma_semaphore, #tpu.memory_space<semaphore_mem>> -> memref<1x!tpu.dma_semaphore, #tpu.memory_space<semaphore_mem>>
            %dma_start3A_819 = tpu.memref_squeeze %dma_start3A_818 : memref<1x!tpu.dma_semaphore, #tpu.memory_space<semaphore_mem>> -> memref<!tpu.dma_semaphore, #tpu.memory_space<semaphore_mem>>
            %dma_start3A_820 = tpu.memref_slice %arg5[%mul3A_811] : memref<6144xf32, #tpu.memory_space<hbm>> -> memref<48xf32, #tpu.memory_space<hbm>>
            %dma_start3A_821 = tpu.memref_slice %run_scoped3A_22[%add3A_815] : memref<96xf32, #tpu.memory_space<vmem>> -> memref<48xf32, #tpu.memory_space<vmem>>
            tpu.enqueue_dma source(%dma_start3A_821 : memref<48xf32, #tpu.memory_space<vmem>>) target(%dma_start3A_820 : memref<48xf32, #tpu.memory_space<hbm>>) target_semaphore(%dma_start3A_819 : memref<!tpu.dma_semaphore, #tpu.memory_space<semaphore_mem>>)
            "tpu.trace_stop"() : () -> ()
          } else {
          }
          %and3A_660 = arith.constant true
          %and3A_661 = arith.andi %or3A_656, %and3A_660 : i1
          %add3A_662 = arith.constant 1 : i32
          %add3A_663 = arith.addi %while3A_262, %add3A_662 : i32
          %select_n3A_664 = arith.select %and3A_661, %add3A_663, %while3A_262 : i32
          %mul3A_665 = arith.constant 16 : i32
          %mul3A_666 = arith.muli %add3A_276, %mul3A_665 : i32
          %add3A_667 = arith.addi %mul3A_666, %add3A_277 : i32
          %mul3A_668 = arith.constant 16 : i32
          %mul3A_669 = arith.muli %add3A_312, %mul3A_668 : i32
          %add3A_670 = arith.addi %mul3A_669, %add3A_313 : i32
          %ne3A_671 = arith.cmpi ne, %add3A_667, %add3A_670 : i32
          %or3A_672 = arith.constant false
          %or3A_673 = arith.ori %or3A_672, %ne3A_671 : i1
          %or3A_674 = arith.ori %or3A_673, %eq3A_274 : i1
          %convert_element_type3A_675 = arith.extui %or3A_674 : i1 to i32
          %cond3A_676 = arith.constant 0 : i32
          %cond3A_677 = arith.cmpi ne, %convert_element_type3A_675, %cond3A_676 : i32
          scf.if %cond3A_677 {
            "tpu.trace_start"() <{level = 10 : i32, message = "ep_copy_out"}> : () -> ()
            %rem3A_805 = arith.constant 2 : i32
            %rem3A_806 = arith.remui %while3A_264, %rem3A_805 : i32
            %mul3A_807 = arith.constant 16 : i32
            %mul3A_808 = arith.muli %add3A_276, %mul3A_807 : i32
            %add3A_809 = arith.addi %mul3A_808, %add3A_277 : i32
            %mul3A_810 = arith.constant 48 : i32
            %mul3A_811 = arith.muli %mul3A_810, %add3A_809 : i32
            %mul3A_812 = arith.constant 48 : i32
            %mul3A_813 = arith.muli %rem3A_806, %mul3A_812 : i32
            %add3A_814 = arith.constant 0 : i32
            %add3A_815 = arith.addi %mul3A_813, %add3A_814 : i32
            %dma_start3A_816 = tpu.memref_slice %run_scoped3A_24[%add3A_815] : memref<96xf32, #tpu.memory_space<vmem>> -> memref<48xf32, #tpu.memory_space<vmem>>
            %dma_start3A_817 = tpu.memref_slice %arg6[%mul3A_811] : memref<6144xf32, #tpu.memory_space<hbm>> -> memref<48xf32, #tpu.memory_space<hbm>>
            %dma_start3A_818 = tpu.memref_slice %run_scoped3A_25[%rem3A_806] : memref<2x!tpu.dma_semaphore, #tpu.memory_space<semaphore_mem>> -> memref<1x!tpu.dma_semaphore, #tpu.memory_space<semaphore_mem>>
            %dma_start3A_819 = tpu.memref_squeeze %dma_start3A_818 : memref<1x!tpu.dma_semaphore, #tpu.memory_space<semaphore_mem>> -> memref<!tpu.dma_semaphore, #tpu.memory_space<semaphore_mem>>
            %dma_start3A_820 = tpu.memref_slice %arg6[%mul3A_811] : memref<6144xf32, #tpu.memory_space<hbm>> -> memref<48xf32, #tpu.memory_space<hbm>>
            %dma_start3A_821 = tpu.memref_slice %run_scoped3A_24[%add3A_815] : memref<96xf32, #tpu.memory_space<vmem>> -> memref<48xf32, #tpu.memory_space<vmem>>
            tpu.enqueue_dma source(%dma_start3A_821 : memref<48xf32, #tpu.memory_space<vmem>>) target(%dma_start3A_820 : memref<48xf32, #tpu.memory_space<hbm>>) target_semaphore(%dma_start3A_819 : memref<!tpu.dma_semaphore, #tpu.memory_space<semaphore_mem>>)
            "tpu.trace_stop"() : () -> ()
          } else {
          }
          %and3A_678 = arith.constant true
          %and3A_679 = arith.andi %or3A_674, %and3A_678 : i1
          %add3A_680 = arith.constant 1 : i32
          %add3A_681 = arith.addi %while3A_264, %add3A_680 : i32
          %select_n3A_682 = arith.select %and3A_679, %add3A_681, %while3A_264 : i32
          %ne3A_683 = arith.cmpi ne, %add3A_276, %add3A_295 : i32
          %ne3A_684 = arith.cmpi ne, %add3A_277, %add3A_296 : i32
          %or3A_685 = arith.constant false
          %or3A_686 = arith.ori %or3A_685, %ne3A_683 : i1
          %or3A_687 = arith.ori %or3A_686, %ne3A_684 : i1
          %or3A_688 = arith.constant false
          %or3A_689 = arith.ori %or3A_687, %or3A_688 : i1
          %not3A_690 = arith.constant true
          %not3A_691 = arith.xori %eq3A_271, %not3A_690 : i1
          %and3A_692 = arith.andi %or3A_689, %not3A_691 : i1
          %convert_element_type3A_693 = arith.extui %and3A_692 : i1 to i32
          %cond3A_694 = arith.constant 0 : i32
          %cond3A_695 = arith.cmpi ne, %convert_element_type3A_693, %cond3A_694 : i32
          scf.if %cond3A_695 {
          } else {
          }
          %and3A_696 = arith.constant false
          %and3A_697 = arith.andi %and3A_692, %and3A_696 : i1
          %ne3A_698 = arith.cmpi ne, %add3A_276, %add3A_295 : i32
          %or3A_699 = arith.constant false
          %or3A_700 = arith.ori %or3A_699, %ne3A_698 : i1
          %or3A_701 = arith.constant false
          %or3A_702 = arith.ori %or3A_700, %or3A_701 : i1
          %not3A_703 = arith.constant true
          %not3A_704 = arith.xori %eq3A_271, %not3A_703 : i1
          %and3A_705 = arith.andi %or3A_702, %not3A_704 : i1
          %convert_element_type3A_706 = arith.extui %and3A_705 : i1 to i32
          %cond3A_707 = arith.constant 0 : i32
          %cond3A_708 = arith.cmpi ne, %convert_element_type3A_706, %cond3A_707 : i32
          scf.if %cond3A_708 {
          } else {
          }
          %and3A_709 = arith.constant false
          %and3A_710 = arith.andi %and3A_705, %and3A_709 : i1
          %mul3A_711 = arith.constant 16 : i32
          %mul3A_712 = arith.muli %add3A_276, %mul3A_711 : i32
          %add3A_713 = arith.addi %mul3A_712, %add3A_277 : i32
          %mul3A_714 = arith.constant 16 : i32
          %mul3A_715 = arith.muli %add3A_295, %mul3A_714 : i32
          %add3A_716 = arith.addi %mul3A_715, %add3A_296 : i32
          %ne3A_717 = arith.cmpi ne, %add3A_713, %add3A_716 : i32
          %or3A_718 = arith.constant false
          %or3A_719 = arith.ori %or3A_718, %ne3A_717 : i1
          %not3A_720 = arith.constant true
          %not3A_721 = arith.xori %eq3A_271, %not3A_720 : i1
          %and3A_722 = arith.andi %or3A_719, %not3A_721 : i1
          %convert_element_type3A_723 = arith.extui %and3A_722 : i1 to i32
          %cond3A_724 = arith.constant 0 : i32
          %cond3A_725 = arith.cmpi ne, %convert_element_type3A_723, %cond3A_724 : i32
          scf.if %cond3A_725 {
            "tpu.trace_start"() <{level = 10 : i32, message = "ep_wait_out"}> : () -> ()
            %rem3A_805 = arith.constant 2 : i32
            %rem3A_806 = arith.remui %while3A_261, %rem3A_805 : i32
            %mul3A_807 = arith.constant 16 : i32
            %mul3A_808 = arith.muli %add3A_295, %mul3A_807 : i32
            %add3A_809 = arith.addi %mul3A_808, %add3A_296 : i32
            %mul3A_810 = arith.constant 48 : i32
            %mul3A_811 = arith.muli %mul3A_810, %add3A_809 : i32
            %mul3A_812 = arith.constant 48 : i32
            %mul3A_813 = arith.muli %rem3A_806, %mul3A_812 : i32
            %add3A_814 = arith.constant 0 : i32
            %add3A_815 = arith.addi %mul3A_813, %add3A_814 : i32
            %dma_wait3A = tpu.memref_slice %run_scoped3A_20[%add3A_815] : memref<96xf32, #tpu.memory_space<vmem>> -> memref<48xf32, #tpu.memory_space<vmem>>
            %dma_wait3A_816 = tpu.memref_slice %arg4[%mul3A_811] : memref<6144xf32, #tpu.memory_space<hbm>> -> memref<48xf32, #tpu.memory_space<hbm>>
            %dma_wait3A_817 = tpu.memref_slice %run_scoped3A_21[%rem3A_806] : memref<2x!tpu.dma_semaphore, #tpu.memory_space<semaphore_mem>> -> memref<1x!tpu.dma_semaphore, #tpu.memory_space<semaphore_mem>>
            %dma_wait3A_818 = tpu.memref_squeeze %dma_wait3A_817 : memref<1x!tpu.dma_semaphore, #tpu.memory_space<semaphore_mem>> -> memref<!tpu.dma_semaphore, #tpu.memory_space<semaphore_mem>>
            %dma_wait3A_819 = tpu.memref_slice %arg4[%mul3A_811] : memref<6144xf32, #tpu.memory_space<hbm>> -> memref<48xf32, #tpu.memory_space<hbm>>
            %dma_wait3A_820 = tpu.memref_slice %run_scoped3A_20[%add3A_815] : memref<96xf32, #tpu.memory_space<vmem>> -> memref<48xf32, #tpu.memory_space<vmem>>
            tpu.wait_dma2 semaphore(%dma_wait3A_818 : memref<!tpu.dma_semaphore, #tpu.memory_space<semaphore_mem>>) src(%dma_wait3A_820 : memref<48xf32, #tpu.memory_space<vmem>>) dst(%dma_wait3A_819 : memref<48xf32, #tpu.memory_space<hbm>>)
            "tpu.trace_stop"() : () -> ()
          } else {
          }
          %and3A_726 = arith.constant true
          %and3A_727 = arith.andi %and3A_722, %and3A_726 : i1
          %add3A_728 = arith.constant 1 : i32
          %add3A_729 = arith.addi %while3A_261, %add3A_728 : i32
          %select_n3A_730 = arith.select %and3A_727, %add3A_729, %while3A_261 : i32
          %mul3A_731 = arith.constant 16 : i32
          %mul3A_732 = arith.muli %add3A_276, %mul3A_731 : i32
          %add3A_733 = arith.addi %mul3A_732, %add3A_277 : i32
          %mul3A_734 = arith.constant 16 : i32
          %mul3A_735 = arith.muli %add3A_295, %mul3A_734 : i32
          %add3A_736 = arith.addi %mul3A_735, %add3A_296 : i32
          %ne3A_737 = arith.cmpi ne, %add3A_733, %add3A_736 : i32
          %or3A_738 = arith.constant false
          %or3A_739 = arith.ori %or3A_738, %ne3A_737 : i1
          %not3A_740 = arith.constant true
          %not3A_741 = arith.xori %eq3A_271, %not3A_740 : i1
          %and3A_742 = arith.andi %or3A_739, %not3A_741 : i1
          %convert_element_type3A_743 = arith.extui %and3A_742 : i1 to i32
          %cond3A_744 = arith.constant 0 : i32
          %cond3A_745 = arith.cmpi ne, %convert_element_type3A_743, %cond3A_744 : i32
          scf.if %cond3A_745 {
            "tpu.trace_start"() <{level = 10 : i32, message = "ep_wait_out"}> : () -> ()
            %rem3A_805 = arith.constant 2 : i32
            %rem3A_806 = arith.remui %while3A_263, %rem3A_805 : i32
            %mul3A_807 = arith.constant 16 : i32
            %mul3A_808 = arith.muli %add3A_295, %mul3A_807 : i32
            %add3A_809 = arith.addi %mul3A_808, %add3A_296 : i32
            %mul3A_810 = arith.constant 48 : i32
            %mul3A_811 = arith.muli %mul3A_810, %add3A_809 : i32
            %mul3A_812 = arith.constant 48 : i32
            %mul3A_813 = arith.muli %rem3A_806, %mul3A_812 : i32
            %add3A_814 = arith.constant 0 : i32
            %add3A_815 = arith.addi %mul3A_813, %add3A_814 : i32
            %dma_wait3A = tpu.memref_slice %run_scoped3A_22[%add3A_815] : memref<96xf32, #tpu.memory_space<vmem>> -> memref<48xf32, #tpu.memory_space<vmem>>
            %dma_wait3A_816 = tpu.memref_slice %arg5[%mul3A_811] : memref<6144xf32, #tpu.memory_space<hbm>> -> memref<48xf32, #tpu.memory_space<hbm>>
            %dma_wait3A_817 = tpu.memref_slice %run_scoped3A_23[%rem3A_806] : memref<2x!tpu.dma_semaphore, #tpu.memory_space<semaphore_mem>> -> memref<1x!tpu.dma_semaphore, #tpu.memory_space<semaphore_mem>>
            %dma_wait3A_818 = tpu.memref_squeeze %dma_wait3A_817 : memref<1x!tpu.dma_semaphore, #tpu.memory_space<semaphore_mem>> -> memref<!tpu.dma_semaphore, #tpu.memory_space<semaphore_mem>>
            %dma_wait3A_819 = tpu.memref_slice %arg5[%mul3A_811] : memref<6144xf32, #tpu.memory_space<hbm>> -> memref<48xf32, #tpu.memory_space<hbm>>
            %dma_wait3A_820 = tpu.memref_slice %run_scoped3A_22[%add3A_815] : memref<96xf32, #tpu.memory_space<vmem>> -> memref<48xf32, #tpu.memory_space<vmem>>
            tpu.wait_dma2 semaphore(%dma_wait3A_818 : memref<!tpu.dma_semaphore, #tpu.memory_space<semaphore_mem>>) src(%dma_wait3A_820 : memref<48xf32, #tpu.memory_space<vmem>>) dst(%dma_wait3A_819 : memref<48xf32, #tpu.memory_space<hbm>>)
            "tpu.trace_stop"() : () -> ()
          } else {
          }
          %and3A_746 = arith.constant true
          %and3A_747 = arith.andi %and3A_742, %and3A_746 : i1
          %add3A_748 = arith.constant 1 : i32
          %add3A_749 = arith.addi %while3A_263, %add3A_748 : i32
          %select_n3A_750 = arith.select %and3A_747, %add3A_749, %while3A_263 : i32
          %mul3A_751 = arith.constant 16 : i32
          %mul3A_752 = arith.muli %add3A_276, %mul3A_751 : i32
          %add3A_753 = arith.addi %mul3A_752, %add3A_277 : i32
          %mul3A_754 = arith.constant 16 : i32
          %mul3A_755 = arith.muli %add3A_295, %mul3A_754 : i32
          %add3A_756 = arith.addi %mul3A_755, %add3A_296 : i32
          %ne3A_757 = arith.cmpi ne, %add3A_753, %add3A_756 : i32
          %or3A_758 = arith.constant false
          %or3A_759 = arith.ori %or3A_758, %ne3A_757 : i1
          %not3A_760 = arith.constant true
          %not3A_761 = arith.xori %eq3A_271, %not3A_760 : i1
          %and3A_762 = arith.andi %or3A_759, %not3A_761 : i1
          %convert_element_type3A_763 = arith.extui %and3A_762 : i1 to i32
          %cond3A_764 = arith.constant 0 : i32
          %cond3A_765 = arith.cmpi ne, %convert_element_type3A_763, %cond3A_764 : i32
          scf.if %cond3A_765 {
            "tpu.trace_start"() <{level = 10 : i32, message = "ep_wait_out"}> : () -> ()
            %rem3A_805 = arith.constant 2 : i32
            %rem3A_806 = arith.remui %while3A_265, %rem3A_805 : i32
            %mul3A_807 = arith.constant 16 : i32
            %mul3A_808 = arith.muli %add3A_295, %mul3A_807 : i32
            %add3A_809 = arith.addi %mul3A_808, %add3A_296 : i32
            %mul3A_810 = arith.constant 48 : i32
            %mul3A_811 = arith.muli %mul3A_810, %add3A_809 : i32
            %mul3A_812 = arith.constant 48 : i32
            %mul3A_813 = arith.muli %rem3A_806, %mul3A_812 : i32
            %add3A_814 = arith.constant 0 : i32
            %add3A_815 = arith.addi %mul3A_813, %add3A_814 : i32
            %dma_wait3A = tpu.memref_slice %run_scoped3A_24[%add3A_815] : memref<96xf32, #tpu.memory_space<vmem>> -> memref<48xf32, #tpu.memory_space<vmem>>
            %dma_wait3A_816 = tpu.memref_slice %arg6[%mul3A_811] : memref<6144xf32, #tpu.memory_space<hbm>> -> memref<48xf32, #tpu.memory_space<hbm>>
            %dma_wait3A_817 = tpu.memref_slice %run_scoped3A_25[%rem3A_806] : memref<2x!tpu.dma_semaphore, #tpu.memory_space<semaphore_mem>> -> memref<1x!tpu.dma_semaphore, #tpu.memory_space<semaphore_mem>>
            %dma_wait3A_818 = tpu.memref_squeeze %dma_wait3A_817 : memref<1x!tpu.dma_semaphore, #tpu.memory_space<semaphore_mem>> -> memref<!tpu.dma_semaphore, #tpu.memory_space<semaphore_mem>>
            %dma_wait3A_819 = tpu.memref_slice %arg6[%mul3A_811] : memref<6144xf32, #tpu.memory_space<hbm>> -> memref<48xf32, #tpu.memory_space<hbm>>
            %dma_wait3A_820 = tpu.memref_slice %run_scoped3A_24[%add3A_815] : memref<96xf32, #tpu.memory_space<vmem>> -> memref<48xf32, #tpu.memory_space<vmem>>
            tpu.wait_dma2 semaphore(%dma_wait3A_818 : memref<!tpu.dma_semaphore, #tpu.memory_space<semaphore_mem>>) src(%dma_wait3A_820 : memref<48xf32, #tpu.memory_space<vmem>>) dst(%dma_wait3A_819 : memref<48xf32, #tpu.memory_space<hbm>>)
            "tpu.trace_stop"() : () -> ()
          } else {
          }
          %and3A_766 = arith.constant true
          %and3A_767 = arith.andi %and3A_762, %and3A_766 : i1
          %add3A_768 = arith.constant 1 : i32
          %add3A_769 = arith.addi %while3A_265, %add3A_768 : i32
          %select_n3A_770 = arith.select %and3A_767, %add3A_769, %while3A_265 : i32
          %ne3A_771 = arith.cmpi ne, %add3A_276, %add3A_312 : i32
          %ne3A_772 = arith.cmpi ne, %add3A_277, %add3A_313 : i32
          %or3A_773 = arith.constant false
          %or3A_774 = arith.ori %or3A_773, %ne3A_771 : i1
          %or3A_775 = arith.ori %or3A_774, %ne3A_772 : i1
          %or3A_776 = arith.constant false
          %or3A_777 = arith.ori %or3A_775, %or3A_776 : i1
          %or3A_778 = arith.ori %or3A_777, %eq3A_274 : i1
          %add3A_779 = arith.constant 1 : i32
          %add3A_780 = arith.addi %while3A_257, %add3A_779 : i32
          %select_n3A_781 = arith.select %or3A_778, %add3A_780, %while3A_257 : i32
          %ne3A_782 = arith.cmpi ne, %add3A_276, %add3A_312 : i32
          %or3A_783 = arith.constant false
          %or3A_784 = arith.ori %or3A_783, %ne3A_782 : i1
          %or3A_785 = arith.constant false
          %or3A_786 = arith.ori %or3A_784, %or3A_785 : i1
          %or3A_787 = arith.ori %or3A_786, %eq3A_274 : i1
          %add3A_788 = arith.constant 1 : i32
          %add3A_789 = arith.addi %while3A_259, %add3A_788 : i32
          %select_n3A_790 = arith.select %or3A_787, %add3A_789, %while3A_259 : i32
          %add3A_791 = arith.constant 1 : i32
          %add3A_792 = arith.addi %while3A_267, %add3A_791 : i32
          %select_n3A_793 = arith.constant true
          %select_n3A_794 = arith.select %select_n3A_793, %add3A_792, %while3A_267 : i32
          %eq3A_795 = arith.cmpi eq, %select_n3A_794, %select_n3A : i32
          %select_n3A_796 = arith.constant 0 : i32
          %select_n3A_797 = arith.select %eq3A_795, %select_n3A_796, %select_n3A_794 : i32
          %add3A_798 = arith.constant 1 : i32
          %add3A_799 = arith.addi %while3A_266, %add3A_798 : i32
          %select_n3A_800 = arith.select %eq3A_795, %add3A_799, %while3A_266 : i32
          %eq3A_801 = arith.constant 8 : i32
          %eq3A_802 = arith.cmpi eq, %select_n3A_800, %eq3A_801 : i32
          %select_n3A_803 = arith.constant 0 : i32
          %select_n3A_804 = arith.select %eq3A_802, %select_n3A_803, %select_n3A_800 : i32
          scf.yield %select_n3A_348, %select_n3A_781, %select_n3A_369, %select_n3A_790, %select_n3A_646, %select_n3A_730, %select_n3A_664, %select_n3A_750, %select_n3A_682, %select_n3A_770, %select_n3A_804, %select_n3A_797 : i32, i32, i32, i32, i32, i32, i32, i32, i32, i32, i32, i32
        }
        %while3A_157 = arith.constant 1 : i32
        %while3A_158:12 = scf.for %while3A_255 = %while3A_154 to %while3A_150 step %while3A_157 iter_args(%while3A_256 = %while3A_156#0, %while3A_257 = %while3A_156#1, %while3A_258 = %while3A_156#2, %while3A_259 = %while3A_156#3, %while3A_260 = %while3A_156#4, %while3A_261 = %while3A_156#5, %while3A_262 = %while3A_156#6, %while3A_263 = %while3A_156#7, %while3A_264 = %while3A_156#8, %while3A_265 = %while3A_156#9, %while3A_266 = %while3A_156#10, %while3A_267 = %while3A_156#11) -> (i32, i32, i32, i32, i32, i32, i32, i32, i32, i32, i32, i32)  : i32 {
          %mul3A_268 = arith.constant 8 : i32
          %mul3A_269 = arith.muli %mul3A_268, %select_n3A : i32
          %eq3A_270 = arith.constant 0 : i32
          %eq3A_271 = arith.cmpi eq, %while3A_255, %eq3A_270 : i32
          %sub3A_272 = arith.constant 1 : i32
          %sub3A_273 = arith.subi %mul3A_269, %sub3A_272 : i32
          %eq3A_274 = arith.cmpi eq, %while3A_255, %sub3A_273 : i32
          %add3A_275 = arith.constant 0 : i32
          %add3A_276 = arith.addi %while3A_266, %add3A_275 : i32
          %add3A_277 = arith.addi %while3A_267, %select_n3A_14 : i32
          %sub3A_278 = arith.constant 1 : i32
          %sub3A_279 = arith.subi %while3A_267, %sub3A_278 : i32
          %select_n3A_280 = arith.constant true
          %select_n3A_281 = arith.select %select_n3A_280, %sub3A_279, %while3A_267 : i32
          %eq3A_282 = arith.constant -1 : i32
          %eq3A_283 = arith.cmpi eq, %select_n3A_281, %eq3A_282 : i32
          %sub3A_284 = arith.constant 1 : i32
          %sub3A_285 = arith.subi %select_n3A, %sub3A_284 : i32
          %select_n3A_286 = arith.select %eq3A_283, %sub3A_285, %select_n3A_281 : i32
          %sub3A_287 = arith.constant 1 : i32
          %sub3A_288 = arith.subi %while3A_266, %sub3A_287 : i32
          %select_n3A_289 = arith.select %eq3A_283, %sub3A_288, %while3A_266 : i32
          %eq3A_290 = arith.constant -1 : i32
          %eq3A_291 = arith.cmpi eq, %select_n3A_289, %eq3A_290 : i32
          %select_n3A_292 = arith.constant 7 : i32
          %select_n3A_293 = arith.select %eq3A_291, %select_n3A_292, %select_n3A_289 : i32
          %add3A_294 = arith.constant 0 : i32
          %add3A_295 = arith.addi %select_n3A_293, %add3A_294 : i32
          %add3A_296 = arith.addi %select_n3A_286, %select_n3A_14 : i32
          %add3A_297 = arith.constant 1 : i32
          %add3A_298 = arith.addi %while3A_267, %add3A_297 : i32
          %select_n3A_299 = arith.constant true
          %select_n3A_300 = arith.select %select_n3A_299, %add3A_298, %while3A_267 : i32
          %eq3A_301 = arith.cmpi eq, %select_n3A_300, %select_n3A : i32
          %select_n3A_302 = arith.constant 0 : i32
          %select_n3A_303 = arith.select %eq3A_301, %select_n3A_302, %select_n3A_300 : i32
          %add3A_304 = arith.constant 1 : i32
          %add3A_305 = arith.addi %while3A_266, %add3A_304 : i32
          %select_n3A_306 = arith.select %eq3A_301, %add3A_305, %while3A_266 : i32
          %eq3A_307 = arith.constant 8 : i32
          %eq3A_308 = arith.cmpi eq, %select_n3A_306, %eq3A_307 : i32
          %select_n3A_309 = arith.constant 0 : i32
          %select_n3A_310 = arith.select %eq3A_308, %select_n3A_309, %select_n3A_306 : i32
          %add3A_311 = arith.constant 0 : i32
          %add3A_312 = arith.addi %select_n3A_310, %add3A_311 : i32
          %add3A_313 = arith.addi %select_n3A_303, %select_n3A_14 : i32
          %add3A_314 = arith.constant 1 : i32
          %add3A_315 = arith.addi %select_n3A_303, %add3A_314 : i32
          %select_n3A_316 = arith.constant true
          %select_n3A_317 = arith.select %select_n3A_316, %add3A_315, %select_n3A_303 : i32
          %eq3A_318 = arith.cmpi eq, %select_n3A_317, %select_n3A : i32
          %select_n3A_319 = arith.constant 0 : i32
          %select_n3A_320 = arith.select %eq3A_318, %select_n3A_319, %select_n3A_317 : i32
          %add3A_321 = arith.constant 1 : i32
          %add3A_322 = arith.addi %select_n3A_310, %add3A_321 : i32
          %select_n3A_323 = arith.select %eq3A_318, %add3A_322, %select_n3A_310 : i32
          %eq3A_324 = arith.constant 8 : i32
          %eq3A_325 = arith.cmpi eq, %select_n3A_323, %eq3A_324 : i32
          %select_n3A_326 = arith.constant 0 : i32
          %select_n3A_327 = arith.select %eq3A_325, %select_n3A_326, %select_n3A_323 : i32
          %add3A_328 = arith.constant 0 : i32
          %add3A_329 = arith.addi %select_n3A_327, %add3A_328 : i32
          %add3A_330 = arith.addi %select_n3A_320, %select_n3A_14 : i32
          %ne3A = arith.cmpi ne, %add3A_276, %add3A_312 : i32
          %ne3A_331 = arith.cmpi ne, %add3A_277, %add3A_313 : i32
          %or3A = arith.constant false
          %or3A_332 = arith.ori %or3A, %ne3A : i1
          %or3A_333 = arith.ori %or3A_332, %ne3A_331 : i1
          %or3A_334 = arith.constant false
          %or3A_335 = arith.ori %or3A_333, %or3A_334 : i1
          %sub3A_336 = arith.constant 2 : i32
          %sub3A_337 = arith.subi %mul3A_269, %sub3A_336 : i32
          %add3A_338 = arith.constant 1 : i32
          %add3A_339 = arith.addi %sub3A_337, %add3A_338 : i32
          %ge3A = arith.cmpi sge, %while3A_255, %add3A_339 : i32
          %not3A = arith.constant true
          %not3A_340 = arith.xori %ge3A, %not3A : i1
          %and3A = arith.andi %or3A_335, %not3A_340 : i1
          %convert_element_type3A_341 = arith.extui %and3A : i1 to i32
          %cond3A_342 = arith.constant 0 : i32
          %cond3A_343 = arith.cmpi ne, %convert_element_type3A_341, %cond3A_342 : i32
          scf.if %cond3A_343 {
            "tpu.trace_start"() <{level = 10 : i32, message = "ep_copy_in"}> : () -> ()
            %rem3A_805 = arith.constant 2 : i32
            %rem3A_806 = arith.remui %while3A_256, %rem3A_805 : i32
            %mul3A_807 = arith.constant 1 : i32
            %mul3A_808 = arith.muli %mul3A_807, %add3A_312 : i32
            %mul3A_809 = arith.constant 48 : i32
            %mul3A_810 = arith.muli %mul3A_809, %add3A_313 : i32
            %dma_start3A_811 = arith.constant 0 : i32
            %dma_start3A_812 = arith.constant 0 : i32
            %dma_start3A_813 = arith.constant 0 : i32
            %dma_start3A_814 = tpu.memref_slice %run_scoped3A[%rem3A_806, %dma_start3A_811, %dma_start3A_812, %dma_start3A_813] : memref<2x1x48x512xf32, #tpu.memory_space<vmem>> -> memref<1x1x48x512xf32, #tpu.memory_space<vmem>>
            %dma_start3A_815 = tpu.memref_squeeze %dma_start3A_814 : memref<1x1x48x512xf32, #tpu.memory_space<vmem>> -> memref<1x48x512xf32, #tpu.memory_space<vmem>>
            %dma_start3A_816 = arith.constant 0 : i32
            %dma_start3A_817 = tpu.memref_slice %arg2[%mul3A_808, %mul3A_810, %dma_start3A_816] : memref<128x768x512xf32, #tpu.memory_space<hbm>> -> memref<1x48x512xf32, #tpu.memory_space<hbm>>
            %dma_start3A_818 = tpu.memref_slice %run_scoped3A_17[%rem3A_806] : memref<2x!tpu.dma_semaphore, #tpu.memory_space<semaphore_mem>> -> memref<1x!tpu.dma_semaphore, #tpu.memory_space<semaphore_mem>>
            %dma_start3A_819 = tpu.memref_squeeze %dma_start3A_818 : memref<1x!tpu.dma_semaphore, #tpu.memory_space<semaphore_mem>> -> memref<!tpu.dma_semaphore, #tpu.memory_space<semaphore_mem>>
            %dma_start3A_820 = arith.constant 0 : i32
            %dma_start3A_821 = arith.constant 0 : i32
            %dma_start3A_822 = arith.constant 0 : i32
            %dma_start3A_823 = tpu.memref_slice %run_scoped3A[%rem3A_806, %dma_start3A_820, %dma_start3A_821, %dma_start3A_822] : memref<2x1x48x512xf32, #tpu.memory_space<vmem>> -> memref<1x1x48x512xf32, #tpu.memory_space<vmem>>
            %dma_start3A_824 = tpu.memref_squeeze %dma_start3A_823 : memref<1x1x48x512xf32, #tpu.memory_space<vmem>> -> memref<1x48x512xf32, #tpu.memory_space<vmem>>
            %dma_start3A_825 = arith.constant 0 : i32
            %dma_start3A_826 = tpu.memref_slice %arg2[%mul3A_808, %mul3A_810, %dma_start3A_825] : memref<128x768x512xf32, #tpu.memory_space<hbm>> -> memref<1x48x512xf32, #tpu.memory_space<hbm>>
            tpu.enqueue_dma source(%dma_start3A_826 : memref<1x48x512xf32, #tpu.memory_space<hbm>>) target(%dma_start3A_824 : memref<1x48x512xf32, #tpu.memory_space<vmem>>) target_semaphore(%dma_start3A_819 : memref<!tpu.dma_semaphore, #tpu.memory_space<semaphore_mem>>)
            "tpu.trace_stop"() : () -> ()
          } else {
          }
          %and3A_344 = arith.constant true
          %and3A_345 = arith.andi %and3A, %and3A_344 : i1
          %add3A_346 = arith.constant 1 : i32
          %add3A_347 = arith.addi %while3A_256, %add3A_346 : i32
          %select_n3A_348 = arith.select %and3A_345, %add3A_347, %while3A_256 : i32
          %ne3A_349 = arith.cmpi ne, %add3A_276, %add3A_312 : i32
          %or3A_350 = arith.constant false
          %or3A_351 = arith.ori %or3A_350, %ne3A_349 : i1
          %or3A_352 = arith.constant false
          %or3A_353 = arith.ori %or3A_351, %or3A_352 : i1
          %sub3A_354 = arith.constant 2 : i32
          %sub3A_355 = arith.subi %mul3A_269, %sub3A_354 : i32
          %add3A_356 = arith.constant 1 : i32
          %add3A_357 = arith.addi %sub3A_355, %add3A_356 : i32
          %ge3A_358 = arith.cmpi sge, %while3A_255, %add3A_357 : i32
          %not3A_359 = arith.constant true
          %not3A_360 = arith.xori %ge3A_358, %not3A_359 : i1
          %and3A_361 = arith.andi %or3A_353, %not3A_360 : i1
          %convert_element_type3A_362 = arith.extui %and3A_361 : i1 to i32
          %cond3A_363 = arith.constant 0 : i32
          %cond3A_364 = arith.cmpi ne, %convert_element_type3A_362, %cond3A_363 : i32
          scf.if %cond3A_364 {
            "tpu.trace_start"() <{level = 10 : i32, message = "ep_copy_in"}> : () -> ()
            %rem3A_805 = arith.constant 2 : i32
            %rem3A_806 = arith.remui %while3A_258, %rem3A_805 : i32
            %mul3A_807 = arith.constant 1 : i32
            %mul3A_808 = arith.muli %mul3A_807, %add3A_312 : i32
            %dma_start3A_809 = arith.constant 0 : i32
            %dma_start3A_810 = arith.constant 0 : i32
            %dma_start3A_811 = tpu.memref_slice %run_scoped3A_18[%rem3A_806, %dma_start3A_809, %dma_start3A_810] : memref<2x1x512xi32, #tpu.memory_space<vmem>> -> memref<1x1x512xi32, #tpu.memory_space<vmem>>
            %dma_start3A_812 = tpu.memref_squeeze %dma_start3A_811 : memref<1x1x512xi32, #tpu.memory_space<vmem>> -> memref<1x512xi32, #tpu.memory_space<vmem>>
            %dma_start3A_813 = arith.constant 0 : i32
            %dma_start3A_814 = tpu.memref_slice %arg3[%mul3A_808, %dma_start3A_813] : memref<128x512xi32, #tpu.memory_space<hbm>> -> memref<1x512xi32, #tpu.memory_space<hbm>>
            %dma_start3A_815 = tpu.memref_slice %run_scoped3A_19[%rem3A_806] : memref<2x!tpu.dma_semaphore, #tpu.memory_space<semaphore_mem>> -> memref<1x!tpu.dma_semaphore, #tpu.memory_space<semaphore_mem>>
            %dma_start3A_816 = tpu.memref_squeeze %dma_start3A_815 : memref<1x!tpu.dma_semaphore, #tpu.memory_space<semaphore_mem>> -> memref<!tpu.dma_semaphore, #tpu.memory_space<semaphore_mem>>
            %dma_start3A_817 = arith.constant 0 : i32
            %dma_start3A_818 = arith.constant 0 : i32
            %dma_start3A_819 = tpu.memref_slice %run_scoped3A_18[%rem3A_806, %dma_start3A_817, %dma_start3A_818] : memref<2x1x512xi32, #tpu.memory_space<vmem>> -> memref<1x1x512xi32, #tpu.memory_space<vmem>>
            %dma_start3A_820 = tpu.memref_squeeze %dma_start3A_819 : memref<1x1x512xi32, #tpu.memory_space<vmem>> -> memref<1x512xi32, #tpu.memory_space<vmem>>
            %dma_start3A_821 = arith.constant 0 : i32
            %dma_start3A_822 = tpu.memref_slice %arg3[%mul3A_808, %dma_start3A_821] : memref<128x512xi32, #tpu.memory_space<hbm>> -> memref<1x512xi32, #tpu.memory_space<hbm>>
            tpu.enqueue_dma source(%dma_start3A_822 : memref<1x512xi32, #tpu.memory_space<hbm>>) target(%dma_start3A_820 : memref<1x512xi32, #tpu.memory_space<vmem>>) target_semaphore(%dma_start3A_816 : memref<!tpu.dma_semaphore, #tpu.memory_space<semaphore_mem>>)
            "tpu.trace_stop"() : () -> ()
          } else {
          }
          %and3A_365 = arith.constant true
          %and3A_366 = arith.andi %and3A_361, %and3A_365 : i1
          %add3A_367 = arith.constant 1 : i32
          %add3A_368 = arith.addi %while3A_258, %add3A_367 : i32
          %select_n3A_369 = arith.select %and3A_366, %add3A_368, %while3A_258 : i32
          %mul3A_370 = arith.constant 16 : i32
          %mul3A_371 = arith.muli %add3A_276, %mul3A_370 : i32
          %add3A_372 = arith.addi %mul3A_371, %add3A_277 : i32
          %mul3A_373 = arith.constant 16 : i32
          %mul3A_374 = arith.muli %add3A_312, %mul3A_373 : i32
          %add3A_375 = arith.addi %mul3A_374, %add3A_313 : i32
          %ne3A_376 = arith.cmpi ne, %add3A_372, %add3A_375 : i32
          %or3A_377 = arith.constant false
          %or3A_378 = arith.ori %or3A_377, %ne3A_376 : i1
          %sub3A_379 = arith.constant 2 : i32
          %sub3A_380 = arith.subi %mul3A_269, %sub3A_379 : i32
          %add3A_381 = arith.constant 1 : i32
          %add3A_382 = arith.addi %sub3A_380, %add3A_381 : i32
          %ge3A_383 = arith.cmpi sge, %while3A_255, %add3A_382 : i32
          %not3A_384 = arith.constant true
          %not3A_385 = arith.xori %ge3A_383, %not3A_384 : i1
          %and3A_386 = arith.andi %or3A_378, %not3A_385 : i1
          %mul3A_387 = arith.constant 16 : i32
          %mul3A_388 = arith.muli %add3A_276, %mul3A_387 : i32
          %add3A_389 = arith.addi %mul3A_388, %add3A_277 : i32
          %mul3A_390 = arith.constant 16 : i32
          %mul3A_391 = arith.muli %add3A_312, %mul3A_390 : i32
          %add3A_392 = arith.addi %mul3A_391, %add3A_313 : i32
          %ne3A_393 = arith.cmpi ne, %add3A_389, %add3A_392 : i32
          %or3A_394 = arith.constant false
          %or3A_395 = arith.ori %or3A_394, %ne3A_393 : i1
          %sub3A_396 = arith.constant 2 : i32
          %sub3A_397 = arith.subi %mul3A_269, %sub3A_396 : i32
          %add3A_398 = arith.constant 1 : i32
          %add3A_399 = arith.addi %sub3A_397, %add3A_398 : i32
          %ge3A_400 = arith.cmpi sge, %while3A_255, %add3A_399 : i32
          %not3A_401 = arith.constant true
          %not3A_402 = arith.xori %ge3A_400, %not3A_401 : i1
          %and3A_403 = arith.andi %or3A_395, %not3A_402 : i1
          %mul3A_404 = arith.constant 16 : i32
          %mul3A_405 = arith.muli %add3A_276, %mul3A_404 : i32
          %add3A_406 = arith.addi %mul3A_405, %add3A_277 : i32
          %mul3A_407 = arith.constant 16 : i32
          %mul3A_408 = arith.muli %add3A_312, %mul3A_407 : i32
          %add3A_409 = arith.addi %mul3A_408, %add3A_313 : i32
          %ne3A_410 = arith.cmpi ne, %add3A_406, %add3A_409 : i32
          %or3A_411 = arith.constant false
          %or3A_412 = arith.ori %or3A_411, %ne3A_410 : i1
          %sub3A_413 = arith.constant 2 : i32
          %sub3A_414 = arith.subi %mul3A_269, %sub3A_413 : i32
          %add3A_415 = arith.constant 1 : i32
          %add3A_416 = arith.addi %sub3A_414, %add3A_415 : i32
          %ge3A_417 = arith.cmpi sge, %while3A_255, %add3A_416 : i32
          %not3A_418 = arith.constant true
          %not3A_419 = arith.xori %ge3A_417, %not3A_418 : i1
          %and3A_420 = arith.andi %or3A_412, %not3A_419 : i1
          %ne3A_421 = arith.cmpi ne, %add3A_276, %add3A_295 : i32
          %ne3A_422 = arith.cmpi ne, %add3A_277, %add3A_296 : i32
          %or3A_423 = arith.constant false
          %or3A_424 = arith.ori %or3A_423, %ne3A_421 : i1
          %or3A_425 = arith.ori %or3A_424, %ne3A_422 : i1
          %or3A_426 = arith.constant false
          %or3A_427 = arith.ori %or3A_425, %or3A_426 : i1
          %or3A_428 = arith.ori %or3A_427, %eq3A_271 : i1
          %convert_element_type3A_429 = arith.extui %or3A_428 : i1 to i32
          %cond3A_430 = arith.constant 0 : i32
          %cond3A_431 = arith.cmpi ne, %convert_element_type3A_429, %cond3A_430 : i32
          scf.if %cond3A_431 {
            "tpu.trace_start"() <{level = 10 : i32, message = "ep_wait_in"}> : () -> ()
            %mul3A_805 = arith.constant 1 : i32
            %mul3A_806 = arith.muli %mul3A_805, %add3A_276 : i32
            %mul3A_807 = arith.constant 48 : i32
            %mul3A_808 = arith.muli %mul3A_807, %add3A_277 : i32
            %rem3A_809 = arith.constant 2 : i32
            %rem3A_810 = arith.remui %while3A_257, %rem3A_809 : i32
            %dma_wait3A = arith.constant 0 : i32
            %dma_wait3A_811 = arith.constant 0 : i32
            %dma_wait3A_812 = arith.constant 0 : i32
            %dma_wait3A_813 = tpu.memref_slice %run_scoped3A[%rem3A_810, %dma_wait3A, %dma_wait3A_811, %dma_wait3A_812] : memref<2x1x48x512xf32, #tpu.memory_space<vmem>> -> memref<1x1x48x512xf32, #tpu.memory_space<vmem>>
            %dma_wait3A_814 = tpu.memref_squeeze %dma_wait3A_813 : memref<1x1x48x512xf32, #tpu.memory_space<vmem>> -> memref<1x48x512xf32, #tpu.memory_space<vmem>>
            %dma_wait3A_815 = arith.constant 0 : i32
            %dma_wait3A_816 = tpu.memref_slice %arg2[%mul3A_806, %mul3A_808, %dma_wait3A_815] : memref<128x768x512xf32, #tpu.memory_space<hbm>> -> memref<1x48x512xf32, #tpu.memory_space<hbm>>
            %dma_wait3A_817 = tpu.memref_slice %run_scoped3A_17[%rem3A_810] : memref<2x!tpu.dma_semaphore, #tpu.memory_space<semaphore_mem>> -> memref<1x!tpu.dma_semaphore, #tpu.memory_space<semaphore_mem>>
            %dma_wait3A_818 = tpu.memref_squeeze %dma_wait3A_817 : memref<1x!tpu.dma_semaphore, #tpu.memory_space<semaphore_mem>> -> memref<!tpu.dma_semaphore, #tpu.memory_space<semaphore_mem>>
            %dma_wait3A_819 = arith.constant 0 : i32
            %dma_wait3A_820 = arith.constant 0 : i32
            %dma_wait3A_821 = arith.constant 0 : i32
            %dma_wait3A_822 = tpu.memref_slice %run_scoped3A[%rem3A_810, %dma_wait3A_819, %dma_wait3A_820, %dma_wait3A_821] : memref<2x1x48x512xf32, #tpu.memory_space<vmem>> -> memref<1x1x48x512xf32, #tpu.memory_space<vmem>>
            %dma_wait3A_823 = tpu.memref_squeeze %dma_wait3A_822 : memref<1x1x48x512xf32, #tpu.memory_space<vmem>> -> memref<1x48x512xf32, #tpu.memory_space<vmem>>
            %dma_wait3A_824 = arith.constant 0 : i32
            %dma_wait3A_825 = tpu.memref_slice %arg2[%mul3A_806, %mul3A_808, %dma_wait3A_824] : memref<128x768x512xf32, #tpu.memory_space<hbm>> -> memref<1x48x512xf32, #tpu.memory_space<hbm>>
            tpu.wait_dma2 semaphore(%dma_wait3A_818 : memref<!tpu.dma_semaphore, #tpu.memory_space<semaphore_mem>>) src(%dma_wait3A_825 : memref<1x48x512xf32, #tpu.memory_space<hbm>>) dst(%dma_wait3A_823 : memref<1x48x512xf32, #tpu.memory_space<vmem>>)
            "tpu.trace_stop"() : () -> ()
          } else {
          }
          %ne3A_432 = arith.cmpi ne, %add3A_276, %add3A_295 : i32
          %or3A_433 = arith.constant false
          %or3A_434 = arith.ori %or3A_433, %ne3A_432 : i1
          %or3A_435 = arith.constant false
          %or3A_436 = arith.ori %or3A_434, %or3A_435 : i1
          %or3A_437 = arith.ori %or3A_436, %eq3A_271 : i1
          %convert_element_type3A_438 = arith.extui %or3A_437 : i1 to i32
          %cond3A_439 = arith.constant 0 : i32
          %cond3A_440 = arith.cmpi ne, %convert_element_type3A_438, %cond3A_439 : i32
          scf.if %cond3A_440 {
            "tpu.trace_start"() <{level = 10 : i32, message = "ep_wait_in"}> : () -> ()
            %mul3A_805 = arith.constant 1 : i32
            %mul3A_806 = arith.muli %mul3A_805, %add3A_276 : i32
            %rem3A_807 = arith.constant 2 : i32
            %rem3A_808 = arith.remui %while3A_259, %rem3A_807 : i32
            %dma_wait3A = arith.constant 0 : i32
            %dma_wait3A_809 = arith.constant 0 : i32
            %dma_wait3A_810 = tpu.memref_slice %run_scoped3A_18[%rem3A_808, %dma_wait3A, %dma_wait3A_809] : memref<2x1x512xi32, #tpu.memory_space<vmem>> -> memref<1x1x512xi32, #tpu.memory_space<vmem>>
            %dma_wait3A_811 = tpu.memref_squeeze %dma_wait3A_810 : memref<1x1x512xi32, #tpu.memory_space<vmem>> -> memref<1x512xi32, #tpu.memory_space<vmem>>
            %dma_wait3A_812 = arith.constant 0 : i32
            %dma_wait3A_813 = tpu.memref_slice %arg3[%mul3A_806, %dma_wait3A_812] : memref<128x512xi32, #tpu.memory_space<hbm>> -> memref<1x512xi32, #tpu.memory_space<hbm>>
            %dma_wait3A_814 = tpu.memref_slice %run_scoped3A_19[%rem3A_808] : memref<2x!tpu.dma_semaphore, #tpu.memory_space<semaphore_mem>> -> memref<1x!tpu.dma_semaphore, #tpu.memory_space<semaphore_mem>>
            %dma_wait3A_815 = tpu.memref_squeeze %dma_wait3A_814 : memref<1x!tpu.dma_semaphore, #tpu.memory_space<semaphore_mem>> -> memref<!tpu.dma_semaphore, #tpu.memory_space<semaphore_mem>>
            %dma_wait3A_816 = arith.constant 0 : i32
            %dma_wait3A_817 = arith.constant 0 : i32
            %dma_wait3A_818 = tpu.memref_slice %run_scoped3A_18[%rem3A_808, %dma_wait3A_816, %dma_wait3A_817] : memref<2x1x512xi32, #tpu.memory_space<vmem>> -> memref<1x1x512xi32, #tpu.memory_space<vmem>>
            %dma_wait3A_819 = tpu.memref_squeeze %dma_wait3A_818 : memref<1x1x512xi32, #tpu.memory_space<vmem>> -> memref<1x512xi32, #tpu.memory_space<vmem>>
            %dma_wait3A_820 = arith.constant 0 : i32
            %dma_wait3A_821 = tpu.memref_slice %arg3[%mul3A_806, %dma_wait3A_820] : memref<128x512xi32, #tpu.memory_space<hbm>> -> memref<1x512xi32, #tpu.memory_space<hbm>>
            tpu.wait_dma2 semaphore(%dma_wait3A_815 : memref<!tpu.dma_semaphore, #tpu.memory_space<semaphore_mem>>) src(%dma_wait3A_821 : memref<1x512xi32, #tpu.memory_space<hbm>>) dst(%dma_wait3A_819 : memref<1x512xi32, #tpu.memory_space<vmem>>)
            "tpu.trace_stop"() : () -> ()
          } else {
          }
          %mul3A_441 = arith.constant 16 : i32
          %mul3A_442 = arith.muli %add3A_276, %mul3A_441 : i32
          %add3A_443 = arith.addi %mul3A_442, %add3A_277 : i32
          %mul3A_444 = arith.constant 16 : i32
          %mul3A_445 = arith.muli %add3A_295, %mul3A_444 : i32
          %add3A_446 = arith.addi %mul3A_445, %add3A_296 : i32
          %ne3A_447 = arith.cmpi ne, %add3A_443, %add3A_446 : i32
          %or3A_448 = arith.constant false
          %or3A_449 = arith.ori %or3A_448, %ne3A_447 : i1
          %or3A_450 = arith.ori %or3A_449, %eq3A_271 : i1
          %convert_element_type3A_451 = arith.extui %or3A_450 : i1 to i32
          %cond3A_452 = arith.constant 0 : i32
          %cond3A_453 = arith.cmpi ne, %convert_element_type3A_451, %cond3A_452 : i32
          scf.if %cond3A_453 {
          } else {
          }
          %mul3A_454 = arith.constant 16 : i32
          %mul3A_455 = arith.muli %add3A_276, %mul3A_454 : i32
          %add3A_456 = arith.addi %mul3A_455, %add3A_277 : i32
          %mul3A_457 = arith.constant 16 : i32
          %mul3A_458 = arith.muli %add3A_295, %mul3A_457 : i32
          %add3A_459 = arith.addi %mul3A_458, %add3A_296 : i32
          %ne3A_460 = arith.cmpi ne, %add3A_456, %add3A_459 : i32
          %or3A_461 = arith.constant false
          %or3A_462 = arith.ori %or3A_461, %ne3A_460 : i1
          %or3A_463 = arith.ori %or3A_462, %eq3A_271 : i1
          %convert_element_type3A_464 = arith.extui %or3A_463 : i1 to i32
          %cond3A_465 = arith.constant 0 : i32
          %cond3A_466 = arith.cmpi ne, %convert_element_type3A_464, %cond3A_465 : i32
          scf.if %cond3A_466 {
          } else {
          }
          %mul3A_467 = arith.constant 16 : i32
          %mul3A_468 = arith.muli %add3A_276, %mul3A_467 : i32
          %add3A_469 = arith.addi %mul3A_468, %add3A_277 : i32
          %mul3A_470 = arith.constant 16 : i32
          %mul3A_471 = arith.muli %add3A_295, %mul3A_470 : i32
          %add3A_472 = arith.addi %mul3A_471, %add3A_296 : i32
          %ne3A_473 = arith.cmpi ne, %add3A_469, %add3A_472 : i32
          %or3A_474 = arith.constant false
          %or3A_475 = arith.ori %or3A_474, %ne3A_473 : i1
          %or3A_476 = arith.ori %or3A_475, %eq3A_271 : i1
          %convert_element_type3A_477 = arith.extui %or3A_476 : i1 to i32
          %cond3A_478 = arith.constant 0 : i32
          %cond3A_479 = arith.cmpi ne, %convert_element_type3A_477, %cond3A_478 : i32
          scf.if %cond3A_479 {
          } else {
          }
          %rem3A_480 = arith.constant 2 : i32
          %rem3A_481 = arith.remui %while3A_257, %rem3A_480 : i32
          %rem3A_482 = arith.constant 2 : i32
          %rem3A_483 = arith.remui %while3A_259, %rem3A_482 : i32
          %rem3A_484 = arith.constant 2 : i32
          %rem3A_485 = arith.remui %while3A_260, %rem3A_484 : i32
          %mul3A_486 = arith.constant 48 : i32
          %mul3A_487 = arith.muli %rem3A_485, %mul3A_486 : i32
          %rem3A_488 = arith.constant 2 : i32
          %rem3A_489 = arith.remui %while3A_262, %rem3A_488 : i32
          %mul3A_490 = arith.constant 48 : i32
          %mul3A_491 = arith.muli %rem3A_489, %mul3A_490 : i32
          %rem3A_492 = arith.constant 2 : i32
          %rem3A_493 = arith.remui %while3A_264, %rem3A_492 : i32
          %mul3A_494 = arith.constant 48 : i32
          %mul3A_495 = arith.muli %rem3A_493, %mul3A_494 : i32
          "tpu.trace_start"() <{level = 10 : i32, message = "ep_run_kernel"}> : () -> ()
          %scan3A = arith.constant 0 : i32
          %scan3A_496 = arith.constant 8 : i32
          %scan3A_497 = arith.addi %scan3A, %scan3A_496 : i32
          %scan3A_498 = arith.constant 1 : i32
          scf.for %scan3A_805 = %scan3A to %scan3A_497 step %scan3A_498  : i32 {
            %mul3A_806 = arith.constant 1 : i32
            %mul3A_807 = arith.muli %scan3A_805, %mul3A_806 : i32
            %add3A_808 = arith.constant 0 : i32
            %add3A_809 = arith.addi %add3A_808, %mul3A_807 : i32
            %mul3A_810 = arith.constant 4 : i32
            %mul3A_811 = arith.muli %add3A_809, %mul3A_810 : i32
            %mul3A_812 = arith.constant 16 : i32
            %mul3A_813 = arith.muli %mul3A_811, %mul3A_812 : i32
            %add3A_814 = arith.constant 0 : i32
            %add3A_815 = arith.addi %mul3A_813, %add3A_814 : i32
            %get3A_816 = arith.constant 0 : i32
            %get3A_817 = arith.constant 0 : i32
            %get3A_818 = arith.constant 0 : i32
            %get3A_819 = tpu.memref_slice %run_scoped3A_18[%rem3A_483, %get3A_817, %get3A_818] : memref<2x1x512xi32, #tpu.memory_space<vmem>> -> memref<1x1x512xi32, #tpu.memory_space<vmem>>
            %get3A_820 = tpu.memref_squeeze %get3A_819 : memref<1x1x512xi32, #tpu.memory_space<vmem>> -> memref<1x512xi32, #tpu.memory_space<vmem>>
            %get3A_821 = arith.index_cast %get3A_816 : i32 to index
            %get3A_822 = arith.index_cast %add3A_815 : i32 to index
            %get3A_823 = tpu.vector_load %get3A_820[%get3A_821, %get3A_822] {strides = array<i32>} : memref<1x512xi32, #tpu.memory_space<vmem>>, vector<16xi32>,
            %eq3A_824 = arith.constant 1 : i32
            %eq3A_825 = vector.broadcast %eq3A_824 : i32 to vector<16xi32>
            %eq3A_826 = arith.cmpi eq, %get3A_823, %eq3A_825 : vector<16xi32>
            %jit3A_827 = arith.constant 0.000000e+00 : f32
            %jit3A_828 = arith.constant -1.000000e+02 : f32
            %broadcast_in_dim3A = vector.broadcast %jit3A_827 : f32 to vector<16xf32>
            %broadcast_in_dim3A_829 = vector.broadcast %jit3A_828 : f32 to vector<16xf32>
            %select_n3A_830 = arith.select %eq3A_826, %broadcast_in_dim3A, %broadcast_in_dim3A_829 : vector<16xi1>, vector<16xf32>
            %swap3A_831 = arith.constant 0 : i32
            %swap3A_832 = arith.index_cast %swap3A_831 : i32 to index
            %swap3A_833 = arith.index_cast %add3A_815 : i32 to index
            %swap3A_834 = tpu.vector_load %arg7[%swap3A_832, %swap3A_833] {strides = array<i32>} : memref<3x512xf32, #tpu.memory_space<vmem>>, vector<16xf32>,
            tpu.vector_store %arg7[%swap3A_832, %swap3A_833], %select_n3A_830 {strides = array<i32>} : memref<3x512xf32, #tpu.memory_space<vmem>>, vector<16xf32>,
            %eq3A_835 = arith.constant 2 : i32
            %eq3A_836 = vector.broadcast %eq3A_835 : i32 to vector<16xi32>
            %eq3A_837 = arith.cmpi eq, %get3A_823, %eq3A_836 : vector<16xi32>
            %jit3A_838 = arith.constant 0.000000e+00 : f32
            %jit3A_839 = arith.constant -1.000000e+02 : f32
            %broadcast_in_dim3A_840 = vector.broadcast %jit3A_838 : f32 to vector<16xf32>
            %broadcast_in_dim3A_841 = vector.broadcast %jit3A_839 : f32 to vector<16xf32>
            %select_n3A_842 = arith.select %eq3A_837, %broadcast_in_dim3A_840, %broadcast_in_dim3A_841 : vector<16xi1>, vector<16xf32>
            %swap3A_843 = arith.constant 1 : i32
            %swap3A_844 = arith.index_cast %swap3A_843 : i32 to index
            %swap3A_845 = arith.index_cast %add3A_815 : i32 to index
            %swap3A_846 = tpu.vector_load %arg7[%swap3A_844, %swap3A_845] {strides = array<i32>} : memref<3x512xf32, #tpu.memory_space<vmem>>, vector<16xf32>,
            tpu.vector_store %arg7[%swap3A_844, %swap3A_845], %select_n3A_842 {strides = array<i32>} : memref<3x512xf32, #tpu.memory_space<vmem>>, vector<16xf32>,
            %eq3A_847 = arith.constant 3 : i32
            %eq3A_848 = vector.broadcast %eq3A_847 : i32 to vector<16xi32>
            %eq3A_849 = arith.cmpi eq, %get3A_823, %eq3A_848 : vector<16xi32>
            %jit3A_850 = arith.constant 0.000000e+00 : f32
            %jit3A_851 = arith.constant -1.000000e+02 : f32
            %broadcast_in_dim3A_852 = vector.broadcast %jit3A_850 : f32 to vector<16xf32>
            %broadcast_in_dim3A_853 = vector.broadcast %jit3A_851 : f32 to vector<16xf32>
            %select_n3A_854 = arith.select %eq3A_849, %broadcast_in_dim3A_852, %broadcast_in_dim3A_853 : vector<16xi1>, vector<16xf32>
            %swap3A_855 = arith.constant 2 : i32
            %swap3A_856 = arith.index_cast %swap3A_855 : i32 to index
            %swap3A_857 = arith.index_cast %add3A_815 : i32 to index
            %swap3A_858 = tpu.vector_load %arg7[%swap3A_856, %swap3A_857] {strides = array<i32>} : memref<3x512xf32, #tpu.memory_space<vmem>>, vector<16xf32>,
            tpu.vector_store %arg7[%swap3A_856, %swap3A_857], %select_n3A_854 {strides = array<i32>} : memref<3x512xf32, #tpu.memory_space<vmem>>, vector<16xf32>,
            %mul3A_859 = arith.constant 4 : i32
            %mul3A_860 = arith.muli %add3A_809, %mul3A_859 : i32
            %mul3A_861 = arith.constant 16 : i32
            %mul3A_862 = arith.muli %mul3A_860, %mul3A_861 : i32
            %add3A_863 = arith.constant 16 : i32
            %add3A_864 = arith.addi %mul3A_862, %add3A_863 : i32
            %get3A_865 = arith.constant 0 : i32
            %get3A_866 = arith.constant 0 : i32
            %get3A_867 = arith.constant 0 : i32
            %get3A_868 = tpu.memref_slice %run_scoped3A_18[%rem3A_483, %get3A_866, %get3A_867] : memref<2x1x512xi32, #tpu.memory_space<vmem>> -> memref<1x1x512xi32, #tpu.memory_space<vmem>>
            %get3A_869 = tpu.memref_squeeze %get3A_868 : memref<1x1x512xi32, #tpu.memory_space<vmem>> -> memref<1x512xi32, #tpu.memory_space<vmem>>
            %get3A_870 = arith.index_cast %get3A_865 : i32 to index
            %get3A_871 = arith.index_cast %add3A_864 : i32 to index
            %get3A_872 = tpu.vector_load %get3A_869[%get3A_870, %get3A_871] {strides = array<i32>} : memref<1x512xi32, #tpu.memory_space<vmem>>, vector<16xi32>,
            %eq3A_873 = arith.constant 1 : i32
            %eq3A_874 = vector.broadcast %eq3A_873 : i32 to vector<16xi32>
            %eq3A_875 = arith.cmpi eq, %get3A_872, %eq3A_874 : vector<16xi32>
            %jit3A_876 = arith.constant 0.000000e+00 : f32
            %jit3A_877 = arith.constant -1.000000e+02 : f32
            %broadcast_in_dim3A_878 = vector.broadcast %jit3A_876 : f32 to vector<16xf32>
            %broadcast_in_dim3A_879 = vector.broadcast %jit3A_877 : f32 to vector<16xf32>
            %select_n3A_880 = arith.select %eq3A_875, %broadcast_in_dim3A_878, %broadcast_in_dim3A_879 : vector<16xi1>, vector<16xf32>
            %swap3A_881 = arith.constant 0 : i32
            %swap3A_882 = arith.index_cast %swap3A_881 : i32 to index
            %swap3A_883 = arith.index_cast %add3A_864 : i32 to index
            %swap3A_884 = tpu.vector_load %arg7[%swap3A_882, %swap3A_883] {strides = array<i32>} : memref<3x512xf32, #tpu.memory_space<vmem>>, vector<16xf32>,
            tpu.vector_store %arg7[%swap3A_882, %swap3A_883], %select_n3A_880 {strides = array<i32>} : memref<3x512xf32, #tpu.memory_space<vmem>>, vector<16xf32>,
            %eq3A_885 = arith.constant 2 : i32
            %eq3A_886 = vector.broadcast %eq3A_885 : i32 to vector<16xi32>
            %eq3A_887 = arith.cmpi eq, %get3A_872, %eq3A_886 : vector<16xi32>
            %jit3A_888 = arith.constant 0.000000e+00 : f32
            %jit3A_889 = arith.constant -1.000000e+02 : f32
            %broadcast_in_dim3A_890 = vector.broadcast %jit3A_888 : f32 to vector<16xf32>
            %broadcast_in_dim3A_891 = vector.broadcast %jit3A_889 : f32 to vector<16xf32>
            %select_n3A_892 = arith.select %eq3A_887, %broadcast_in_dim3A_890, %broadcast_in_dim3A_891 : vector<16xi1>, vector<16xf32>
            %swap3A_893 = arith.constant 1 : i32
            %swap3A_894 = arith.index_cast %swap3A_893 : i32 to index
            %swap3A_895 = arith.index_cast %add3A_864 : i32 to index
            %swap3A_896 = tpu.vector_load %arg7[%swap3A_894, %swap3A_895] {strides = array<i32>} : memref<3x512xf32, #tpu.memory_space<vmem>>, vector<16xf32>,
            tpu.vector_store %arg7[%swap3A_894, %swap3A_895], %select_n3A_892 {strides = array<i32>} : memref<3x512xf32, #tpu.memory_space<vmem>>, vector<16xf32>,
            %eq3A_897 = arith.constant 3 : i32
            %eq3A_898 = vector.broadcast %eq3A_897 : i32 to vector<16xi32>
            %eq3A_899 = arith.cmpi eq, %get3A_872, %eq3A_898 : vector<16xi32>
            %jit3A_900 = arith.constant 0.000000e+00 : f32
            %jit3A_901 = arith.constant -1.000000e+02 : f32
            %broadcast_in_dim3A_902 = vector.broadcast %jit3A_900 : f32 to vector<16xf32>
            %broadcast_in_dim3A_903 = vector.broadcast %jit3A_901 : f32 to vector<16xf32>
            %select_n3A_904 = arith.select %eq3A_899, %broadcast_in_dim3A_902, %broadcast_in_dim3A_903 : vector<16xi1>, vector<16xf32>
            %swap3A_905 = arith.constant 2 : i32
            %swap3A_906 = arith.index_cast %swap3A_905 : i32 to index
            %swap3A_907 = arith.index_cast %add3A_864 : i32 to index
            %swap3A_908 = tpu.vector_load %arg7[%swap3A_906, %swap3A_907] {strides = array<i32>} : memref<3x512xf32, #tpu.memory_space<vmem>>, vector<16xf32>,
            tpu.vector_store %arg7[%swap3A_906, %swap3A_907], %select_n3A_904 {strides = array<i32>} : memref<3x512xf32, #tpu.memory_space<vmem>>, vector<16xf32>,
            %mul3A_909 = arith.constant 4 : i32
            %mul3A_910 = arith.muli %add3A_809, %mul3A_909 : i32
            %mul3A_911 = arith.constant 16 : i32
            %mul3A_912 = arith.muli %mul3A_910, %mul3A_911 : i32
            %add3A_913 = arith.constant 32 : i32
            %add3A_914 = arith.addi %mul3A_912, %add3A_913 : i32
            %get3A_915 = arith.constant 0 : i32
            %get3A_916 = arith.constant 0 : i32
            %get3A_917 = arith.constant 0 : i32
            %get3A_918 = tpu.memref_slice %run_scoped3A_18[%rem3A_483, %get3A_916, %get3A_917] : memref<2x1x512xi32, #tpu.memory_space<vmem>> -> memref<1x1x512xi32, #tpu.memory_space<vmem>>
            %get3A_919 = tpu.memref_squeeze %get3A_918 : memref<1x1x512xi32, #tpu.memory_space<vmem>> -> memref<1x512xi32, #tpu.memory_space<vmem>>
            %get3A_920 = arith.index_cast %get3A_915 : i32 to index
            %get3A_921 = arith.index_cast %add3A_914 : i32 to index
            %get3A_922 = tpu.vector_load %get3A_919[%get3A_920, %get3A_921] {strides = array<i32>} : memref<1x512xi32, #tpu.memory_space<vmem>>, vector<16xi32>,
            %eq3A_923 = arith.constant 1 : i32
            %eq3A_924 = vector.broadcast %eq3A_923 : i32 to vector<16xi32>
            %eq3A_925 = arith.cmpi eq, %get3A_922, %eq3A_924 : vector<16xi32>
            %jit3A_926 = arith.constant 0.000000e+00 : f32
            %jit3A_927 = arith.constant -1.000000e+02 : f32
            %broadcast_in_dim3A_928 = vector.broadcast %jit3A_926 : f32 to vector<16xf32>
            %broadcast_in_dim3A_929 = vector.broadcast %jit3A_927 : f32 to vector<16xf32>
            %select_n3A_930 = arith.select %eq3A_925, %broadcast_in_dim3A_928, %broadcast_in_dim3A_929 : vector<16xi1>, vector<16xf32>
            %swap3A_931 = arith.constant 0 : i32
            %swap3A_932 = arith.index_cast %swap3A_931 : i32 to index
            %swap3A_933 = arith.index_cast %add3A_914 : i32 to index
            %swap3A_934 = tpu.vector_load %arg7[%swap3A_932, %swap3A_933] {strides = array<i32>} : memref<3x512xf32, #tpu.memory_space<vmem>>, vector<16xf32>,
            tpu.vector_store %arg7[%swap3A_932, %swap3A_933], %select_n3A_930 {strides = array<i32>} : memref<3x512xf32, #tpu.memory_space<vmem>>, vector<16xf32>,
            %eq3A_935 = arith.constant 2 : i32
            %eq3A_936 = vector.broadcast %eq3A_935 : i32 to vector<16xi32>
            %eq3A_937 = arith.cmpi eq, %get3A_922, %eq3A_936 : vector<16xi32>
            %jit3A_938 = arith.constant 0.000000e+00 : f32
            %jit3A_939 = arith.constant -1.000000e+02 : f32
            %broadcast_in_dim3A_940 = vector.broadcast %jit3A_938 : f32 to vector<16xf32>
            %broadcast_in_dim3A_941 = vector.broadcast %jit3A_939 : f32 to vector<16xf32>
            %select_n3A_942 = arith.select %eq3A_937, %broadcast_in_dim3A_940, %broadcast_in_dim3A_941 : vector<16xi1>, vector<16xf32>
            %swap3A_943 = arith.constant 1 : i32
            %swap3A_944 = arith.index_cast %swap3A_943 : i32 to index
            %swap3A_945 = arith.index_cast %add3A_914 : i32 to index
            %swap3A_946 = tpu.vector_load %arg7[%swap3A_944, %swap3A_945] {strides = array<i32>} : memref<3x512xf32, #tpu.memory_space<vmem>>, vector<16xf32>,
            tpu.vector_store %arg7[%swap3A_944, %swap3A_945], %select_n3A_942 {strides = array<i32>} : memref<3x512xf32, #tpu.memory_space<vmem>>, vector<16xf32>,
            %eq3A_947 = arith.constant 3 : i32
            %eq3A_948 = vector.broadcast %eq3A_947 : i32 to vector<16xi32>
            %eq3A_949 = arith.cmpi eq, %get3A_922, %eq3A_948 : vector<16xi32>
            %jit3A_950 = arith.constant 0.000000e+00 : f32
            %jit3A_951 = arith.constant -1.000000e+02 : f32
            %broadcast_in_dim3A_952 = vector.broadcast %jit3A_950 : f32 to vector<16xf32>
            %broadcast_in_dim3A_953 = vector.broadcast %jit3A_951 : f32 to vector<16xf32>
            %select_n3A_954 = arith.select %eq3A_949, %broadcast_in_dim3A_952, %broadcast_in_dim3A_953 : vector<16xi1>, vector<16xf32>
            %swap3A_955 = arith.constant 2 : i32
            %swap3A_956 = arith.index_cast %swap3A_955 : i32 to index
            %swap3A_957 = arith.index_cast %add3A_914 : i32 to index
            %swap3A_958 = tpu.vector_load %arg7[%swap3A_956, %swap3A_957] {strides = array<i32>} : memref<3x512xf32, #tpu.memory_space<vmem>>, vector<16xf32>,
            tpu.vector_store %arg7[%swap3A_956, %swap3A_957], %select_n3A_954 {strides = array<i32>} : memref<3x512xf32, #tpu.memory_space<vmem>>, vector<16xf32>,
            %mul3A_959 = arith.constant 4 : i32
            %mul3A_960 = arith.muli %add3A_809, %mul3A_959 : i32
            %mul3A_961 = arith.constant 16 : i32
            %mul3A_962 = arith.muli %mul3A_960, %mul3A_961 : i32
            %add3A_963 = arith.constant 48 : i32
            %add3A_964 = arith.addi %mul3A_962, %add3A_963 : i32
            %get3A_965 = arith.constant 0 : i32
            %get3A_966 = arith.constant 0 : i32
            %get3A_967 = arith.constant 0 : i32
            %get3A_968 = tpu.memref_slice %run_scoped3A_18[%rem3A_483, %get3A_966, %get3A_967] : memref<2x1x512xi32, #tpu.memory_space<vmem>> -> memref<1x1x512xi32, #tpu.memory_space<vmem>>
            %get3A_969 = tpu.memref_squeeze %get3A_968 : memref<1x1x512xi32, #tpu.memory_space<vmem>> -> memref<1x512xi32, #tpu.memory_space<vmem>>
            %get3A_970 = arith.index_cast %get3A_965 : i32 to index
            %get3A_971 = arith.index_cast %add3A_964 : i32 to index
            %get3A_972 = tpu.vector_load %get3A_969[%get3A_970, %get3A_971] {strides = array<i32>} : memref<1x512xi32, #tpu.memory_space<vmem>>, vector<16xi32>,
            %eq3A_973 = arith.constant 1 : i32
            %eq3A_974 = vector.broadcast %eq3A_973 : i32 to vector<16xi32>
            %eq3A_975 = arith.cmpi eq, %get3A_972, %eq3A_974 : vector<16xi32>
            %jit3A_976 = arith.constant 0.000000e+00 : f32
            %jit3A_977 = arith.constant -1.000000e+02 : f32
            %broadcast_in_dim3A_978 = vector.broadcast %jit3A_976 : f32 to vector<16xf32>
            %broadcast_in_dim3A_979 = vector.broadcast %jit3A_977 : f32 to vector<16xf32>
            %select_n3A_980 = arith.select %eq3A_975, %broadcast_in_dim3A_978, %broadcast_in_dim3A_979 : vector<16xi1>, vector<16xf32>
            %swap3A_981 = arith.constant 0 : i32
            %swap3A_982 = arith.index_cast %swap3A_981 : i32 to index
            %swap3A_983 = arith.index_cast %add3A_964 : i32 to index
            %swap3A_984 = tpu.vector_load %arg7[%swap3A_982, %swap3A_983] {strides = array<i32>} : memref<3x512xf32, #tpu.memory_space<vmem>>, vector<16xf32>,
            tpu.vector_store %arg7[%swap3A_982, %swap3A_983], %select_n3A_980 {strides = array<i32>} : memref<3x512xf32, #tpu.memory_space<vmem>>, vector<16xf32>,
            %eq3A_985 = arith.constant 2 : i32
            %eq3A_986 = vector.broadcast %eq3A_985 : i32 to vector<16xi32>
            %eq3A_987 = arith.cmpi eq, %get3A_972, %eq3A_986 : vector<16xi32>
            %jit3A_988 = arith.constant 0.000000e+00 : f32
            %jit3A_989 = arith.constant -1.000000e+02 : f32
            %broadcast_in_dim3A_990 = vector.broadcast %jit3A_988 : f32 to vector<16xf32>
            %broadcast_in_dim3A_991 = vector.broadcast %jit3A_989 : f32 to vector<16xf32>
            %select_n3A_992 = arith.select %eq3A_987, %broadcast_in_dim3A_990, %broadcast_in_dim3A_991 : vector<16xi1>, vector<16xf32>
            %swap3A_993 = arith.constant 1 : i32
            %swap3A_994 = arith.index_cast %swap3A_993 : i32 to index
            %swap3A_995 = arith.index_cast %add3A_964 : i32 to index
            %swap3A_996 = tpu.vector_load %arg7[%swap3A_994, %swap3A_995] {strides = array<i32>} : memref<3x512xf32, #tpu.memory_space<vmem>>, vector<16xf32>,
            tpu.vector_store %arg7[%swap3A_994, %swap3A_995], %select_n3A_992 {strides = array<i32>} : memref<3x512xf32, #tpu.memory_space<vmem>>, vector<16xf32>,
            %eq3A_997 = arith.constant 3 : i32
            %eq3A_998 = vector.broadcast %eq3A_997 : i32 to vector<16xi32>
            %eq3A_999 = arith.cmpi eq, %get3A_972, %eq3A_998 : vector<16xi32>
            %jit3A_1000 = arith.constant 0.000000e+00 : f32
            %jit3A_1001 = arith.constant -1.000000e+02 : f32
            %broadcast_in_dim3A_1002 = vector.broadcast %jit3A_1000 : f32 to vector<16xf32>
            %broadcast_in_dim3A_1003 = vector.broadcast %jit3A_1001 : f32 to vector<16xf32>
            %select_n3A_1004 = arith.select %eq3A_999, %broadcast_in_dim3A_1002, %broadcast_in_dim3A_1003 : vector<16xi1>, vector<16xf32>
            %swap3A_1005 = arith.constant 2 : i32
            %swap3A_1006 = arith.index_cast %swap3A_1005 : i32 to index
            %swap3A_1007 = arith.index_cast %add3A_964 : i32 to index
            %swap3A_1008 = tpu.vector_load %arg7[%swap3A_1006, %swap3A_1007] {strides = array<i32>} : memref<3x512xf32, #tpu.memory_space<vmem>>, vector<16xf32>,
            tpu.vector_store %arg7[%swap3A_1006, %swap3A_1007], %select_n3A_1004 {strides = array<i32>} : memref<3x512xf32, #tpu.memory_space<vmem>>, vector<16xf32>,
          }
          %scan3A_499 = arith.constant 8 : i32
          %iota3A = tpu.iota {dimensions = array<i32: 0>} : vector<16xi32>
          %mul3A_500 = arith.constant 48 : i32
          %mul3A_501 = vector.broadcast %mul3A_500 : i32 to vector<16xi32>
          %mul3A_502 = arith.muli %iota3A, %mul3A_501 : vector<16xi32>
          %scan3A_503 = arith.constant 0 : i32
          %scan3A_504 = arith.constant 48 : i32
          %scan3A_505 = arith.addi %scan3A_503, %scan3A_504 : i32
          %scan3A_506 = arith.constant 1 : i32
          scf.for %scan3A_805 = %scan3A_503 to %scan3A_505 step %scan3A_506  : i32 {
            %mul3A_806 = arith.constant 1 : i32
            %mul3A_807 = arith.muli %scan3A_805, %mul3A_806 : i32
            %add3A_808 = arith.constant 0 : i32
            %add3A_809 = arith.addi %add3A_808, %mul3A_807 : i32
            %broadcast_in_dim3A = arith.constant 0xFF800000 : f32
            %broadcast_in_dim3A_810 = vector.broadcast %broadcast_in_dim3A : f32 to vector<16xf32>
            %scan3A_811 = arith.constant 0 : i32
            %scan3A_812 = arith.constant 4 : i32
            %scan3A_813 = arith.addi %scan3A_811, %scan3A_812 : i32
            %scan3A_814 = arith.constant 1 : i32
            %scan3A_815:6 = scf.for %scan3A_831 = %scan3A_811 to %scan3A_813 step %scan3A_814 iter_args(%scan3A_832 = %broadcast_in_dim3A_810, %scan3A_833 = %broadcast_in_dim3A_810, %scan3A_834 = %broadcast_in_dim3A_810, %scan3A_835 = %broadcast_in_dim3A_810, %scan3A_836 = %broadcast_in_dim3A_810, %scan3A_837 = %broadcast_in_dim3A_810) -> (vector<16xf32>, vector<16xf32>, vector<16xf32>, vector<16xf32>, vector<16xf32>, vector<16xf32>)  : i32 {
              %mul3A_838 = arith.constant 8 : i32
              %mul3A_839 = arith.muli %scan3A_831, %mul3A_838 : i32
              %mul3A_840 = arith.constant 16 : i32
              %mul3A_841 = arith.muli %mul3A_839, %mul3A_840 : i32
              %add3A_842 = arith.constant 0 : i32
              %add3A_843 = arith.addi %mul3A_841, %add3A_842 : i32
              %get3A_844 = arith.constant 0 : i32
              %get3A_845 = arith.constant 0 : i32
              %get3A_846 = arith.constant 0 : i32
              %get3A_847 = arith.constant 0 : i32
              %get3A_848 = tpu.memref_slice %run_scoped3A[%rem3A_481, %get3A_845, %get3A_846, %get3A_847] : memref<2x1x48x512xf32, #tpu.memory_space<vmem>> -> memref<1x1x48x512xf32, #tpu.memory_space<vmem>>
              %get3A_849 = tpu.memref_squeeze %get3A_848 : memref<1x1x48x512xf32, #tpu.memory_space<vmem>> -> memref<1x48x512xf32, #tpu.memory_space<vmem>>
              %get3A_850 = arith.index_cast %get3A_844 : i32 to index
              %get3A_851 = arith.index_cast %add3A_809 : i32 to index
              %get3A_852 = arith.index_cast %add3A_843 : i32 to index
              %get3A_853 = tpu.vector_load %get3A_849[%get3A_850, %get3A_851, %get3A_852] {strides = array<i32>} : memref<1x48x512xf32, #tpu.memory_space<vmem>>, vector<16xf32>,
              %get3A_854 = arith.constant 0 : i32
              %get3A_855 = arith.index_cast %get3A_854 : i32 to index
              %get3A_856 = arith.index_cast %add3A_843 : i32 to index
              %get3A_857 = tpu.vector_load %arg7[%get3A_855, %get3A_856] {strides = array<i32>} : memref<3x512xf32, #tpu.memory_space<vmem>>, vector<16xf32>,
              %add3A_858 = arith.addf %get3A_853, %get3A_857 : vector<16xf32>
              %max3A_859 = arith.maximumf %scan3A_832, %add3A_858 : vector<16xf32>
              %get3A_860 = arith.constant 1 : i32
              %get3A_861 = arith.index_cast %get3A_860 : i32 to index
              %get3A_862 = arith.index_cast %add3A_843 : i32 to index
              %get3A_863 = tpu.vector_load %arg7[%get3A_861, %get3A_862] {strides = array<i32>} : memref<3x512xf32, #tpu.memory_space<vmem>>, vector<16xf32>,
              %add3A_864 = arith.addf %get3A_853, %get3A_863 : vector<16xf32>
              %max3A_865 = arith.maximumf %scan3A_834, %add3A_864 : vector<16xf32>
              %get3A_866 = arith.constant 2 : i32
              %get3A_867 = arith.index_cast %get3A_866 : i32 to index
              %get3A_868 = arith.index_cast %add3A_843 : i32 to index
              %get3A_869 = tpu.vector_load %arg7[%get3A_867, %get3A_868] {strides = array<i32>} : memref<3x512xf32, #tpu.memory_space<vmem>>, vector<16xf32>,
              %add3A_870 = arith.addf %get3A_853, %get3A_869 : vector<16xf32>
              %max3A_871 = arith.maximumf %scan3A_836, %add3A_870 : vector<16xf32>
              %add3A_872 = arith.constant 16 : i32
              %add3A_873 = arith.addi %mul3A_841, %add3A_872 : i32
              %get3A_874 = arith.constant 0 : i32
              %get3A_875 = arith.constant 0 : i32
              %get3A_876 = arith.constant 0 : i32
              %get3A_877 = arith.constant 0 : i32
              %get3A_878 = tpu.memref_slice %run_scoped3A[%rem3A_481, %get3A_875, %get3A_876, %get3A_877] : memref<2x1x48x512xf32, #tpu.memory_space<vmem>> -> memref<1x1x48x512xf32, #tpu.memory_space<vmem>>
              %get3A_879 = tpu.memref_squeeze %get3A_878 : memref<1x1x48x512xf32, #tpu.memory_space<vmem>> -> memref<1x48x512xf32, #tpu.memory_space<vmem>>
              %get3A_880 = arith.index_cast %get3A_874 : i32 to index
              %get3A_881 = arith.index_cast %add3A_809 : i32 to index
              %get3A_882 = arith.index_cast %add3A_873 : i32 to index
              %get3A_883 = tpu.vector_load %get3A_879[%get3A_880, %get3A_881, %get3A_882] {strides = array<i32>} : memref<1x48x512xf32, #tpu.memory_space<vmem>>, vector<16xf32>,
              %get3A_884 = arith.constant 0 : i32
              %get3A_885 = arith.index_cast %get3A_884 : i32 to index
              %get3A_886 = arith.index_cast %add3A_873 : i32 to index
              %get3A_887 = tpu.vector_load %arg7[%get3A_885, %get3A_886] {strides = array<i32>} : memref<3x512xf32, #tpu.memory_space<vmem>>, vector<16xf32>,
              %add3A_888 = arith.addf %get3A_883, %get3A_887 : vector<16xf32>
              %max3A_889 = arith.maximumf %scan3A_833, %add3A_888 : vector<16xf32>
              %get3A_890 = arith.constant 1 : i32
              %get3A_891 = arith.index_cast %get3A_890 : i32 to index
              %get3A_892 = arith.index_cast %add3A_873 : i32 to index
              %get3A_893 = tpu.vector_load %arg7[%get3A_891, %get3A_892] {strides = array<i32>} : memref<3x512xf32, #tpu.memory_space<vmem>>, vector<16xf32>,
              %add3A_894 = arith.addf %get3A_883, %get3A_893 : vector<16xf32>
              %max3A_895 = arith.maximumf %scan3A_835, %add3A_894 : vector<16xf32>
              %get3A_896 = arith.constant 2 : i32
              %get3A_897 = arith.index_cast %get3A_896 : i32 to index
              %get3A_898 = arith.index_cast %add3A_873 : i32 to index
              %get3A_899 = tpu.vector_load %arg7[%get3A_897, %get3A_898] {strides = array<i32>} : memref<3x512xf32, #tpu.memory_space<vmem>>, vector<16xf32>,
              %add3A_900 = arith.addf %get3A_883, %get3A_899 : vector<16xf32>
              %max3A_901 = arith.maximumf %scan3A_837, %add3A_900 : vector<16xf32>
              %add3A_902 = arith.constant 32 : i32
              %add3A_903 = arith.addi %mul3A_841, %add3A_902 : i32
              %get3A_904 = arith.constant 0 : i32
              %get3A_905 = arith.constant 0 : i32
              %get3A_906 = arith.constant 0 : i32
              %get3A_907 = arith.constant 0 : i32
              %get3A_908 = tpu.memref_slice %run_scoped3A[%rem3A_481, %get3A_905, %get3A_906, %get3A_907] : memref<2x1x48x512xf32, #tpu.memory_space<vmem>> -> memref<1x1x48x512xf32, #tpu.memory_space<vmem>>
              %get3A_909 = tpu.memref_squeeze %get3A_908 : memref<1x1x48x512xf32, #tpu.memory_space<vmem>> -> memref<1x48x512xf32, #tpu.memory_space<vmem>>
              %get3A_910 = arith.index_cast %get3A_904 : i32 to index
              %get3A_911 = arith.index_cast %add3A_809 : i32 to index
              %get3A_912 = arith.index_cast %add3A_903 : i32 to index
              %get3A_913 = tpu.vector_load %get3A_909[%get3A_910, %get3A_911, %get3A_912] {strides = array<i32>} : memref<1x48x512xf32, #tpu.memory_space<vmem>>, vector<16xf32>,
              %get3A_914 = arith.constant 0 : i32
              %get3A_915 = arith.index_cast %get3A_914 : i32 to index
              %get3A_916 = arith.index_cast %add3A_903 : i32 to index
              %get3A_917 = tpu.vector_load %arg7[%get3A_915, %get3A_916] {strides = array<i32>} : memref<3x512xf32, #tpu.memory_space<vmem>>, vector<16xf32>,
              %add3A_918 = arith.addf %get3A_913, %get3A_917 : vector<16xf32>
              %max3A_919 = arith.maximumf %max3A_859, %add3A_918 : vector<16xf32>
              %get3A_920 = arith.constant 1 : i32
              %get3A_921 = arith.index_cast %get3A_920 : i32 to index
              %get3A_922 = arith.index_cast %add3A_903 : i32 to index
              %get3A_923 = tpu.vector_load %arg7[%get3A_921, %get3A_922] {strides = array<i32>} : memref<3x512xf32, #tpu.memory_space<vmem>>, vector<16xf32>,
              %add3A_924 = arith.addf %get3A_913, %get3A_923 : vector<16xf32>
              %max3A_925 = arith.maximumf %max3A_865, %add3A_924 : vector<16xf32>
              %get3A_926 = arith.constant 2 : i32
              %get3A_927 = arith.index_cast %get3A_926 : i32 to index
              %get3A_928 = arith.index_cast %add3A_903 : i32 to index
              %get3A_929 = tpu.vector_load %arg7[%get3A_927, %get3A_928] {strides = array<i32>} : memref<3x512xf32, #tpu.memory_space<vmem>>, vector<16xf32>,
              %add3A_930 = arith.addf %get3A_913, %get3A_929 : vector<16xf32>
              %max3A_931 = arith.maximumf %max3A_871, %add3A_930 : vector<16xf32>
              %add3A_932 = arith.constant 48 : i32
              %add3A_933 = arith.addi %mul3A_841, %add3A_932 : i32
              %get3A_934 = arith.constant 0 : i32
              %get3A_935 = arith.constant 0 : i32
              %get3A_936 = arith.constant 0 : i32
              %get3A_937 = arith.constant 0 : i32
              %get3A_938 = tpu.memref_slice %run_scoped3A[%rem3A_481, %get3A_935, %get3A_936, %get3A_937] : memref<2x1x48x512xf32, #tpu.memory_space<vmem>> -> memref<1x1x48x512xf32, #tpu.memory_space<vmem>>
              %get3A_939 = tpu.memref_squeeze %get3A_938 : memref<1x1x48x512xf32, #tpu.memory_space<vmem>> -> memref<1x48x512xf32, #tpu.memory_space<vmem>>
              %get3A_940 = arith.index_cast %get3A_934 : i32 to index
              %get3A_941 = arith.index_cast %add3A_809 : i32 to index
              %get3A_942 = arith.index_cast %add3A_933 : i32 to index
              %get3A_943 = tpu.vector_load %get3A_939[%get3A_940, %get3A_941, %get3A_942] {strides = array<i32>} : memref<1x48x512xf32, #tpu.memory_space<vmem>>, vector<16xf32>,
              %get3A_944 = arith.constant 0 : i32
              %get3A_945 = arith.index_cast %get3A_944 : i32 to index
              %get3A_946 = arith.index_cast %add3A_933 : i32 to index
              %get3A_947 = tpu.vector_load %arg7[%get3A_945, %get3A_946] {strides = array<i32>} : memref<3x512xf32, #tpu.memory_space<vmem>>, vector<16xf32>,
              %add3A_948 = arith.addf %get3A_943, %get3A_947 : vector<16xf32>
              %max3A_949 = arith.maximumf %max3A_889, %add3A_948 : vector<16xf32>
              %get3A_950 = arith.constant 1 : i32
              %get3A_951 = arith.index_cast %get3A_950 : i32 to index
              %get3A_952 = arith.index_cast %add3A_933 : i32 to index
              %get3A_953 = tpu.vector_load %arg7[%get3A_951, %get3A_952] {strides = array<i32>} : memref<3x512xf32, #tpu.memory_space<vmem>>, vector<16xf32>,
              %add3A_954 = arith.addf %get3A_943, %get3A_953 : vector<16xf32>
              %max3A_955 = arith.maximumf %max3A_895, %add3A_954 : vector<16xf32>
              %get3A_956 = arith.constant 2 : i32
              %get3A_957 = arith.index_cast %get3A_956 : i32 to index
              %get3A_958 = arith.index_cast %add3A_933 : i32 to index
              %get3A_959 = tpu.vector_load %arg7[%get3A_957, %get3A_958] {strides = array<i32>} : memref<3x512xf32, #tpu.memory_space<vmem>>, vector<16xf32>,
              %add3A_960 = arith.addf %get3A_943, %get3A_959 : vector<16xf32>
              %max3A_961 = arith.maximumf %max3A_901, %add3A_960 : vector<16xf32>
              %add3A_962 = arith.constant 64 : i32
              %add3A_963 = arith.addi %mul3A_841, %add3A_962 : i32
              %get3A_964 = arith.constant 0 : i32
              %get3A_965 = arith.constant 0 : i32
              %get3A_966 = arith.constant 0 : i32
              %get3A_967 = arith.constant 0 : i32
              %get3A_968 = tpu.memref_slice %run_scoped3A[%rem3A_481, %get3A_965, %get3A_966, %get3A_967] : memref<2x1x48x512xf32, #tpu.memory_space<vmem>> -> memref<1x1x48x512xf32, #tpu.memory_space<vmem>>
              %get3A_969 = tpu.memref_squeeze %get3A_968 : memref<1x1x48x512xf32, #tpu.memory_space<vmem>> -> memref<1x48x512xf32, #tpu.memory_space<vmem>>
              %get3A_970 = arith.index_cast %get3A_964 : i32 to index
              %get3A_971 = arith.index_cast %add3A_809 : i32 to index
              %get3A_972 = arith.index_cast %add3A_963 : i32 to index
              %get3A_973 = tpu.vector_load %get3A_969[%get3A_970, %get3A_971, %get3A_972] {strides = array<i32>} : memref<1x48x512xf32, #tpu.memory_space<vmem>>, vector<16xf32>,
              %get3A_974 = arith.constant 0 : i32
              %get3A_975 = arith.index_cast %get3A_974 : i32 to index
              %get3A_976 = arith.index_cast %add3A_963 : i32 to index
              %get3A_977 = tpu.vector_load %arg7[%get3A_975, %get3A_976] {strides = array<i32>} : memref<3x512xf32, #tpu.memory_space<vmem>>, vector<16xf32>,
              %add3A_978 = arith.addf %get3A_973, %get3A_977 : vector<16xf32>
              %max3A_979 = arith.maximumf %max3A_919, %add3A_978 : vector<16xf32>
              %get3A_980 = arith.constant 1 : i32
              %get3A_981 = arith.index_cast %get3A_980 : i32 to index
              %get3A_982 = arith.index_cast %add3A_963 : i32 to index
              %get3A_983 = tpu.vector_load %arg7[%get3A_981, %get3A_982] {strides = array<i32>} : memref<3x512xf32, #tpu.memory_space<vmem>>, vector<16xf32>,
              %add3A_984 = arith.addf %get3A_973, %get3A_983 : vector<16xf32>
              %max3A_985 = arith.maximumf %max3A_925, %add3A_984 : vector<16xf32>
              %get3A_986 = arith.constant 2 : i32
              %get3A_987 = arith.index_cast %get3A_986 : i32 to index
              %get3A_988 = arith.index_cast %add3A_963 : i32 to index
              %get3A_989 = tpu.vector_load %arg7[%get3A_987, %get3A_988] {strides = array<i32>} : memref<3x512xf32, #tpu.memory_space<vmem>>, vector<16xf32>,
              %add3A_990 = arith.addf %get3A_973, %get3A_989 : vector<16xf32>
              %max3A_991 = arith.maximumf %max3A_931, %add3A_990 : vector<16xf32>
              %add3A_992 = arith.constant 80 : i32
              %add3A_993 = arith.addi %mul3A_841, %add3A_992 : i32
              %get3A_994 = arith.constant 0 : i32
              %get3A_995 = arith.constant 0 : i32
              %get3A_996 = arith.constant 0 : i32
              %get3A_997 = arith.constant 0 : i32
              %get3A_998 = tpu.memref_slice %run_scoped3A[%rem3A_481, %get3A_995, %get3A_996, %get3A_997] : memref<2x1x48x512xf32, #tpu.memory_space<vmem>> -> memref<1x1x48x512xf32, #tpu.memory_space<vmem>>
              %get3A_999 = tpu.memref_squeeze %get3A_998 : memref<1x1x48x512xf32, #tpu.memory_space<vmem>> -> memref<1x48x512xf32, #tpu.memory_space<vmem>>
              %get3A_1000 = arith.index_cast %get3A_994 : i32 to index
              %get3A_1001 = arith.index_cast %add3A_809 : i32 to index
              %get3A_1002 = arith.index_cast %add3A_993 : i32 to index
              %get3A_1003 = tpu.vector_load %get3A_999[%get3A_1000, %get3A_1001, %get3A_1002] {strides = array<i32>} : memref<1x48x512xf32, #tpu.memory_space<vmem>>, vector<16xf32>,
              %get3A_1004 = arith.constant 0 : i32
              %get3A_1005 = arith.index_cast %get3A_1004 : i32 to index
              %get3A_1006 = arith.index_cast %add3A_993 : i32 to index
              %get3A_1007 = tpu.vector_load %arg7[%get3A_1005, %get3A_1006] {strides = array<i32>} : memref<3x512xf32, #tpu.memory_space<vmem>>, vector<16xf32>,
              %add3A_1008 = arith.addf %get3A_1003, %get3A_1007 : vector<16xf32>
              %max3A_1009 = arith.maximumf %max3A_949, %add3A_1008 : vector<16xf32>
              %get3A_1010 = arith.constant 1 : i32
              %get3A_1011 = arith.index_cast %get3A_1010 : i32 to index
              %get3A_1012 = arith.index_cast %add3A_993 : i32 to index
              %get3A_1013 = tpu.vector_load %arg7[%get3A_1011, %get3A_1012] {strides = array<i32>} : memref<3x512xf32, #tpu.memory_space<vmem>>, vector<16xf32>,
              %add3A_1014 = arith.addf %get3A_1003, %get3A_1013 : vector<16xf32>
              %max3A_1015 = arith.maximumf %max3A_955, %add3A_1014 : vector<16xf32>
              %get3A_1016 = arith.constant 2 : i32
              %get3A_1017 = arith.index_cast %get3A_1016 : i32 to index
              %get3A_1018 = arith.index_cast %add3A_993 : i32 to index
              %get3A_1019 = tpu.vector_load %arg7[%get3A_1017, %get3A_1018] {strides = array<i32>} : memref<3x512xf32, #tpu.memory_space<vmem>>, vector<16xf32>,
              %add3A_1020 = arith.addf %get3A_1003, %get3A_1019 : vector<16xf32>
              %max3A_1021 = arith.maximumf %max3A_961, %add3A_1020 : vector<16xf32>
              %add3A_1022 = arith.constant 96 : i32
              %add3A_1023 = arith.addi %mul3A_841, %add3A_1022 : i32
              %get3A_1024 = arith.constant 0 : i32
              %get3A_1025 = arith.constant 0 : i32
              %get3A_1026 = arith.constant 0 : i32
              %get3A_1027 = arith.constant 0 : i32
              %get3A_1028 = tpu.memref_slice %run_scoped3A[%rem3A_481, %get3A_1025, %get3A_1026, %get3A_1027] : memref<2x1x48x512xf32, #tpu.memory_space<vmem>> -> memref<1x1x48x512xf32, #tpu.memory_space<vmem>>
              %get3A_1029 = tpu.memref_squeeze %get3A_1028 : memref<1x1x48x512xf32, #tpu.memory_space<vmem>> -> memref<1x48x512xf32, #tpu.memory_space<vmem>>
              %get3A_1030 = arith.index_cast %get3A_1024 : i32 to index
              %get3A_1031 = arith.index_cast %add3A_809 : i32 to index
              %get3A_1032 = arith.index_cast %add3A_1023 : i32 to index
              %get3A_1033 = tpu.vector_load %get3A_1029[%get3A_1030, %get3A_1031, %get3A_1032] {strides = array<i32>} : memref<1x48x512xf32, #tpu.memory_space<vmem>>, vector<16xf32>,
              %get3A_1034 = arith.constant 0 : i32
              %get3A_1035 = arith.index_cast %get3A_1034 : i32 to index
              %get3A_1036 = arith.index_cast %add3A_1023 : i32 to index
              %get3A_1037 = tpu.vector_load %arg7[%get3A_1035, %get3A_1036] {strides = array<i32>} : memref<3x512xf32, #tpu.memory_space<vmem>>, vector<16xf32>,
              %add3A_1038 = arith.addf %get3A_1033, %get3A_1037 : vector<16xf32>
              %max3A_1039 = arith.maximumf %max3A_979, %add3A_1038 : vector<16xf32>
              %get3A_1040 = arith.constant 1 : i32
              %get3A_1041 = arith.index_cast %get3A_1040 : i32 to index
              %get3A_1042 = arith.index_cast %add3A_1023 : i32 to index
              %get3A_1043 = tpu.vector_load %arg7[%get3A_1041, %get3A_1042] {strides = array<i32>} : memref<3x512xf32, #tpu.memory_space<vmem>>, vector<16xf32>,
              %add3A_1044 = arith.addf %get3A_1033, %get3A_1043 : vector<16xf32>
              %max3A_1045 = arith.maximumf %max3A_985, %add3A_1044 : vector<16xf32>
              %get3A_1046 = arith.constant 2 : i32
              %get3A_1047 = arith.index_cast %get3A_1046 : i32 to index
              %get3A_1048 = arith.index_cast %add3A_1023 : i32 to index
              %get3A_1049 = tpu.vector_load %arg7[%get3A_1047, %get3A_1048] {strides = array<i32>} : memref<3x512xf32, #tpu.memory_space<vmem>>, vector<16xf32>,
              %add3A_1050 = arith.addf %get3A_1033, %get3A_1049 : vector<16xf32>
              %max3A_1051 = arith.maximumf %max3A_991, %add3A_1050 : vector<16xf32>
              %add3A_1052 = arith.constant 112 : i32
              %add3A_1053 = arith.addi %mul3A_841, %add3A_1052 : i32
              %get3A_1054 = arith.constant 0 : i32
              %get3A_1055 = arith.constant 0 : i32
              %get3A_1056 = arith.constant 0 : i32
              %get3A_1057 = arith.constant 0 : i32
              %get3A_1058 = tpu.memref_slice %run_scoped3A[%rem3A_481, %get3A_1055, %get3A_1056, %get3A_1057] : memref<2x1x48x512xf32, #tpu.memory_space<vmem>> -> memref<1x1x48x512xf32, #tpu.memory_space<vmem>>
              %get3A_1059 = tpu.memref_squeeze %get3A_1058 : memref<1x1x48x512xf32, #tpu.memory_space<vmem>> -> memref<1x48x512xf32, #tpu.memory_space<vmem>>
              %get3A_1060 = arith.index_cast %get3A_1054 : i32 to index
              %get3A_1061 = arith.index_cast %add3A_809 : i32 to index
              %get3A_1062 = arith.index_cast %add3A_1053 : i32 to index
              %get3A_1063 = tpu.vector_load %get3A_1059[%get3A_1060, %get3A_1061, %get3A_1062] {strides = array<i32>} : memref<1x48x512xf32, #tpu.memory_space<vmem>>, vector<16xf32>,
              %get3A_1064 = arith.constant 0 : i32
              %get3A_1065 = arith.index_cast %get3A_1064 : i32 to index
              %get3A_1066 = arith.index_cast %add3A_1053 : i32 to index
              %get3A_1067 = tpu.vector_load %arg7[%get3A_1065, %get3A_1066] {strides = array<i32>} : memref<3x512xf32, #tpu.memory_space<vmem>>, vector<16xf32>,
              %add3A_1068 = arith.addf %get3A_1063, %get3A_1067 : vector<16xf32>
              %max3A_1069 = arith.maximumf %max3A_1009, %add3A_1068 : vector<16xf32>
              %get3A_1070 = arith.constant 1 : i32
              %get3A_1071 = arith.index_cast %get3A_1070 : i32 to index
              %get3A_1072 = arith.index_cast %add3A_1053 : i32 to index
              %get3A_1073 = tpu.vector_load %arg7[%get3A_1071, %get3A_1072] {strides = array<i32>} : memref<3x512xf32, #tpu.memory_space<vmem>>, vector<16xf32>,
              %add3A_1074 = arith.addf %get3A_1063, %get3A_1073 : vector<16xf32>
              %max3A_1075 = arith.maximumf %max3A_1015, %add3A_1074 : vector<16xf32>
              %get3A_1076 = arith.constant 2 : i32
              %get3A_1077 = arith.index_cast %get3A_1076 : i32 to index
              %get3A_1078 = arith.index_cast %add3A_1053 : i32 to index
              %get3A_1079 = tpu.vector_load %arg7[%get3A_1077, %get3A_1078] {strides = array<i32>} : memref<3x512xf32, #tpu.memory_space<vmem>>, vector<16xf32>,
              %add3A_1080 = arith.addf %get3A_1063, %get3A_1079 : vector<16xf32>
              %max3A_1081 = arith.maximumf %max3A_1021, %add3A_1080 : vector<16xf32>
              scf.yield %max3A_1039, %max3A_1069, %max3A_1045, %max3A_1075, %max3A_1051, %max3A_1081 : vector<16xf32>, vector<16xf32>, vector<16xf32>, vector<16xf32>, vector<16xf32>, vector<16xf32>
            }
            %scan3A_816 = arith.constant 4 : i32
            %max3A = arith.maximumf %scan3A_815#0, %scan3A_815#1 : vector<16xf32>
            %add3A_817 = arith.constant 0 : i32
            %add3A_818 = arith.addi %add3A_817, %add3A_809 : i32
            %add3A_819 = vector.broadcast %add3A_818 : i32 to vector<16xi32>
            %add3A_820 = arith.addi %mul3A_502, %add3A_819 : vector<16xi32>
            tpu.vector_store_idx %arg8[%add3A_820], %max3A : memref<2304xf32, #tpu.memory_space<vmem>>[vector<16xi32>], vector<16xf32>,
            %max3A_821 = arith.maximumf %scan3A_815#2, %scan3A_815#3 : vector<16xf32>
            %add3A_822 = arith.constant 768 : i32
            %add3A_823 = arith.addi %add3A_822, %add3A_809 : i32
            %add3A_824 = vector.broadcast %add3A_823 : i32 to vector<16xi32>
            %add3A_825 = arith.addi %mul3A_502, %add3A_824 : vector<16xi32>
            tpu.vector_store_idx %arg8[%add3A_825], %max3A_821 : memref<2304xf32, #tpu.memory_space<vmem>>[vector<16xi32>], vector<16xf32>,
            %max3A_826 = arith.maximumf %scan3A_815#4, %scan3A_815#5 : vector<16xf32>
            %add3A_827 = arith.constant 1536 : i32
            %add3A_828 = arith.addi %add3A_827, %add3A_809 : i32
            %add3A_829 = vector.broadcast %add3A_828 : i32 to vector<16xi32>
            %add3A_830 = arith.addi %mul3A_502, %add3A_829 : vector<16xi32>
            tpu.vector_store_idx %arg8[%add3A_830], %max3A_826 : memref<2304xf32, #tpu.memory_space<vmem>>[vector<16xi32>], vector<16xf32>,
          }
          %scan3A_507 = arith.constant 48 : i32
          %get3A = arith.constant 0 : index
          %get3A_508 = tpu.vector_load %arg8[%get3A] {strides = array<i32>} : memref<2304xf32, #tpu.memory_space<vmem>>, vector<16xf32>,
          %scan3A_509 = arith.constant 1 : i32
          %scan3A_510 = arith.constant 15 : i32
          %scan3A_511 = arith.addi %scan3A_509, %scan3A_510 : i32
          %scan3A_512 = arith.constant 1 : i32
          %scan3A_513 = scf.for %scan3A_805 = %scan3A_509 to %scan3A_511 step %scan3A_512 iter_args(%scan3A_806 = %get3A_508) -> (vector<16xf32>)  : i32 {
            %mul3A_807 = arith.constant 48 : i32
            %mul3A_808 = arith.muli %scan3A_805, %mul3A_807 : i32
            %add3A_809 = arith.constant 0 : i32
            %add3A_810 = arith.addi %add3A_809, %mul3A_808 : i32
            %get3A_811 = arith.index_cast %add3A_810 : i32 to index
            %get3A_812 = tpu.vector_load %arg8[%get3A_811] {strides = array<i32>} : memref<2304xf32, #tpu.memory_space<vmem>>, vector<16xf32>,
            %max3A = arith.maximumf %scan3A_806, %get3A_812 : vector<16xf32>
            scf.yield %max3A : vector<16xf32>
          }
          %scan3A_514 = arith.constant 15 : i32
          %swap3A = tpu.memref_slice %run_scoped3A_20[%mul3A_487] : memref<96xf32, #tpu.memory_space<vmem>> -> memref<48xf32, #tpu.memory_space<vmem>>
          %swap3A_515 = arith.constant 0 : index
          %swap3A_516 = tpu.vector_load %swap3A[%swap3A_515] {strides = array<i32>} : memref<48xf32, #tpu.memory_space<vmem>>, vector<16xf32>,
          tpu.vector_store %swap3A[%swap3A_515], %scan3A_513 {strides = array<i32>} : memref<48xf32, #tpu.memory_space<vmem>>, vector<16xf32>,
          %get3A_517 = arith.constant 16 : index
          %get3A_518 = tpu.vector_load %arg8[%get3A_517] {strides = array<i32>} : memref<2304xf32, #tpu.memory_space<vmem>>, vector<16xf32>,
          %scan3A_519 = arith.constant 1 : i32
          %scan3A_520 = arith.constant 15 : i32
          %scan3A_521 = arith.addi %scan3A_519, %scan3A_520 : i32
          %scan3A_522 = arith.constant 1 : i32
          %scan3A_523 = scf.for %scan3A_805 = %scan3A_519 to %scan3A_521 step %scan3A_522 iter_args(%scan3A_806 = %get3A_518) -> (vector<16xf32>)  : i32 {
            %mul3A_807 = arith.constant 48 : i32
            %mul3A_808 = arith.muli %scan3A_805, %mul3A_807 : i32
            %add3A_809 = arith.constant 16 : i32
            %add3A_810 = arith.addi %add3A_809, %mul3A_808 : i32
            %get3A_811 = arith.index_cast %add3A_810 : i32 to index
            %get3A_812 = tpu.vector_load %arg8[%get3A_811] {strides = array<i32>} : memref<2304xf32, #tpu.memory_space<vmem>>, vector<16xf32>,
            %max3A = arith.maximumf %scan3A_806, %get3A_812 : vector<16xf32>
            scf.yield %max3A : vector<16xf32>
          }
          %scan3A_524 = arith.constant 15 : i32
          %swap3A_525 = tpu.memref_slice %run_scoped3A_20[%mul3A_487] : memref<96xf32, #tpu.memory_space<vmem>> -> memref<48xf32, #tpu.memory_space<vmem>>
          %swap3A_526 = arith.constant 16 : index
          %swap3A_527 = tpu.vector_load %swap3A_525[%swap3A_526] {strides = array<i32>} : memref<48xf32, #tpu.memory_space<vmem>>, vector<16xf32>,
          tpu.vector_store %swap3A_525[%swap3A_526], %scan3A_523 {strides = array<i32>} : memref<48xf32, #tpu.memory_space<vmem>>, vector<16xf32>,
          %get3A_528 = arith.constant 32 : index
          %get3A_529 = tpu.vector_load %arg8[%get3A_528] {strides = array<i32>} : memref<2304xf32, #tpu.memory_space<vmem>>, vector<16xf32>,
          %scan3A_530 = arith.constant 1 : i32
          %scan3A_531 = arith.constant 15 : i32
          %scan3A_532 = arith.addi %scan3A_530, %scan3A_531 : i32
          %scan3A_533 = arith.constant 1 : i32
          %scan3A_534 = scf.for %scan3A_805 = %scan3A_530 to %scan3A_532 step %scan3A_533 iter_args(%scan3A_806 = %get3A_529) -> (vector<16xf32>)  : i32 {
            %mul3A_807 = arith.constant 48 : i32
            %mul3A_808 = arith.muli %scan3A_805, %mul3A_807 : i32
            %add3A_809 = arith.constant 32 : i32
            %add3A_810 = arith.addi %add3A_809, %mul3A_808 : i32
            %get3A_811 = arith.index_cast %add3A_810 : i32 to index
            %get3A_812 = tpu.vector_load %arg8[%get3A_811] {strides = array<i32>} : memref<2304xf32, #tpu.memory_space<vmem>>, vector<16xf32>,
            %max3A = arith.maximumf %scan3A_806, %get3A_812 : vector<16xf32>
            scf.yield %max3A : vector<16xf32>
          }
          %scan3A_535 = arith.constant 15 : i32
          %swap3A_536 = tpu.memref_slice %run_scoped3A_20[%mul3A_487] : memref<96xf32, #tpu.memory_space<vmem>> -> memref<48xf32, #tpu.memory_space<vmem>>
          %swap3A_537 = arith.constant 32 : index
          %swap3A_538 = tpu.vector_load %swap3A_536[%swap3A_537] {strides = array<i32>} : memref<48xf32, #tpu.memory_space<vmem>>, vector<16xf32>,
          tpu.vector_store %swap3A_536[%swap3A_537], %scan3A_534 {strides = array<i32>} : memref<48xf32, #tpu.memory_space<vmem>>, vector<16xf32>,
          %get3A_539 = arith.constant 768 : index
          %get3A_540 = tpu.vector_load %arg8[%get3A_539] {strides = array<i32>} : memref<2304xf32, #tpu.memory_space<vmem>>, vector<16xf32>,
          %scan3A_541 = arith.constant 1 : i32
          %scan3A_542 = arith.constant 15 : i32
          %scan3A_543 = arith.addi %scan3A_541, %scan3A_542 : i32
          %scan3A_544 = arith.constant 1 : i32
          %scan3A_545 = scf.for %scan3A_805 = %scan3A_541 to %scan3A_543 step %scan3A_544 iter_args(%scan3A_806 = %get3A_540) -> (vector<16xf32>)  : i32 {
            %mul3A_807 = arith.constant 48 : i32
            %mul3A_808 = arith.muli %scan3A_805, %mul3A_807 : i32
            %add3A_809 = arith.constant 768 : i32
            %add3A_810 = arith.addi %add3A_809, %mul3A_808 : i32
            %get3A_811 = arith.index_cast %add3A_810 : i32 to index
            %get3A_812 = tpu.vector_load %arg8[%get3A_811] {strides = array<i32>} : memref<2304xf32, #tpu.memory_space<vmem>>, vector<16xf32>,
            %max3A = arith.maximumf %scan3A_806, %get3A_812 : vector<16xf32>
            scf.yield %max3A : vector<16xf32>
          }
          %scan3A_546 = arith.constant 15 : i32
          %swap3A_547 = tpu.memref_slice %run_scoped3A_22[%mul3A_491] : memref<96xf32, #tpu.memory_space<vmem>> -> memref<48xf32, #tpu.memory_space<vmem>>
          %swap3A_548 = arith.constant 0 : index
          %swap3A_549 = tpu.vector_load %swap3A_547[%swap3A_548] {strides = array<i32>} : memref<48xf32, #tpu.memory_space<vmem>>, vector<16xf32>,
          tpu.vector_store %swap3A_547[%swap3A_548], %scan3A_545 {strides = array<i32>} : memref<48xf32, #tpu.memory_space<vmem>>, vector<16xf32>,
          %get3A_550 = arith.constant 784 : index
          %get3A_551 = tpu.vector_load %arg8[%get3A_550] {strides = array<i32>} : memref<2304xf32, #tpu.memory_space<vmem>>, vector<16xf32>,
          %scan3A_552 = arith.constant 1 : i32
          %scan3A_553 = arith.constant 15 : i32
          %scan3A_554 = arith.addi %scan3A_552, %scan3A_553 : i32
          %scan3A_555 = arith.constant 1 : i32
          %scan3A_556 = scf.for %scan3A_805 = %scan3A_552 to %scan3A_554 step %scan3A_555 iter_args(%scan3A_806 = %get3A_551) -> (vector<16xf32>)  : i32 {
            %mul3A_807 = arith.constant 48 : i32
            %mul3A_808 = arith.muli %scan3A_805, %mul3A_807 : i32
            %add3A_809 = arith.constant 784 : i32
            %add3A_810 = arith.addi %add3A_809, %mul3A_808 : i32
            %get3A_811 = arith.index_cast %add3A_810 : i32 to index
            %get3A_812 = tpu.vector_load %arg8[%get3A_811] {strides = array<i32>} : memref<2304xf32, #tpu.memory_space<vmem>>, vector<16xf32>,
            %max3A = arith.maximumf %scan3A_806, %get3A_812 : vector<16xf32>
            scf.yield %max3A : vector<16xf32>
          }
          %scan3A_557 = arith.constant 15 : i32
          %swap3A_558 = tpu.memref_slice %run_scoped3A_22[%mul3A_491] : memref<96xf32, #tpu.memory_space<vmem>> -> memref<48xf32, #tpu.memory_space<vmem>>
          %swap3A_559 = arith.constant 16 : index
          %swap3A_560 = tpu.vector_load %swap3A_558[%swap3A_559] {strides = array<i32>} : memref<48xf32, #tpu.memory_space<vmem>>, vector<16xf32>,
          tpu.vector_store %swap3A_558[%swap3A_559], %scan3A_556 {strides = array<i32>} : memref<48xf32, #tpu.memory_space<vmem>>, vector<16xf32>,
          %get3A_561 = arith.constant 800 : index
          %get3A_562 = tpu.vector_load %arg8[%get3A_561] {strides = array<i32>} : memref<2304xf32, #tpu.memory_space<vmem>>, vector<16xf32>,
          %scan3A_563 = arith.constant 1 : i32
          %scan3A_564 = arith.constant 15 : i32
          %scan3A_565 = arith.addi %scan3A_563, %scan3A_564 : i32
          %scan3A_566 = arith.constant 1 : i32
          %scan3A_567 = scf.for %scan3A_805 = %scan3A_563 to %scan3A_565 step %scan3A_566 iter_args(%scan3A_806 = %get3A_562) -> (vector<16xf32>)  : i32 {
            %mul3A_807 = arith.constant 48 : i32
            %mul3A_808 = arith.muli %scan3A_805, %mul3A_807 : i32
            %add3A_809 = arith.constant 800 : i32
            %add3A_810 = arith.addi %add3A_809, %mul3A_808 : i32
            %get3A_811 = arith.index_cast %add3A_810 : i32 to index
            %get3A_812 = tpu.vector_load %arg8[%get3A_811] {strides = array<i32>} : memref<2304xf32, #tpu.memory_space<vmem>>, vector<16xf32>,
            %max3A = arith.maximumf %scan3A_806, %get3A_812 : vector<16xf32>
            scf.yield %max3A : vector<16xf32>
          }
          %scan3A_568 = arith.constant 15 : i32
          %swap3A_569 = tpu.memref_slice %run_scoped3A_22[%mul3A_491] : memref<96xf32, #tpu.memory_space<vmem>> -> memref<48xf32, #tpu.memory_space<vmem>>
          %swap3A_570 = arith.constant 32 : index
          %swap3A_571 = tpu.vector_load %swap3A_569[%swap3A_570] {strides = array<i32>} : memref<48xf32, #tpu.memory_space<vmem>>, vector<16xf32>,
          tpu.vector_store %swap3A_569[%swap3A_570], %scan3A_567 {strides = array<i32>} : memref<48xf32, #tpu.memory_space<vmem>>, vector<16xf32>,
          %get3A_572 = arith.constant 1536 : index
          %get3A_573 = tpu.vector_load %arg8[%get3A_572] {strides = array<i32>} : memref<2304xf32, #tpu.memory_space<vmem>>, vector<16xf32>,
          %scan3A_574 = arith.constant 1 : i32
          %scan3A_575 = arith.constant 15 : i32
          %scan3A_576 = arith.addi %scan3A_574, %scan3A_575 : i32
          %scan3A_577 = arith.constant 1 : i32
          %scan3A_578 = scf.for %scan3A_805 = %scan3A_574 to %scan3A_576 step %scan3A_577 iter_args(%scan3A_806 = %get3A_573) -> (vector<16xf32>)  : i32 {
            %mul3A_807 = arith.constant 48 : i32
            %mul3A_808 = arith.muli %scan3A_805, %mul3A_807 : i32
            %add3A_809 = arith.constant 1536 : i32
            %add3A_810 = arith.addi %add3A_809, %mul3A_808 : i32
            %get3A_811 = arith.index_cast %add3A_810 : i32 to index
            %get3A_812 = tpu.vector_load %arg8[%get3A_811] {strides = array<i32>} : memref<2304xf32, #tpu.memory_space<vmem>>, vector<16xf32>,
            %max3A = arith.maximumf %scan3A_806, %get3A_812 : vector<16xf32>
            scf.yield %max3A : vector<16xf32>
          }
          %scan3A_579 = arith.constant 15 : i32
          %swap3A_580 = tpu.memref_slice %run_scoped3A_24[%mul3A_495] : memref<96xf32, #tpu.memory_space<vmem>> -> memref<48xf32, #tpu.memory_space<vmem>>
          %swap3A_581 = arith.constant 0 : index
          %swap3A_582 = tpu.vector_load %swap3A_580[%swap3A_581] {strides = array<i32>} : memref<48xf32, #tpu.memory_space<vmem>>, vector<16xf32>,
          tpu.vector_store %swap3A_580[%swap3A_581], %scan3A_578 {strides = array<i32>} : memref<48xf32, #tpu.memory_space<vmem>>, vector<16xf32>,
          %get3A_583 = arith.constant 1552 : index
          %get3A_584 = tpu.vector_load %arg8[%get3A_583] {strides = array<i32>} : memref<2304xf32, #tpu.memory_space<vmem>>, vector<16xf32>,
          %scan3A_585 = arith.constant 1 : i32
          %scan3A_586 = arith.constant 15 : i32
          %scan3A_587 = arith.addi %scan3A_585, %scan3A_586 : i32
          %scan3A_588 = arith.constant 1 : i32
          %scan3A_589 = scf.for %scan3A_805 = %scan3A_585 to %scan3A_587 step %scan3A_588 iter_args(%scan3A_806 = %get3A_584) -> (vector<16xf32>)  : i32 {
            %mul3A_807 = arith.constant 48 : i32
            %mul3A_808 = arith.muli %scan3A_805, %mul3A_807 : i32
            %add3A_809 = arith.constant 1552 : i32
            %add3A_810 = arith.addi %add3A_809, %mul3A_808 : i32
            %get3A_811 = arith.index_cast %add3A_810 : i32 to index
            %get3A_812 = tpu.vector_load %arg8[%get3A_811] {strides = array<i32>} : memref<2304xf32, #tpu.memory_space<vmem>>, vector<16xf32>,
            %max3A = arith.maximumf %scan3A_806, %get3A_812 : vector<16xf32>
            scf.yield %max3A : vector<16xf32>
          }
          %scan3A_590 = arith.constant 15 : i32
          %swap3A_591 = tpu.memref_slice %run_scoped3A_24[%mul3A_495] : memref<96xf32, #tpu.memory_space<vmem>> -> memref<48xf32, #tpu.memory_space<vmem>>
          %swap3A_592 = arith.constant 16 : index
          %swap3A_593 = tpu.vector_load %swap3A_591[%swap3A_592] {strides = array<i32>} : memref<48xf32, #tpu.memory_space<vmem>>, vector<16xf32>,
          tpu.vector_store %swap3A_591[%swap3A_592], %scan3A_589 {strides = array<i32>} : memref<48xf32, #tpu.memory_space<vmem>>, vector<16xf32>,
          %get3A_594 = arith.constant 1568 : index
          %get3A_595 = tpu.vector_load %arg8[%get3A_594] {strides = array<i32>} : memref<2304xf32, #tpu.memory_space<vmem>>, vector<16xf32>,
          %scan3A_596 = arith.constant 1 : i32
          %scan3A_597 = arith.constant 15 : i32
          %scan3A_598 = arith.addi %scan3A_596, %scan3A_597 : i32
          %scan3A_599 = arith.constant 1 : i32
          %scan3A_600 = scf.for %scan3A_805 = %scan3A_596 to %scan3A_598 step %scan3A_599 iter_args(%scan3A_806 = %get3A_595) -> (vector<16xf32>)  : i32 {
            %mul3A_807 = arith.constant 48 : i32
            %mul3A_808 = arith.muli %scan3A_805, %mul3A_807 : i32
            %add3A_809 = arith.constant 1568 : i32
            %add3A_810 = arith.addi %add3A_809, %mul3A_808 : i32
            %get3A_811 = arith.index_cast %add3A_810 : i32 to index
            %get3A_812 = tpu.vector_load %arg8[%get3A_811] {strides = array<i32>} : memref<2304xf32, #tpu.memory_space<vmem>>, vector<16xf32>,
            %max3A = arith.maximumf %scan3A_806, %get3A_812 : vector<16xf32>
            scf.yield %max3A : vector<16xf32>
          }
          %scan3A_601 = arith.constant 15 : i32
          %swap3A_602 = tpu.memref_slice %run_scoped3A_24[%mul3A_495] : memref<96xf32, #tpu.memory_space<vmem>> -> memref<48xf32, #tpu.memory_space<vmem>>
          %swap3A_603 = arith.constant 32 : index
          %swap3A_604 = tpu.vector_load %swap3A_602[%swap3A_603] {strides = array<i32>} : memref<48xf32, #tpu.memory_space<vmem>>, vector<16xf32>,
          tpu.vector_store %swap3A_602[%swap3A_603], %scan3A_600 {strides = array<i32>} : memref<48xf32, #tpu.memory_space<vmem>>, vector<16xf32>,
          "tpu.trace_stop"() : () -> ()
          %ne3A_605 = arith.cmpi ne, %add3A_276, %add3A_312 : i32
          %ne3A_606 = arith.cmpi ne, %add3A_277, %add3A_313 : i32
          %or3A_607 = arith.constant false
          %or3A_608 = arith.ori %or3A_607, %ne3A_605 : i1
          %or3A_609 = arith.ori %or3A_608, %ne3A_606 : i1
          %or3A_610 = arith.constant false
          %or3A_611 = arith.ori %or3A_609, %or3A_610 : i1
          %or3A_612 = arith.ori %or3A_611, %eq3A_274 : i1
          %convert_element_type3A_613 = arith.extui %or3A_612 : i1 to i32
          %cond3A_614 = arith.constant 0 : i32
          %cond3A_615 = arith.cmpi ne, %convert_element_type3A_613, %cond3A_614 : i32
          scf.if %cond3A_615 {
          } else {
          }
          %and3A_616 = arith.constant false
          %and3A_617 = arith.andi %or3A_612, %and3A_616 : i1
          %ne3A_618 = arith.cmpi ne, %add3A_276, %add3A_312 : i32
          %or3A_619 = arith.constant false
          %or3A_620 = arith.ori %or3A_619, %ne3A_618 : i1
          %or3A_621 = arith.constant false
          %or3A_622 = arith.ori %or3A_620, %or3A_621 : i1
          %or3A_623 = arith.ori %or3A_622, %eq3A_274 : i1
          %convert_element_type3A_624 = arith.extui %or3A_623 : i1 to i32
          %cond3A_625 = arith.constant 0 : i32
          %cond3A_626 = arith.cmpi ne, %convert_element_type3A_624, %cond3A_625 : i32
          scf.if %cond3A_626 {
          } else {
          }
          %and3A_627 = arith.constant false
          %and3A_628 = arith.andi %or3A_623, %and3A_627 : i1
          %mul3A_629 = arith.constant 16 : i32
          %mul3A_630 = arith.muli %add3A_276, %mul3A_629 : i32
          %add3A_631 = arith.addi %mul3A_630, %add3A_277 : i32
          %mul3A_632 = arith.constant 16 : i32
          %mul3A_633 = arith.muli %add3A_312, %mul3A_632 : i32
          %add3A_634 = arith.addi %mul3A_633, %add3A_313 : i32
          %ne3A_635 = arith.cmpi ne, %add3A_631, %add3A_634 : i32
          %or3A_636 = arith.constant false
          %or3A_637 = arith.ori %or3A_636, %ne3A_635 : i1
          %or3A_638 = arith.ori %or3A_637, %eq3A_274 : i1
          %convert_element_type3A_639 = arith.extui %or3A_638 : i1 to i32
          %cond3A_640 = arith.constant 0 : i32
          %cond3A_641 = arith.cmpi ne, %convert_element_type3A_639, %cond3A_640 : i32
          scf.if %cond3A_641 {
            "tpu.trace_start"() <{level = 10 : i32, message = "ep_copy_out"}> : () -> ()
            %rem3A_805 = arith.constant 2 : i32
            %rem3A_806 = arith.remui %while3A_260, %rem3A_805 : i32
            %mul3A_807 = arith.constant 16 : i32
            %mul3A_808 = arith.muli %add3A_276, %mul3A_807 : i32
            %add3A_809 = arith.addi %mul3A_808, %add3A_277 : i32
            %mul3A_810 = arith.constant 48 : i32
            %mul3A_811 = arith.muli %mul3A_810, %add3A_809 : i32
            %mul3A_812 = arith.constant 48 : i32
            %mul3A_813 = arith.muli %rem3A_806, %mul3A_812 : i32
            %add3A_814 = arith.constant 0 : i32
            %add3A_815 = arith.addi %mul3A_813, %add3A_814 : i32
            %dma_start3A_816 = tpu.memref_slice %run_scoped3A_20[%add3A_815] : memref<96xf32, #tpu.memory_space<vmem>> -> memref<48xf32, #tpu.memory_space<vmem>>
            %dma_start3A_817 = tpu.memref_slice %arg4[%mul3A_811] : memref<6144xf32, #tpu.memory_space<hbm>> -> memref<48xf32, #tpu.memory_space<hbm>>
            %dma_start3A_818 = tpu.memref_slice %run_scoped3A_21[%rem3A_806] : memref<2x!tpu.dma_semaphore, #tpu.memory_space<semaphore_mem>> -> memref<1x!tpu.dma_semaphore, #tpu.memory_space<semaphore_mem>>
            %dma_start3A_819 = tpu.memref_squeeze %dma_start3A_818 : memref<1x!tpu.dma_semaphore, #tpu.memory_space<semaphore_mem>> -> memref<!tpu.dma_semaphore, #tpu.memory_space<semaphore_mem>>
            %dma_start3A_820 = tpu.memref_slice %arg4[%mul3A_811] : memref<6144xf32, #tpu.memory_space<hbm>> -> memref<48xf32, #tpu.memory_space<hbm>>
            %dma_start3A_821 = tpu.memref_slice %run_scoped3A_20[%add3A_815] : memref<96xf32, #tpu.memory_space<vmem>> -> memref<48xf32, #tpu.memory_space<vmem>>
            tpu.enqueue_dma source(%dma_start3A_821 : memref<48xf32, #tpu.memory_space<vmem>>) target(%dma_start3A_820 : memref<48xf32, #tpu.memory_space<hbm>>) target_semaphore(%dma_start3A_819 : memref<!tpu.dma_semaphore, #tpu.memory_space<semaphore_mem>>)
            "tpu.trace_stop"() : () -> ()
          } else {
          }
          %and3A_642 = arith.constant true
          %and3A_643 = arith.andi %or3A_638, %and3A_642 : i1
          %add3A_644 = arith.constant 1 : i32
          %add3A_645 = arith.addi %while3A_260, %add3A_644 : i32
          %select_n3A_646 = arith.select %and3A_643, %add3A_645, %while3A_260 : i32
          %mul3A_647 = arith.constant 16 : i32
          %mul3A_648 = arith.muli %add3A_276, %mul3A_647 : i32
          %add3A_649 = arith.addi %mul3A_648, %add3A_277 : i32
          %mul3A_650 = arith.constant 16 : i32
          %mul3A_651 = arith.muli %add3A_312, %mul3A_650 : i32
          %add3A_652 = arith.addi %mul3A_651, %add3A_313 : i32
          %ne3A_653 = arith.cmpi ne, %add3A_649, %add3A_652 : i32
          %or3A_654 = arith.constant false
          %or3A_655 = arith.ori %or3A_654, %ne3A_653 : i1
          %or3A_656 = arith.ori %or3A_655, %eq3A_274 : i1
          %convert_element_type3A_657 = arith.extui %or3A_656 : i1 to i32
          %cond3A_658 = arith.constant 0 : i32
          %cond3A_659 = arith.cmpi ne, %convert_element_type3A_657, %cond3A_658 : i32
          scf.if %cond3A_659 {
            "tpu.trace_start"() <{level = 10 : i32, message = "ep_copy_out"}> : () -> ()
            %rem3A_805 = arith.constant 2 : i32
            %rem3A_806 = arith.remui %while3A_262, %rem3A_805 : i32
            %mul3A_807 = arith.constant 16 : i32
            %mul3A_808 = arith.muli %add3A_276, %mul3A_807 : i32
            %add3A_809 = arith.addi %mul3A_808, %add3A_277 : i32
            %mul3A_810 = arith.constant 48 : i32
            %mul3A_811 = arith.muli %mul3A_810, %add3A_809 : i32
            %mul3A_812 = arith.constant 48 : i32
            %mul3A_813 = arith.muli %rem3A_806, %mul3A_812 : i32
            %add3A_814 = arith.constant 0 : i32
            %add3A_815 = arith.addi %mul3A_813, %add3A_814 : i32
            %dma_start3A_816 = tpu.memref_slice %run_scoped3A_22[%add3A_815] : memref<96xf32, #tpu.memory_space<vmem>> -> memref<48xf32, #tpu.memory_space<vmem>>
            %dma_start3A_817 = tpu.memref_slice %arg5[%mul3A_811] : memref<6144xf32, #tpu.memory_space<hbm>> -> memref<48xf32, #tpu.memory_space<hbm>>
            %dma_start3A_818 = tpu.memref_slice %run_scoped3A_23[%rem3A_806] : memref<2x!tpu.dma_semaphore, #tpu.memory_space<semaphore_mem>> -> memref<1x!tpu.dma_semaphore, #tpu.memory_space<semaphore_mem>>
            %dma_start3A_819 = tpu.memref_squeeze %dma_start3A_818 : memref<1x!tpu.dma_semaphore, #tpu.memory_space<semaphore_mem>> -> memref<!tpu.dma_semaphore, #tpu.memory_space<semaphore_mem>>
            %dma_start3A_820 = tpu.memref_slice %arg5[%mul3A_811] : memref<6144xf32, #tpu.memory_space<hbm>> -> memref<48xf32, #tpu.memory_space<hbm>>
            %dma_start3A_821 = tpu.memref_slice %run_scoped3A_22[%add3A_815] : memref<96xf32, #tpu.memory_space<vmem>> -> memref<48xf32, #tpu.memory_space<vmem>>
            tpu.enqueue_dma source(%dma_start3A_821 : memref<48xf32, #tpu.memory_space<vmem>>) target(%dma_start3A_820 : memref<48xf32, #tpu.memory_space<hbm>>) target_semaphore(%dma_start3A_819 : memref<!tpu.dma_semaphore, #tpu.memory_space<semaphore_mem>>)
            "tpu.trace_stop"() : () -> ()
          } else {
          }
          %and3A_660 = arith.constant true
          %and3A_661 = arith.andi %or3A_656, %and3A_660 : i1
          %add3A_662 = arith.constant 1 : i32
          %add3A_663 = arith.addi %while3A_262, %add3A_662 : i32
          %select_n3A_664 = arith.select %and3A_661, %add3A_663, %while3A_262 : i32
          %mul3A_665 = arith.constant 16 : i32
          %mul3A_666 = arith.muli %add3A_276, %mul3A_665 : i32
          %add3A_667 = arith.addi %mul3A_666, %add3A_277 : i32
          %mul3A_668 = arith.constant 16 : i32
          %mul3A_669 = arith.muli %add3A_312, %mul3A_668 : i32
          %add3A_670 = arith.addi %mul3A_669, %add3A_313 : i32
          %ne3A_671 = arith.cmpi ne, %add3A_667, %add3A_670 : i32
          %or3A_672 = arith.constant false
          %or3A_673 = arith.ori %or3A_672, %ne3A_671 : i1
          %or3A_674 = arith.ori %or3A_673, %eq3A_274 : i1
          %convert_element_type3A_675 = arith.extui %or3A_674 : i1 to i32
          %cond3A_676 = arith.constant 0 : i32
          %cond3A_677 = arith.cmpi ne, %convert_element_type3A_675, %cond3A_676 : i32
          scf.if %cond3A_677 {
            "tpu.trace_start"() <{level = 10 : i32, message = "ep_copy_out"}> : () -> ()
            %rem3A_805 = arith.constant 2 : i32
            %rem3A_806 = arith.remui %while3A_264, %rem3A_805 : i32
            %mul3A_807 = arith.constant 16 : i32
            %mul3A_808 = arith.muli %add3A_276, %mul3A_807 : i32
            %add3A_809 = arith.addi %mul3A_808, %add3A_277 : i32
            %mul3A_810 = arith.constant 48 : i32
            %mul3A_811 = arith.muli %mul3A_810, %add3A_809 : i32
            %mul3A_812 = arith.constant 48 : i32
            %mul3A_813 = arith.muli %rem3A_806, %mul3A_812 : i32
            %add3A_814 = arith.constant 0 : i32
            %add3A_815 = arith.addi %mul3A_813, %add3A_814 : i32
            %dma_start3A_816 = tpu.memref_slice %run_scoped3A_24[%add3A_815] : memref<96xf32, #tpu.memory_space<vmem>> -> memref<48xf32, #tpu.memory_space<vmem>>
            %dma_start3A_817 = tpu.memref_slice %arg6[%mul3A_811] : memref<6144xf32, #tpu.memory_space<hbm>> -> memref<48xf32, #tpu.memory_space<hbm>>
            %dma_start3A_818 = tpu.memref_slice %run_scoped3A_25[%rem3A_806] : memref<2x!tpu.dma_semaphore, #tpu.memory_space<semaphore_mem>> -> memref<1x!tpu.dma_semaphore, #tpu.memory_space<semaphore_mem>>
            %dma_start3A_819 = tpu.memref_squeeze %dma_start3A_818 : memref<1x!tpu.dma_semaphore, #tpu.memory_space<semaphore_mem>> -> memref<!tpu.dma_semaphore, #tpu.memory_space<semaphore_mem>>
            %dma_start3A_820 = tpu.memref_slice %arg6[%mul3A_811] : memref<6144xf32, #tpu.memory_space<hbm>> -> memref<48xf32, #tpu.memory_space<hbm>>
            %dma_start3A_821 = tpu.memref_slice %run_scoped3A_24[%add3A_815] : memref<96xf32, #tpu.memory_space<vmem>> -> memref<48xf32, #tpu.memory_space<vmem>>
            tpu.enqueue_dma source(%dma_start3A_821 : memref<48xf32, #tpu.memory_space<vmem>>) target(%dma_start3A_820 : memref<48xf32, #tpu.memory_space<hbm>>) target_semaphore(%dma_start3A_819 : memref<!tpu.dma_semaphore, #tpu.memory_space<semaphore_mem>>)
            "tpu.trace_stop"() : () -> ()
          } else {
          }
          %and3A_678 = arith.constant true
          %and3A_679 = arith.andi %or3A_674, %and3A_678 : i1
          %add3A_680 = arith.constant 1 : i32
          %add3A_681 = arith.addi %while3A_264, %add3A_680 : i32
          %select_n3A_682 = arith.select %and3A_679, %add3A_681, %while3A_264 : i32
          %ne3A_683 = arith.cmpi ne, %add3A_276, %add3A_295 : i32
          %ne3A_684 = arith.cmpi ne, %add3A_277, %add3A_296 : i32
          %or3A_685 = arith.constant false
          %or3A_686 = arith.ori %or3A_685, %ne3A_683 : i1
          %or3A_687 = arith.ori %or3A_686, %ne3A_684 : i1
          %or3A_688 = arith.constant false
          %or3A_689 = arith.ori %or3A_687, %or3A_688 : i1
          %not3A_690 = arith.constant true
          %not3A_691 = arith.xori %eq3A_271, %not3A_690 : i1
          %and3A_692 = arith.andi %or3A_689, %not3A_691 : i1
          %convert_element_type3A_693 = arith.extui %and3A_692 : i1 to i32
          %cond3A_694 = arith.constant 0 : i32
          %cond3A_695 = arith.cmpi ne, %convert_element_type3A_693, %cond3A_694 : i32
          scf.if %cond3A_695 {
          } else {
          }
          %and3A_696 = arith.constant false
          %and3A_697 = arith.andi %and3A_692, %and3A_696 : i1
          %ne3A_698 = arith.cmpi ne, %add3A_276, %add3A_295 : i32
          %or3A_699 = arith.constant false
          %or3A_700 = arith.ori %or3A_699, %ne3A_698 : i1
          %or3A_701 = arith.constant false
          %or3A_702 = arith.ori %or3A_700, %or3A_701 : i1
          %not3A_703 = arith.constant true
          %not3A_704 = arith.xori %eq3A_271, %not3A_703 : i1
          %and3A_705 = arith.andi %or3A_702, %not3A_704 : i1
          %convert_element_type3A_706 = arith.extui %and3A_705 : i1 to i32
          %cond3A_707 = arith.constant 0 : i32
          %cond3A_708 = arith.cmpi ne, %convert_element_type3A_706, %cond3A_707 : i32
          scf.if %cond3A_708 {
          } else {
          }
          %and3A_709 = arith.constant false
          %and3A_710 = arith.andi %and3A_705, %and3A_709 : i1
          %mul3A_711 = arith.constant 16 : i32
          %mul3A_712 = arith.muli %add3A_276, %mul3A_711 : i32
          %add3A_713 = arith.addi %mul3A_712, %add3A_277 : i32
          %mul3A_714 = arith.constant 16 : i32
          %mul3A_715 = arith.muli %add3A_295, %mul3A_714 : i32
          %add3A_716 = arith.addi %mul3A_715, %add3A_296 : i32
          %ne3A_717 = arith.cmpi ne, %add3A_713, %add3A_716 : i32
          %or3A_718 = arith.constant false
          %or3A_719 = arith.ori %or3A_718, %ne3A_717 : i1
          %not3A_720 = arith.constant true
          %not3A_721 = arith.xori %eq3A_271, %not3A_720 : i1
          %and3A_722 = arith.andi %or3A_719, %not3A_721 : i1
          %convert_element_type3A_723 = arith.extui %and3A_722 : i1 to i32
          %cond3A_724 = arith.constant 0 : i32
          %cond3A_725 = arith.cmpi ne, %convert_element_type3A_723, %cond3A_724 : i32
          scf.if %cond3A_725 {
            "tpu.trace_start"() <{level = 10 : i32, message = "ep_wait_out"}> : () -> ()
            %rem3A_805 = arith.constant 2 : i32
            %rem3A_806 = arith.remui %while3A_261, %rem3A_805 : i32
            %mul3A_807 = arith.constant 16 : i32
            %mul3A_808 = arith.muli %add3A_295, %mul3A_807 : i32
            %add3A_809 = arith.addi %mul3A_808, %add3A_296 : i32
            %mul3A_810 = arith.constant 48 : i32
            %mul3A_811 = arith.muli %mul3A_810, %add3A_809 : i32
            %mul3A_812 = arith.constant 48 : i32
            %mul3A_813 = arith.muli %rem3A_806, %mul3A_812 : i32
            %add3A_814 = arith.constant 0 : i32
            %add3A_815 = arith.addi %mul3A_813, %add3A_814 : i32
            %dma_wait3A = tpu.memref_slice %run_scoped3A_20[%add3A_815] : memref<96xf32, #tpu.memory_space<vmem>> -> memref<48xf32, #tpu.memory_space<vmem>>
            %dma_wait3A_816 = tpu.memref_slice %arg4[%mul3A_811] : memref<6144xf32, #tpu.memory_space<hbm>> -> memref<48xf32, #tpu.memory_space<hbm>>
            %dma_wait3A_817 = tpu.memref_slice %run_scoped3A_21[%rem3A_806] : memref<2x!tpu.dma_semaphore, #tpu.memory_space<semaphore_mem>> -> memref<1x!tpu.dma_semaphore, #tpu.memory_space<semaphore_mem>>
            %dma_wait3A_818 = tpu.memref_squeeze %dma_wait3A_817 : memref<1x!tpu.dma_semaphore, #tpu.memory_space<semaphore_mem>> -> memref<!tpu.dma_semaphore, #tpu.memory_space<semaphore_mem>>
            %dma_wait3A_819 = tpu.memref_slice %arg4[%mul3A_811] : memref<6144xf32, #tpu.memory_space<hbm>> -> memref<48xf32, #tpu.memory_space<hbm>>
            %dma_wait3A_820 = tpu.memref_slice %run_scoped3A_20[%add3A_815] : memref<96xf32, #tpu.memory_space<vmem>> -> memref<48xf32, #tpu.memory_space<vmem>>
            tpu.wait_dma2 semaphore(%dma_wait3A_818 : memref<!tpu.dma_semaphore, #tpu.memory_space<semaphore_mem>>) src(%dma_wait3A_820 : memref<48xf32, #tpu.memory_space<vmem>>) dst(%dma_wait3A_819 : memref<48xf32, #tpu.memory_space<hbm>>)
            "tpu.trace_stop"() : () -> ()
          } else {
          }
          %and3A_726 = arith.constant true
          %and3A_727 = arith.andi %and3A_722, %and3A_726 : i1
          %add3A_728 = arith.constant 1 : i32
          %add3A_729 = arith.addi %while3A_261, %add3A_728 : i32
          %select_n3A_730 = arith.select %and3A_727, %add3A_729, %while3A_261 : i32
          %mul3A_731 = arith.constant 16 : i32
          %mul3A_732 = arith.muli %add3A_276, %mul3A_731 : i32
          %add3A_733 = arith.addi %mul3A_732, %add3A_277 : i32
          %mul3A_734 = arith.constant 16 : i32
          %mul3A_735 = arith.muli %add3A_295, %mul3A_734 : i32
          %add3A_736 = arith.addi %mul3A_735, %add3A_296 : i32
          %ne3A_737 = arith.cmpi ne, %add3A_733, %add3A_736 : i32
          %or3A_738 = arith.constant false
          %or3A_739 = arith.ori %or3A_738, %ne3A_737 : i1
          %not3A_740 = arith.constant true
          %not3A_741 = arith.xori %eq3A_271, %not3A_740 : i1
          %and3A_742 = arith.andi %or3A_739, %not3A_741 : i1
          %convert_element_type3A_743 = arith.extui %and3A_742 : i1 to i32
          %cond3A_744 = arith.constant 0 : i32
          %cond3A_745 = arith.cmpi ne, %convert_element_type3A_743, %cond3A_744 : i32
          scf.if %cond3A_745 {
            "tpu.trace_start"() <{level = 10 : i32, message = "ep_wait_out"}> : () -> ()
            %rem3A_805 = arith.constant 2 : i32
            %rem3A_806 = arith.remui %while3A_263, %rem3A_805 : i32
            %mul3A_807 = arith.constant 16 : i32
            %mul3A_808 = arith.muli %add3A_295, %mul3A_807 : i32
            %add3A_809 = arith.addi %mul3A_808, %add3A_296 : i32
            %mul3A_810 = arith.constant 48 : i32
            %mul3A_811 = arith.muli %mul3A_810, %add3A_809 : i32
            %mul3A_812 = arith.constant 48 : i32
            %mul3A_813 = arith.muli %rem3A_806, %mul3A_812 : i32
            %add3A_814 = arith.constant 0 : i32
            %add3A_815 = arith.addi %mul3A_813, %add3A_814 : i32
            %dma_wait3A = tpu.memref_slice %run_scoped3A_22[%add3A_815] : memref<96xf32, #tpu.memory_space<vmem>> -> memref<48xf32, #tpu.memory_space<vmem>>
            %dma_wait3A_816 = tpu.memref_slice %arg5[%mul3A_811] : memref<6144xf32, #tpu.memory_space<hbm>> -> memref<48xf32, #tpu.memory_space<hbm>>
            %dma_wait3A_817 = tpu.memref_slice %run_scoped3A_23[%rem3A_806] : memref<2x!tpu.dma_semaphore, #tpu.memory_space<semaphore_mem>> -> memref<1x!tpu.dma_semaphore, #tpu.memory_space<semaphore_mem>>
            %dma_wait3A_818 = tpu.memref_squeeze %dma_wait3A_817 : memref<1x!tpu.dma_semaphore, #tpu.memory_space<semaphore_mem>> -> memref<!tpu.dma_semaphore, #tpu.memory_space<semaphore_mem>>
            %dma_wait3A_819 = tpu.memref_slice %arg5[%mul3A_811] : memref<6144xf32, #tpu.memory_space<hbm>> -> memref<48xf32, #tpu.memory_space<hbm>>
            %dma_wait3A_820 = tpu.memref_slice %run_scoped3A_22[%add3A_815] : memref<96xf32, #tpu.memory_space<vmem>> -> memref<48xf32, #tpu.memory_space<vmem>>
            tpu.wait_dma2 semaphore(%dma_wait3A_818 : memref<!tpu.dma_semaphore, #tpu.memory_space<semaphore_mem>>) src(%dma_wait3A_820 : memref<48xf32, #tpu.memory_space<vmem>>) dst(%dma_wait3A_819 : memref<48xf32, #tpu.memory_space<hbm>>)
            "tpu.trace_stop"() : () -> ()
          } else {
          }
          %and3A_746 = arith.constant true
          %and3A_747 = arith.andi %and3A_742, %and3A_746 : i1
          %add3A_748 = arith.constant 1 : i32
          %add3A_749 = arith.addi %while3A_263, %add3A_748 : i32
          %select_n3A_750 = arith.select %and3A_747, %add3A_749, %while3A_263 : i32
          %mul3A_751 = arith.constant 16 : i32
          %mul3A_752 = arith.muli %add3A_276, %mul3A_751 : i32
          %add3A_753 = arith.addi %mul3A_752, %add3A_277 : i32
          %mul3A_754 = arith.constant 16 : i32
          %mul3A_755 = arith.muli %add3A_295, %mul3A_754 : i32
          %add3A_756 = arith.addi %mul3A_755, %add3A_296 : i32
          %ne3A_757 = arith.cmpi ne, %add3A_753, %add3A_756 : i32
          %or3A_758 = arith.constant false
          %or3A_759 = arith.ori %or3A_758, %ne3A_757 : i1
          %not3A_760 = arith.constant true
          %not3A_761 = arith.xori %eq3A_271, %not3A_760 : i1
          %and3A_762 = arith.andi %or3A_759, %not3A_761 : i1
          %convert_element_type3A_763 = arith.extui %and3A_762 : i1 to i32
          %cond3A_764 = arith.constant 0 : i32
          %cond3A_765 = arith.cmpi ne, %convert_element_type3A_763, %cond3A_764 : i32
          scf.if %cond3A_765 {
            "tpu.trace_start"() <{level = 10 : i32, message = "ep_wait_out"}> : () -> ()
            %rem3A_805 = arith.constant 2 : i32
            %rem3A_806 = arith.remui %while3A_265, %rem3A_805 : i32
            %mul3A_807 = arith.constant 16 : i32
            %mul3A_808 = arith.muli %add3A_295, %mul3A_807 : i32
            %add3A_809 = arith.addi %mul3A_808, %add3A_296 : i32
            %mul3A_810 = arith.constant 48 : i32
            %mul3A_811 = arith.muli %mul3A_810, %add3A_809 : i32
            %mul3A_812 = arith.constant 48 : i32
            %mul3A_813 = arith.muli %rem3A_806, %mul3A_812 : i32
            %add3A_814 = arith.constant 0 : i32
            %add3A_815 = arith.addi %mul3A_813, %add3A_814 : i32
            %dma_wait3A = tpu.memref_slice %run_scoped3A_24[%add3A_815] : memref<96xf32, #tpu.memory_space<vmem>> -> memref<48xf32, #tpu.memory_space<vmem>>
            %dma_wait3A_816 = tpu.memref_slice %arg6[%mul3A_811] : memref<6144xf32, #tpu.memory_space<hbm>> -> memref<48xf32, #tpu.memory_space<hbm>>
            %dma_wait3A_817 = tpu.memref_slice %run_scoped3A_25[%rem3A_806] : memref<2x!tpu.dma_semaphore, #tpu.memory_space<semaphore_mem>> -> memref<1x!tpu.dma_semaphore, #tpu.memory_space<semaphore_mem>>
            %dma_wait3A_818 = tpu.memref_squeeze %dma_wait3A_817 : memref<1x!tpu.dma_semaphore, #tpu.memory_space<semaphore_mem>> -> memref<!tpu.dma_semaphore, #tpu.memory_space<semaphore_mem>>
            %dma_wait3A_819 = tpu.memref_slice %arg6[%mul3A_811] : memref<6144xf32, #tpu.memory_space<hbm>> -> memref<48xf32, #tpu.memory_space<hbm>>
            %dma_wait3A_820 = tpu.memref_slice %run_scoped3A_24[%add3A_815] : memref<96xf32, #tpu.memory_space<vmem>> -> memref<48xf32, #tpu.memory_space<vmem>>
            tpu.wait_dma2 semaphore(%dma_wait3A_818 : memref<!tpu.dma_semaphore, #tpu.memory_space<semaphore_mem>>) src(%dma_wait3A_820 : memref<48xf32, #tpu.memory_space<vmem>>) dst(%dma_wait3A_819 : memref<48xf32, #tpu.memory_space<hbm>>)
            "tpu.trace_stop"() : () -> ()
          } else {
          }
          %and3A_766 = arith.constant true
          %and3A_767 = arith.andi %and3A_762, %and3A_766 : i1
          %add3A_768 = arith.constant 1 : i32
          %add3A_769 = arith.addi %while3A_265, %add3A_768 : i32
          %select_n3A_770 = arith.select %and3A_767, %add3A_769, %while3A_265 : i32
          %ne3A_771 = arith.cmpi ne, %add3A_276, %add3A_312 : i32
          %ne3A_772 = arith.cmpi ne, %add3A_277, %add3A_313 : i32
          %or3A_773 = arith.constant false
          %or3A_774 = arith.ori %or3A_773, %ne3A_771 : i1
          %or3A_775 = arith.ori %or3A_774, %ne3A_772 : i1
          %or3A_776 = arith.constant false
          %or3A_777 = arith.ori %or3A_775, %or3A_776 : i1
          %or3A_778 = arith.ori %or3A_777, %eq3A_274 : i1
          %add3A_779 = arith.constant 1 : i32
          %add3A_780 = arith.addi %while3A_257, %add3A_779 : i32
          %select_n3A_781 = arith.select %or3A_778, %add3A_780, %while3A_257 : i32
          %ne3A_782 = arith.cmpi ne, %add3A_276, %add3A_312 : i32
          %or3A_783 = arith.constant false
          %or3A_784 = arith.ori %or3A_783, %ne3A_782 : i1
          %or3A_785 = arith.constant false
          %or3A_786 = arith.ori %or3A_784, %or3A_785 : i1
          %or3A_787 = arith.ori %or3A_786, %eq3A_274 : i1
          %add3A_788 = arith.constant 1 : i32
          %add3A_789 = arith.addi %while3A_259, %add3A_788 : i32
          %select_n3A_790 = arith.select %or3A_787, %add3A_789, %while3A_259 : i32
          %add3A_791 = arith.constant 1 : i32
          %add3A_792 = arith.addi %while3A_267, %add3A_791 : i32
          %select_n3A_793 = arith.constant true
          %select_n3A_794 = arith.select %select_n3A_793, %add3A_792, %while3A_267 : i32
          %eq3A_795 = arith.cmpi eq, %select_n3A_794, %select_n3A : i32
          %select_n3A_796 = arith.constant 0 : i32
          %select_n3A_797 = arith.select %eq3A_795, %select_n3A_796, %select_n3A_794 : i32
          %add3A_798 = arith.constant 1 : i32
          %add3A_799 = arith.addi %while3A_266, %add3A_798 : i32
          %select_n3A_800 = arith.select %eq3A_795, %add3A_799, %while3A_266 : i32
          %eq3A_801 = arith.constant 8 : i32
          %eq3A_802 = arith.cmpi eq, %select_n3A_800, %eq3A_801 : i32
          %select_n3A_803 = arith.constant 0 : i32
          %select_n3A_804 = arith.select %eq3A_802, %select_n3A_803, %select_n3A_800 : i32
          scf.yield %select_n3A_348, %select_n3A_781, %select_n3A_369, %select_n3A_790, %select_n3A_646, %select_n3A_730, %select_n3A_664, %select_n3A_750, %select_n3A_682, %select_n3A_770, %select_n3A_804, %select_n3A_797 : i32, i32, i32, i32, i32, i32, i32, i32, i32, i32, i32, i32
        }
        %sub3A_159 = arith.constant 1 : i32
        %sub3A_160 = arith.subi %while3A_158#11, %sub3A_159 : i32
        %select_n3A_161 = arith.constant true
        %select_n3A_162 = arith.select %select_n3A_161, %sub3A_160, %while3A_158#11 : i32
        %eq3A_163 = arith.constant -1 : i32
        %eq3A_164 = arith.cmpi eq, %select_n3A_162, %eq3A_163 : i32
        %sub3A_165 = arith.constant 1 : i32
        %sub3A_166 = arith.subi %select_n3A, %sub3A_165 : i32
        %select_n3A_167 = arith.select %eq3A_164, %sub3A_166, %select_n3A_162 : i32
        %sub3A_168 = arith.constant 1 : i32
        %sub3A_169 = arith.subi %while3A_158#10, %sub3A_168 : i32
        %select_n3A_170 = arith.select %eq3A_164, %sub3A_169, %while3A_158#10 : i32
        %eq3A_171 = arith.constant -1 : i32
        %eq3A_172 = arith.cmpi eq, %select_n3A_170, %eq3A_171 : i32
        %select_n3A_173 = arith.constant 7 : i32
        %select_n3A_174 = arith.select %eq3A_172, %select_n3A_173, %select_n3A_170 : i32
        %sub3A_175 = arith.constant 1 : i32
        %sub3A_176 = arith.subi %mul3A_16, %sub3A_175 : i32
        %mul3A_177 = arith.constant 8 : i32
        %mul3A_178 = arith.muli %mul3A_177, %select_n3A : i32
        %eq3A_179 = arith.constant 0 : i32
        %eq3A_180 = arith.cmpi eq, %sub3A_176, %eq3A_179 : i32
        %sub3A_181 = arith.constant 1 : i32
        %sub3A_182 = arith.subi %mul3A_178, %sub3A_181 : i32
        %eq3A_183 = arith.cmpi eq, %sub3A_176, %sub3A_182 : i32
        %add3A_184 = arith.constant 0 : i32
        %add3A_185 = arith.addi %select_n3A_174, %add3A_184 : i32
        %add3A_186 = arith.addi %select_n3A_167, %select_n3A_14 : i32
        %sub3A_187 = arith.constant 1 : i32
        %sub3A_188 = arith.subi %select_n3A_167, %sub3A_187 : i32
        %select_n3A_189 = arith.constant true
        %select_n3A_190 = arith.select %select_n3A_189, %sub3A_188, %select_n3A_167 : i32
        %eq3A_191 = arith.constant -1 : i32
        %eq3A_192 = arith.cmpi eq, %select_n3A_190, %eq3A_191 : i32
        %sub3A_193 = arith.constant 1 : i32
        %sub3A_194 = arith.subi %select_n3A, %sub3A_193 : i32
        %select_n3A_195 = arith.select %eq3A_192, %sub3A_194, %select_n3A_190 : i32
        %sub3A_196 = arith.constant 1 : i32
        %sub3A_197 = arith.subi %select_n3A_174, %sub3A_196 : i32
        %select_n3A_198 = arith.select %eq3A_192, %sub3A_197, %select_n3A_174 : i32
        %eq3A_199 = arith.constant -1 : i32
        %eq3A_200 = arith.cmpi eq, %select_n3A_198, %eq3A_199 : i32
        %select_n3A_201 = arith.constant 7 : i32
        %select_n3A_202 = arith.select %eq3A_200, %select_n3A_201, %select_n3A_198 : i32
        %add3A_203 = arith.constant 0 : i32
        %add3A_204 = arith.addi %select_n3A_202, %add3A_203 : i32
        %add3A_205 = arith.addi %select_n3A_195, %select_n3A_14 : i32
        %add3A_206 = arith.constant 1 : i32
        %add3A_207 = arith.addi %select_n3A_167, %add3A_206 : i32
        %select_n3A_208 = arith.constant true
        %select_n3A_209 = arith.select %select_n3A_208, %add3A_207, %select_n3A_167 : i32
        %eq3A_210 = arith.cmpi eq, %select_n3A_209, %select_n3A : i32
        %select_n3A_211 = arith.constant 0 : i32
        %select_n3A_212 = arith.select %eq3A_210, %select_n3A_211, %select_n3A_209 : i32
        %add3A_213 = arith.constant 1 : i32
        %add3A_214 = arith.addi %select_n3A_174, %add3A_213 : i32
        %select_n3A_215 = arith.select %eq3A_210, %add3A_214, %select_n3A_174 : i32
        %eq3A_216 = arith.constant 8 : i32
        %eq3A_217 = arith.cmpi eq, %select_n3A_215, %eq3A_216 : i32
        %select_n3A_218 = arith.constant 0 : i32
        %select_n3A_219 = arith.select %eq3A_217, %select_n3A_218, %select_n3A_215 : i32
        %add3A_220 = arith.constant 0 : i32
        %add3A_221 = arith.addi %select_n3A_219, %add3A_220 : i32
        %add3A_222 = arith.addi %select_n3A_212, %select_n3A_14 : i32
        %add3A_223 = arith.constant 1 : i32
        %add3A_224 = arith.addi %select_n3A_212, %add3A_223 : i32
        %select_n3A_225 = arith.constant true
        %select_n3A_226 = arith.select %select_n3A_225, %add3A_224, %select_n3A_212 : i32
        %eq3A_227 = arith.cmpi eq, %select_n3A_226, %select_n3A : i32
        %select_n3A_228 = arith.constant 0 : i32
        %select_n3A_229 = arith.select %eq3A_227, %select_n3A_228, %select_n3A_226 : i32
        %add3A_230 = arith.constant 1 : i32
        %add3A_231 = arith.addi %select_n3A_219, %add3A_230 : i32
        %select_n3A_232 = arith.select %eq3A_227, %add3A_231, %select_n3A_219 : i32
        %eq3A_233 = arith.constant 8 : i32
        %eq3A_234 = arith.cmpi eq, %select_n3A_232, %eq3A_233 : i32
        %select_n3A_235 = arith.constant 0 : i32
        %select_n3A_236 = arith.select %eq3A_234, %select_n3A_235, %select_n3A_232 : i32
        %add3A_237 = arith.constant 0 : i32
        %add3A_238 = arith.addi %select_n3A_236, %add3A_237 : i32
        %add3A_239 = arith.addi %select_n3A_229, %select_n3A_14 : i32
        %convert_element_type3A_240 = arith.extui %eq3A_183 : i1 to i32
        %cond3A_241 = arith.constant 0 : i32
        %cond3A_242 = arith.cmpi ne, %convert_element_type3A_240, %cond3A_241 : i32
        scf.if %cond3A_242 {
        } else {
        }
        %convert_element_type3A_243 = arith.extui %eq3A_183 : i1 to i32
        %cond3A_244 = arith.constant 0 : i32
        %cond3A_245 = arith.cmpi ne, %convert_element_type3A_243, %cond3A_244 : i32
        scf.if %cond3A_245 {
        } else {
        }
        %convert_element_type3A_246 = arith.extui %eq3A_183 : i1 to i32
        %cond3A_247 = arith.constant 0 : i32
        %cond3A_248 = arith.cmpi ne, %convert_element_type3A_246, %cond3A_247 : i32
        scf.if %cond3A_248 {
          "tpu.trace_start"() <{level = 10 : i32, message = "ep_finalize"}> : () -> ()
          %rem3A_255 = arith.constant 2 : i32
          %rem3A_256 = arith.remui %while3A_158#5, %rem3A_255 : i32
          %mul3A_257 = arith.constant 16 : i32
          %mul3A_258 = arith.muli %add3A_185, %mul3A_257 : i32
          %add3A_259 = arith.addi %mul3A_258, %add3A_186 : i32
          %mul3A_260 = arith.constant 48 : i32
          %mul3A_261 = arith.muli %mul3A_260, %add3A_259 : i32
          %mul3A_262 = arith.constant 48 : i32
          %mul3A_263 = arith.muli %rem3A_256, %mul3A_262 : i32
          %add3A_264 = arith.constant 0 : i32
          %add3A_265 = arith.addi %mul3A_263, %add3A_264 : i32
          %dma_wait3A = tpu.memref_slice %run_scoped3A_20[%add3A_265] : memref<96xf32, #tpu.memory_space<vmem>> -> memref<48xf32, #tpu.memory_space<vmem>>
          %dma_wait3A_266 = tpu.memref_slice %arg4[%mul3A_261] : memref<6144xf32, #tpu.memory_space<hbm>> -> memref<48xf32, #tpu.memory_space<hbm>>
          %dma_wait3A_267 = tpu.memref_slice %run_scoped3A_21[%rem3A_256] : memref<2x!tpu.dma_semaphore, #tpu.memory_space<semaphore_mem>> -> memref<1x!tpu.dma_semaphore, #tpu.memory_space<semaphore_mem>>
          %dma_wait3A_268 = tpu.memref_squeeze %dma_wait3A_267 : memref<1x!tpu.dma_semaphore, #tpu.memory_space<semaphore_mem>> -> memref<!tpu.dma_semaphore, #tpu.memory_space<semaphore_mem>>
          %dma_wait3A_269 = tpu.memref_slice %arg4[%mul3A_261] : memref<6144xf32, #tpu.memory_space<hbm>> -> memref<48xf32, #tpu.memory_space<hbm>>
          %dma_wait3A_270 = tpu.memref_slice %run_scoped3A_20[%add3A_265] : memref<96xf32, #tpu.memory_space<vmem>> -> memref<48xf32, #tpu.memory_space<vmem>>
          tpu.wait_dma2 semaphore(%dma_wait3A_268 : memref<!tpu.dma_semaphore, #tpu.memory_space<semaphore_mem>>) src(%dma_wait3A_270 : memref<48xf32, #tpu.memory_space<vmem>>) dst(%dma_wait3A_269 : memref<48xf32, #tpu.memory_space<hbm>>)
          "tpu.trace_stop"() : () -> ()
        } else {
        }
        %convert_element_type3A_249 = arith.extui %eq3A_183 : i1 to i32
        %cond3A_250 = arith.constant 0 : i32
        %cond3A_251 = arith.cmpi ne, %convert_element_type3A_249, %cond3A_250 : i32
        scf.if %cond3A_251 {
          "tpu.trace_start"() <{level = 10 : i32, message = "ep_finalize"}> : () -> ()
          %rem3A_255 = arith.constant 2 : i32
          %rem3A_256 = arith.remui %while3A_158#7, %rem3A_255 : i32
          %mul3A_257 = arith.constant 16 : i32
          %mul3A_258 = arith.muli %add3A_185, %mul3A_257 : i32
          %add3A_259 = arith.addi %mul3A_258, %add3A_186 : i32
          %mul3A_260 = arith.constant 48 : i32
          %mul3A_261 = arith.muli %mul3A_260, %add3A_259 : i32
          %mul3A_262 = arith.constant 48 : i32
          %mul3A_263 = arith.muli %rem3A_256, %mul3A_262 : i32
          %add3A_264 = arith.constant 0 : i32
          %add3A_265 = arith.addi %mul3A_263, %add3A_264 : i32
          %dma_wait3A = tpu.memref_slice %run_scoped3A_22[%add3A_265] : memref<96xf32, #tpu.memory_space<vmem>> -> memref<48xf32, #tpu.memory_space<vmem>>
          %dma_wait3A_266 = tpu.memref_slice %arg5[%mul3A_261] : memref<6144xf32, #tpu.memory_space<hbm>> -> memref<48xf32, #tpu.memory_space<hbm>>
          %dma_wait3A_267 = tpu.memref_slice %run_scoped3A_23[%rem3A_256] : memref<2x!tpu.dma_semaphore, #tpu.memory_space<semaphore_mem>> -> memref<1x!tpu.dma_semaphore, #tpu.memory_space<semaphore_mem>>
          %dma_wait3A_268 = tpu.memref_squeeze %dma_wait3A_267 : memref<1x!tpu.dma_semaphore, #tpu.memory_space<semaphore_mem>> -> memref<!tpu.dma_semaphore, #tpu.memory_space<semaphore_mem>>
          %dma_wait3A_269 = tpu.memref_slice %arg5[%mul3A_261] : memref<6144xf32, #tpu.memory_space<hbm>> -> memref<48xf32, #tpu.memory_space<hbm>>
          %dma_wait3A_270 = tpu.memref_slice %run_scoped3A_22[%add3A_265] : memref<96xf32, #tpu.memory_space<vmem>> -> memref<48xf32, #tpu.memory_space<vmem>>
          tpu.wait_dma2 semaphore(%dma_wait3A_268 : memref<!tpu.dma_semaphore, #tpu.memory_space<semaphore_mem>>) src(%dma_wait3A_270 : memref<48xf32, #tpu.memory_space<vmem>>) dst(%dma_wait3A_269 : memref<48xf32, #tpu.memory_space<hbm>>)
          "tpu.trace_stop"() : () -> ()
        } else {
        }
        %convert_element_type3A_252 = arith.extui %eq3A_183 : i1 to i32
        %cond3A_253 = arith.constant 0 : i32
        %cond3A_254 = arith.cmpi ne, %convert_element_type3A_252, %cond3A_253 : i32
        scf.if %cond3A_254 {
          "tpu.trace_start"() <{level = 10 : i32, message = "ep_finalize"}> : () -> ()
          %rem3A_255 = arith.constant 2 : i32
          %rem3A_256 = arith.remui %while3A_158#9, %rem3A_255 : i32
          %mul3A_257 = arith.constant 16 : i32
          %mul3A_258 = arith.muli %add3A_185, %mul3A_257 : i32
          %add3A_259 = arith.addi %mul3A_258, %add3A_186 : i32
          %mul3A_260 = arith.constant 48 : i32
          %mul3A_261 = arith.muli %mul3A_260, %add3A_259 : i32
          %mul3A_262 = arith.constant 48 : i32
          %mul3A_263 = arith.muli %rem3A_256, %mul3A_262 : i32
          %add3A_264 = arith.constant 0 : i32
          %add3A_265 = arith.addi %mul3A_263, %add3A_264 : i32
          %dma_wait3A = tpu.memref_slice %run_scoped3A_24[%add3A_265] : memref<96xf32, #tpu.memory_space<vmem>> -> memref<48xf32, #tpu.memory_space<vmem>>
          %dma_wait3A_266 = tpu.memref_slice %arg6[%mul3A_261] : memref<6144xf32, #tpu.memory_space<hbm>> -> memref<48xf32, #tpu.memory_space<hbm>>
          %dma_wait3A_267 = tpu.memref_slice %run_scoped3A_25[%rem3A_256] : memref<2x!tpu.dma_semaphore, #tpu.memory_space<semaphore_mem>> -> memref<1x!tpu.dma_semaphore, #tpu.memory_space<semaphore_mem>>
          %dma_wait3A_268 = tpu.memref_squeeze %dma_wait3A_267 : memref<1x!tpu.dma_semaphore, #tpu.memory_space<semaphore_mem>> -> memref<!tpu.dma_semaphore, #tpu.memory_space<semaphore_mem>>
          %dma_wait3A_269 = tpu.memref_slice %arg6[%mul3A_261] : memref<6144xf32, #tpu.memory_space<hbm>> -> memref<48xf32, #tpu.memory_space<hbm>>
          %dma_wait3A_270 = tpu.memref_slice %run_scoped3A_24[%add3A_265] : memref<96xf32, #tpu.memory_space<vmem>> -> memref<48xf32, #tpu.memory_space<vmem>>
          tpu.wait_dma2 semaphore(%dma_wait3A_268 : memref<!tpu.dma_semaphore, #tpu.memory_space<semaphore_mem>>) src(%dma_wait3A_270 : memref<48xf32, #tpu.memory_space<vmem>>) dst(%dma_wait3A_269 : memref<48xf32, #tpu.memory_space<hbm>>)
          "tpu.trace_stop"() : () -> ()
        } else {
        }
      } else {
      }
      tpu.yield
    }) : () -> ()
    return
  }
}

module attributes {stable_mosaic.version = 14 : i64} {
  func.func @_tc_body(%arg0: i32, %arg1: memref<8x1x512xi32, #tpu.memory_space<vmem>>, %arg2: memref<8x768x512xf32, #tpu.memory_space<vmem>>, %arg3: memref<8x3x768xf32, #tpu.memory_space<vmem>>) attributes {dimension_semantics = [#tpu.dimension_semantics<arbitrary>], iteration_bounds = array<i64: 15>, scalar_prefetch = 0 : i64, scratch_operands = 0 : i64, tpu.core_type = #tpu.core_type<tc>, window_params = [{transform_indices = @transform_0, window_bounds = array<i64: 8, 1, 512>}, {transform_indices = @transform_1, window_bounds = array<i64: 8, 768, 512>}, {transform_indices = @transform_2, window_bounds = array<i64: 8, 3, 768>}]} {
    %get3A = arith.constant 0 : index
    %get3A_0 = arith.constant 0 : index
    %get3A_1 = arith.constant 0 : index
    %get3A_2 = vector.load %arg2[%get3A, %get3A_0, %get3A_1] : memref<8x768x512xf32, #tpu.memory_space<vmem>>, vector<1x768x512xf32>
    %get3A_3 = vector.shape_cast %get3A_2 : vector<1x768x512xf32> to vector<768x512xf32>
    %get3A_4 = arith.constant 0 : index
    %get3A_5 = arith.constant 0 : index
    %get3A_6 = arith.constant 0 : index
    %get3A_7 = vector.load %arg1[%get3A_4, %get3A_5, %get3A_6] : memref<8x1x512xi32, #tpu.memory_space<vmem>>, vector<1x1x512xi32>
    %get3A_8 = vector.shape_cast %get3A_7 : vector<1x1x512xi32> to vector<1x512xi32>
    %eq3A = arith.constant 1 : i32
    %eq3A_9 = vector.broadcast %eq3A : i32 to vector<1x512xi32>
    %eq3A_10 = arith.cmpi eq, %get3A_8, %eq3A_9 : vector<1x512xi32>
    %jit3A = arith.constant 0.000000e+00 : f32
    %jit3A_11 = arith.constant -1.000000e+02 : f32
    %broadcast_in_dim3A = vector.broadcast %jit3A : f32 to vector<1x512xf32>
    %broadcast_in_dim3A_12 = vector.broadcast %jit3A_11 : f32 to vector<1x512xf32>
    %select_n3A = arith.select %eq3A_10, %broadcast_in_dim3A, %broadcast_in_dim3A_12 : vector<1x512xi1>, vector<1x512xf32>
    %add3A = vector.broadcast %select_n3A : vector<1x512xf32> to vector<768x512xf32>
    %add3A_13 = arith.addf %get3A_3, %add3A : vector<768x512xf32>
    %reduce_max3A = arith.constant dense<0xFF800000> : vector<768xf32>
    %reduce_max3A_14 = vector.multi_reduction <maximumf>, %add3A_13, %reduce_max3A [1] : vector<768x512xf32> to vector<768xf32>
    %eq3A_15 = arith.constant 2 : i32
    %eq3A_16 = vector.broadcast %eq3A_15 : i32 to vector<1x512xi32>
    %eq3A_17 = arith.cmpi eq, %get3A_8, %eq3A_16 : vector<1x512xi32>
    %jit3A_18 = arith.constant 0.000000e+00 : f32
    %jit3A_19 = arith.constant -1.000000e+02 : f32
    %broadcast_in_dim3A_20 = vector.broadcast %jit3A_18 : f32 to vector<1x512xf32>
    %broadcast_in_dim3A_21 = vector.broadcast %jit3A_19 : f32 to vector<1x512xf32>
    %select_n3A_22 = arith.select %eq3A_17, %broadcast_in_dim3A_20, %broadcast_in_dim3A_21 : vector<1x512xi1>, vector<1x512xf32>
    %add3A_23 = vector.broadcast %select_n3A_22 : vector<1x512xf32> to vector<768x512xf32>
    %add3A_24 = arith.addf %get3A_3, %add3A_23 : vector<768x512xf32>
    %reduce_max3A_25 = arith.constant dense<0xFF800000> : vector<768xf32>
    %reduce_max3A_26 = vector.multi_reduction <maximumf>, %add3A_24, %reduce_max3A_25 [1] : vector<768x512xf32> to vector<768xf32>
    %eq3A_27 = arith.constant 3 : i32
    %eq3A_28 = vector.broadcast %eq3A_27 : i32 to vector<1x512xi32>
    %eq3A_29 = arith.cmpi eq, %get3A_8, %eq3A_28 : vector<1x512xi32>
    %jit3A_30 = arith.constant 0.000000e+00 : f32
    %jit3A_31 = arith.constant -1.000000e+02 : f32
    %broadcast_in_dim3A_32 = vector.broadcast %jit3A_30 : f32 to vector<1x512xf32>
    %broadcast_in_dim3A_33 = vector.broadcast %jit3A_31 : f32 to vector<1x512xf32>
    %select_n3A_34 = arith.select %eq3A_29, %broadcast_in_dim3A_32, %broadcast_in_dim3A_33 : vector<1x512xi1>, vector<1x512xf32>
    %add3A_35 = vector.broadcast %select_n3A_34 : vector<1x512xf32> to vector<768x512xf32>
    %add3A_36 = arith.addf %get3A_3, %add3A_35 : vector<768x512xf32>
    %reduce_max3A_37 = arith.constant dense<0xFF800000> : vector<768xf32>
    %reduce_max3A_38 = vector.multi_reduction <maximumf>, %add3A_36, %reduce_max3A_37 [1] : vector<768x512xf32> to vector<768xf32>
    %stack3A = vector.shape_cast %reduce_max3A_14 : vector<768xf32> to vector<1x768xf32>
    %stack3A_39 = vector.shape_cast %reduce_max3A_26 : vector<768xf32> to vector<1x768xf32>
    %stack3A_40 = vector.shape_cast %reduce_max3A_38 : vector<768xf32> to vector<1x768xf32>
    %stack3A_41 = tpu.concatenate %stack3A, %stack3A_39, %stack3A_40 in 0 : vector<1x768xf32>, vector<1x768xf32>, vector<1x768xf32> -> vector<3x768xf32>
    %swap3A = arith.constant 0 : index
    %swap3A_42 = arith.constant 0 : index
    %swap3A_43 = arith.constant 0 : index
    %swap3A_44 = vector.load %arg3[%swap3A, %swap3A_42, %swap3A_43] : memref<8x3x768xf32, #tpu.memory_space<vmem>>, vector<1x3x768xf32>
    %swap3A_45 = vector.shape_cast %swap3A_44 : vector<1x3x768xf32> to vector<3x768xf32>
    %swap3A_46 = vector.shape_cast %stack3A_41 : vector<3x768xf32> to vector<1x3x768xf32>
    tpu.vector_store %arg3[%swap3A, %swap3A_42, %swap3A_43], %swap3A_46 {strides = array<i32>} : memref<8x3x768xf32, #tpu.memory_space<vmem>>, vector<1x3x768xf32>,
    %get3A_47 = arith.constant 1 : index
    %get3A_48 = arith.constant 0 : index
    %get3A_49 = arith.constant 0 : index
    %get3A_50 = vector.load %arg2[%get3A_47, %get3A_48, %get3A_49] : memref<8x768x512xf32, #tpu.memory_space<vmem>>, vector<1x768x512xf32>
    %get3A_51 = vector.shape_cast %get3A_50 : vector<1x768x512xf32> to vector<768x512xf32>
    %get3A_52 = arith.constant 1 : index
    %get3A_53 = arith.constant 0 : index
    %get3A_54 = arith.constant 0 : index
    %get3A_55 = vector.load %arg1[%get3A_52, %get3A_53, %get3A_54] : memref<8x1x512xi32, #tpu.memory_space<vmem>>, vector<1x1x512xi32>
    %get3A_56 = vector.shape_cast %get3A_55 : vector<1x1x512xi32> to vector<1x512xi32>
    %eq3A_57 = arith.constant 1 : i32
    %eq3A_58 = vector.broadcast %eq3A_57 : i32 to vector<1x512xi32>
    %eq3A_59 = arith.cmpi eq, %get3A_56, %eq3A_58 : vector<1x512xi32>
    %jit3A_60 = arith.constant 0.000000e+00 : f32
    %jit3A_61 = arith.constant -1.000000e+02 : f32
    %broadcast_in_dim3A_62 = vector.broadcast %jit3A_60 : f32 to vector<1x512xf32>
    %broadcast_in_dim3A_63 = vector.broadcast %jit3A_61 : f32 to vector<1x512xf32>
    %select_n3A_64 = arith.select %eq3A_59, %broadcast_in_dim3A_62, %broadcast_in_dim3A_63 : vector<1x512xi1>, vector<1x512xf32>
    %add3A_65 = vector.broadcast %select_n3A_64 : vector<1x512xf32> to vector<768x512xf32>
    %add3A_66 = arith.addf %get3A_51, %add3A_65 : vector<768x512xf32>
    %reduce_max3A_67 = arith.constant dense<0xFF800000> : vector<768xf32>
    %reduce_max3A_68 = vector.multi_reduction <maximumf>, %add3A_66, %reduce_max3A_67 [1] : vector<768x512xf32> to vector<768xf32>
    %eq3A_69 = arith.constant 2 : i32
    %eq3A_70 = vector.broadcast %eq3A_69 : i32 to vector<1x512xi32>
    %eq3A_71 = arith.cmpi eq, %get3A_56, %eq3A_70 : vector<1x512xi32>
    %jit3A_72 = arith.constant 0.000000e+00 : f32
    %jit3A_73 = arith.constant -1.000000e+02 : f32
    %broadcast_in_dim3A_74 = vector.broadcast %jit3A_72 : f32 to vector<1x512xf32>
    %broadcast_in_dim3A_75 = vector.broadcast %jit3A_73 : f32 to vector<1x512xf32>
    %select_n3A_76 = arith.select %eq3A_71, %broadcast_in_dim3A_74, %broadcast_in_dim3A_75 : vector<1x512xi1>, vector<1x512xf32>
    %add3A_77 = vector.broadcast %select_n3A_76 : vector<1x512xf32> to vector<768x512xf32>
    %add3A_78 = arith.addf %get3A_51, %add3A_77 : vector<768x512xf32>
    %reduce_max3A_79 = arith.constant dense<0xFF800000> : vector<768xf32>
    %reduce_max3A_80 = vector.multi_reduction <maximumf>, %add3A_78, %reduce_max3A_79 [1] : vector<768x512xf32> to vector<768xf32>
    %eq3A_81 = arith.constant 3 : i32
    %eq3A_82 = vector.broadcast %eq3A_81 : i32 to vector<1x512xi32>
    %eq3A_83 = arith.cmpi eq, %get3A_56, %eq3A_82 : vector<1x512xi32>
    %jit3A_84 = arith.constant 0.000000e+00 : f32
    %jit3A_85 = arith.constant -1.000000e+02 : f32
    %broadcast_in_dim3A_86 = vector.broadcast %jit3A_84 : f32 to vector<1x512xf32>
    %broadcast_in_dim3A_87 = vector.broadcast %jit3A_85 : f32 to vector<1x512xf32>
    %select_n3A_88 = arith.select %eq3A_83, %broadcast_in_dim3A_86, %broadcast_in_dim3A_87 : vector<1x512xi1>, vector<1x512xf32>
    %add3A_89 = vector.broadcast %select_n3A_88 : vector<1x512xf32> to vector<768x512xf32>
    %add3A_90 = arith.addf %get3A_51, %add3A_89 : vector<768x512xf32>
    %reduce_max3A_91 = arith.constant dense<0xFF800000> : vector<768xf32>
    %reduce_max3A_92 = vector.multi_reduction <maximumf>, %add3A_90, %reduce_max3A_91 [1] : vector<768x512xf32> to vector<768xf32>
    %stack3A_93 = vector.shape_cast %reduce_max3A_68 : vector<768xf32> to vector<1x768xf32>
    %stack3A_94 = vector.shape_cast %reduce_max3A_80 : vector<768xf32> to vector<1x768xf32>
    %stack3A_95 = vector.shape_cast %reduce_max3A_92 : vector<768xf32> to vector<1x768xf32>
    %stack3A_96 = tpu.concatenate %stack3A_93, %stack3A_94, %stack3A_95 in 0 : vector<1x768xf32>, vector<1x768xf32>, vector<1x768xf32> -> vector<3x768xf32>
    %swap3A_97 = arith.constant 1 : index
    %swap3A_98 = arith.constant 0 : index
    %swap3A_99 = arith.constant 0 : index
    %swap3A_100 = vector.load %arg3[%swap3A_97, %swap3A_98, %swap3A_99] : memref<8x3x768xf32, #tpu.memory_space<vmem>>, vector<1x3x768xf32>
    %swap3A_101 = vector.shape_cast %swap3A_100 : vector<1x3x768xf32> to vector<3x768xf32>
    %swap3A_102 = vector.shape_cast %stack3A_96 : vector<3x768xf32> to vector<1x3x768xf32>
    tpu.vector_store %arg3[%swap3A_97, %swap3A_98, %swap3A_99], %swap3A_102 {strides = array<i32>} : memref<8x3x768xf32, #tpu.memory_space<vmem>>, vector<1x3x768xf32>,
    %get3A_103 = arith.constant 2 : index
    %get3A_104 = arith.constant 0 : index
    %get3A_105 = arith.constant 0 : index
    %get3A_106 = vector.load %arg2[%get3A_103, %get3A_104, %get3A_105] : memref<8x768x512xf32, #tpu.memory_space<vmem>>, vector<1x768x512xf32>
    %get3A_107 = vector.shape_cast %get3A_106 : vector<1x768x512xf32> to vector<768x512xf32>
    %get3A_108 = arith.constant 2 : index
    %get3A_109 = arith.constant 0 : index
    %get3A_110 = arith.constant 0 : index
    %get3A_111 = vector.load %arg1[%get3A_108, %get3A_109, %get3A_110] : memref<8x1x512xi32, #tpu.memory_space<vmem>>, vector<1x1x512xi32>
    %get3A_112 = vector.shape_cast %get3A_111 : vector<1x1x512xi32> to vector<1x512xi32>
    %eq3A_113 = arith.constant 1 : i32
    %eq3A_114 = vector.broadcast %eq3A_113 : i32 to vector<1x512xi32>
    %eq3A_115 = arith.cmpi eq, %get3A_112, %eq3A_114 : vector<1x512xi32>
    %jit3A_116 = arith.constant 0.000000e+00 : f32
    %jit3A_117 = arith.constant -1.000000e+02 : f32
    %broadcast_in_dim3A_118 = vector.broadcast %jit3A_116 : f32 to vector<1x512xf32>
    %broadcast_in_dim3A_119 = vector.broadcast %jit3A_117 : f32 to vector<1x512xf32>
    %select_n3A_120 = arith.select %eq3A_115, %broadcast_in_dim3A_118, %broadcast_in_dim3A_119 : vector<1x512xi1>, vector<1x512xf32>
    %add3A_121 = vector.broadcast %select_n3A_120 : vector<1x512xf32> to vector<768x512xf32>
    %add3A_122 = arith.addf %get3A_107, %add3A_121 : vector<768x512xf32>
    %reduce_max3A_123 = arith.constant dense<0xFF800000> : vector<768xf32>
    %reduce_max3A_124 = vector.multi_reduction <maximumf>, %add3A_122, %reduce_max3A_123 [1] : vector<768x512xf32> to vector<768xf32>
    %eq3A_125 = arith.constant 2 : i32
    %eq3A_126 = vector.broadcast %eq3A_125 : i32 to vector<1x512xi32>
    %eq3A_127 = arith.cmpi eq, %get3A_112, %eq3A_126 : vector<1x512xi32>
    %jit3A_128 = arith.constant 0.000000e+00 : f32
    %jit3A_129 = arith.constant -1.000000e+02 : f32
    %broadcast_in_dim3A_130 = vector.broadcast %jit3A_128 : f32 to vector<1x512xf32>
    %broadcast_in_dim3A_131 = vector.broadcast %jit3A_129 : f32 to vector<1x512xf32>
    %select_n3A_132 = arith.select %eq3A_127, %broadcast_in_dim3A_130, %broadcast_in_dim3A_131 : vector<1x512xi1>, vector<1x512xf32>
    %add3A_133 = vector.broadcast %select_n3A_132 : vector<1x512xf32> to vector<768x512xf32>
    %add3A_134 = arith.addf %get3A_107, %add3A_133 : vector<768x512xf32>
    %reduce_max3A_135 = arith.constant dense<0xFF800000> : vector<768xf32>
    %reduce_max3A_136 = vector.multi_reduction <maximumf>, %add3A_134, %reduce_max3A_135 [1] : vector<768x512xf32> to vector<768xf32>
    %eq3A_137 = arith.constant 3 : i32
    %eq3A_138 = vector.broadcast %eq3A_137 : i32 to vector<1x512xi32>
    %eq3A_139 = arith.cmpi eq, %get3A_112, %eq3A_138 : vector<1x512xi32>
    %jit3A_140 = arith.constant 0.000000e+00 : f32
    %jit3A_141 = arith.constant -1.000000e+02 : f32
    %broadcast_in_dim3A_142 = vector.broadcast %jit3A_140 : f32 to vector<1x512xf32>
    %broadcast_in_dim3A_143 = vector.broadcast %jit3A_141 : f32 to vector<1x512xf32>
    %select_n3A_144 = arith.select %eq3A_139, %broadcast_in_dim3A_142, %broadcast_in_dim3A_143 : vector<1x512xi1>, vector<1x512xf32>
    %add3A_145 = vector.broadcast %select_n3A_144 : vector<1x512xf32> to vector<768x512xf32>
    %add3A_146 = arith.addf %get3A_107, %add3A_145 : vector<768x512xf32>
    %reduce_max3A_147 = arith.constant dense<0xFF800000> : vector<768xf32>
    %reduce_max3A_148 = vector.multi_reduction <maximumf>, %add3A_146, %reduce_max3A_147 [1] : vector<768x512xf32> to vector<768xf32>
    %stack3A_149 = vector.shape_cast %reduce_max3A_124 : vector<768xf32> to vector<1x768xf32>
    %stack3A_150 = vector.shape_cast %reduce_max3A_136 : vector<768xf32> to vector<1x768xf32>
    %stack3A_151 = vector.shape_cast %reduce_max3A_148 : vector<768xf32> to vector<1x768xf32>
    %stack3A_152 = tpu.concatenate %stack3A_149, %stack3A_150, %stack3A_151 in 0 : vector<1x768xf32>, vector<1x768xf32>, vector<1x768xf32> -> vector<3x768xf32>
    %swap3A_153 = arith.constant 2 : index
    %swap3A_154 = arith.constant 0 : index
    %swap3A_155 = arith.constant 0 : index
    %swap3A_156 = vector.load %arg3[%swap3A_153, %swap3A_154, %swap3A_155] : memref<8x3x768xf32, #tpu.memory_space<vmem>>, vector<1x3x768xf32>
    %swap3A_157 = vector.shape_cast %swap3A_156 : vector<1x3x768xf32> to vector<3x768xf32>
    %swap3A_158 = vector.shape_cast %stack3A_152 : vector<3x768xf32> to vector<1x3x768xf32>
    tpu.vector_store %arg3[%swap3A_153, %swap3A_154, %swap3A_155], %swap3A_158 {strides = array<i32>} : memref<8x3x768xf32, #tpu.memory_space<vmem>>, vector<1x3x768xf32>,
    %get3A_159 = arith.constant 3 : index
    %get3A_160 = arith.constant 0 : index
    %get3A_161 = arith.constant 0 : index
    %get3A_162 = vector.load %arg2[%get3A_159, %get3A_160, %get3A_161] : memref<8x768x512xf32, #tpu.memory_space<vmem>>, vector<1x768x512xf32>
    %get3A_163 = vector.shape_cast %get3A_162 : vector<1x768x512xf32> to vector<768x512xf32>
    %get3A_164 = arith.constant 3 : index
    %get3A_165 = arith.constant 0 : index
    %get3A_166 = arith.constant 0 : index
    %get3A_167 = vector.load %arg1[%get3A_164, %get3A_165, %get3A_166] : memref<8x1x512xi32, #tpu.memory_space<vmem>>, vector<1x1x512xi32>
    %get3A_168 = vector.shape_cast %get3A_167 : vector<1x1x512xi32> to vector<1x512xi32>
    %eq3A_169 = arith.constant 1 : i32
    %eq3A_170 = vector.broadcast %eq3A_169 : i32 to vector<1x512xi32>
    %eq3A_171 = arith.cmpi eq, %get3A_168, %eq3A_170 : vector<1x512xi32>
    %jit3A_172 = arith.constant 0.000000e+00 : f32
    %jit3A_173 = arith.constant -1.000000e+02 : f32
    %broadcast_in_dim3A_174 = vector.broadcast %jit3A_172 : f32 to vector<1x512xf32>
    %broadcast_in_dim3A_175 = vector.broadcast %jit3A_173 : f32 to vector<1x512xf32>
    %select_n3A_176 = arith.select %eq3A_171, %broadcast_in_dim3A_174, %broadcast_in_dim3A_175 : vector<1x512xi1>, vector<1x512xf32>
    %add3A_177 = vector.broadcast %select_n3A_176 : vector<1x512xf32> to vector<768x512xf32>
    %add3A_178 = arith.addf %get3A_163, %add3A_177 : vector<768x512xf32>
    %reduce_max3A_179 = arith.constant dense<0xFF800000> : vector<768xf32>
    %reduce_max3A_180 = vector.multi_reduction <maximumf>, %add3A_178, %reduce_max3A_179 [1] : vector<768x512xf32> to vector<768xf32>
    %eq3A_181 = arith.constant 2 : i32
    %eq3A_182 = vector.broadcast %eq3A_181 : i32 to vector<1x512xi32>
    %eq3A_183 = arith.cmpi eq, %get3A_168, %eq3A_182 : vector<1x512xi32>
    %jit3A_184 = arith.constant 0.000000e+00 : f32
    %jit3A_185 = arith.constant -1.000000e+02 : f32
    %broadcast_in_dim3A_186 = vector.broadcast %jit3A_184 : f32 to vector<1x512xf32>
    %broadcast_in_dim3A_187 = vector.broadcast %jit3A_185 : f32 to vector<1x512xf32>
    %select_n3A_188 = arith.select %eq3A_183, %broadcast_in_dim3A_186, %broadcast_in_dim3A_187 : vector<1x512xi1>, vector<1x512xf32>
    %add3A_189 = vector.broadcast %select_n3A_188 : vector<1x512xf32> to vector<768x512xf32>
    %add3A_190 = arith.addf %get3A_163, %add3A_189 : vector<768x512xf32>
    %reduce_max3A_191 = arith.constant dense<0xFF800000> : vector<768xf32>
    %reduce_max3A_192 = vector.multi_reduction <maximumf>, %add3A_190, %reduce_max3A_191 [1] : vector<768x512xf32> to vector<768xf32>
    %eq3A_193 = arith.constant 3 : i32
    %eq3A_194 = vector.broadcast %eq3A_193 : i32 to vector<1x512xi32>
    %eq3A_195 = arith.cmpi eq, %get3A_168, %eq3A_194 : vector<1x512xi32>
    %jit3A_196 = arith.constant 0.000000e+00 : f32
    %jit3A_197 = arith.constant -1.000000e+02 : f32
    %broadcast_in_dim3A_198 = vector.broadcast %jit3A_196 : f32 to vector<1x512xf32>
    %broadcast_in_dim3A_199 = vector.broadcast %jit3A_197 : f32 to vector<1x512xf32>
    %select_n3A_200 = arith.select %eq3A_195, %broadcast_in_dim3A_198, %broadcast_in_dim3A_199 : vector<1x512xi1>, vector<1x512xf32>
    %add3A_201 = vector.broadcast %select_n3A_200 : vector<1x512xf32> to vector<768x512xf32>
    %add3A_202 = arith.addf %get3A_163, %add3A_201 : vector<768x512xf32>
    %reduce_max3A_203 = arith.constant dense<0xFF800000> : vector<768xf32>
    %reduce_max3A_204 = vector.multi_reduction <maximumf>, %add3A_202, %reduce_max3A_203 [1] : vector<768x512xf32> to vector<768xf32>
    %stack3A_205 = vector.shape_cast %reduce_max3A_180 : vector<768xf32> to vector<1x768xf32>
    %stack3A_206 = vector.shape_cast %reduce_max3A_192 : vector<768xf32> to vector<1x768xf32>
    %stack3A_207 = vector.shape_cast %reduce_max3A_204 : vector<768xf32> to vector<1x768xf32>
    %stack3A_208 = tpu.concatenate %stack3A_205, %stack3A_206, %stack3A_207 in 0 : vector<1x768xf32>, vector<1x768xf32>, vector<1x768xf32> -> vector<3x768xf32>
    %swap3A_209 = arith.constant 3 : index
    %swap3A_210 = arith.constant 0 : index
    %swap3A_211 = arith.constant 0 : index
    %swap3A_212 = vector.load %arg3[%swap3A_209, %swap3A_210, %swap3A_211] : memref<8x3x768xf32, #tpu.memory_space<vmem>>, vector<1x3x768xf32>
    %swap3A_213 = vector.shape_cast %swap3A_212 : vector<1x3x768xf32> to vector<3x768xf32>
    %swap3A_214 = vector.shape_cast %stack3A_208 : vector<3x768xf32> to vector<1x3x768xf32>
    tpu.vector_store %arg3[%swap3A_209, %swap3A_210, %swap3A_211], %swap3A_214 {strides = array<i32>} : memref<8x3x768xf32, #tpu.memory_space<vmem>>, vector<1x3x768xf32>,
    %get3A_215 = arith.constant 4 : index
    %get3A_216 = arith.constant 0 : index
    %get3A_217 = arith.constant 0 : index
    %get3A_218 = vector.load %arg2[%get3A_215, %get3A_216, %get3A_217] : memref<8x768x512xf32, #tpu.memory_space<vmem>>, vector<1x768x512xf32>
    %get3A_219 = vector.shape_cast %get3A_218 : vector<1x768x512xf32> to vector<768x512xf32>
    %get3A_220 = arith.constant 4 : index
    %get3A_221 = arith.constant 0 : index
    %get3A_222 = arith.constant 0 : index
    %get3A_223 = vector.load %arg1[%get3A_220, %get3A_221, %get3A_222] : memref<8x1x512xi32, #tpu.memory_space<vmem>>, vector<1x1x512xi32>
    %get3A_224 = vector.shape_cast %get3A_223 : vector<1x1x512xi32> to vector<1x512xi32>
    %eq3A_225 = arith.constant 1 : i32
    %eq3A_226 = vector.broadcast %eq3A_225 : i32 to vector<1x512xi32>
    %eq3A_227 = arith.cmpi eq, %get3A_224, %eq3A_226 : vector<1x512xi32>
    %jit3A_228 = arith.constant 0.000000e+00 : f32
    %jit3A_229 = arith.constant -1.000000e+02 : f32
    %broadcast_in_dim3A_230 = vector.broadcast %jit3A_228 : f32 to vector<1x512xf32>
    %broadcast_in_dim3A_231 = vector.broadcast %jit3A_229 : f32 to vector<1x512xf32>
    %select_n3A_232 = arith.select %eq3A_227, %broadcast_in_dim3A_230, %broadcast_in_dim3A_231 : vector<1x512xi1>, vector<1x512xf32>
    %add3A_233 = vector.broadcast %select_n3A_232 : vector<1x512xf32> to vector<768x512xf32>
    %add3A_234 = arith.addf %get3A_219, %add3A_233 : vector<768x512xf32>
    %reduce_max3A_235 = arith.constant dense<0xFF800000> : vector<768xf32>
    %reduce_max3A_236 = vector.multi_reduction <maximumf>, %add3A_234, %reduce_max3A_235 [1] : vector<768x512xf32> to vector<768xf32>
    %eq3A_237 = arith.constant 2 : i32
    %eq3A_238 = vector.broadcast %eq3A_237 : i32 to vector<1x512xi32>
    %eq3A_239 = arith.cmpi eq, %get3A_224, %eq3A_238 : vector<1x512xi32>
    %jit3A_240 = arith.constant 0.000000e+00 : f32
    %jit3A_241 = arith.constant -1.000000e+02 : f32
    %broadcast_in_dim3A_242 = vector.broadcast %jit3A_240 : f32 to vector<1x512xf32>
    %broadcast_in_dim3A_243 = vector.broadcast %jit3A_241 : f32 to vector<1x512xf32>
    %select_n3A_244 = arith.select %eq3A_239, %broadcast_in_dim3A_242, %broadcast_in_dim3A_243 : vector<1x512xi1>, vector<1x512xf32>
    %add3A_245 = vector.broadcast %select_n3A_244 : vector<1x512xf32> to vector<768x512xf32>
    %add3A_246 = arith.addf %get3A_219, %add3A_245 : vector<768x512xf32>
    %reduce_max3A_247 = arith.constant dense<0xFF800000> : vector<768xf32>
    %reduce_max3A_248 = vector.multi_reduction <maximumf>, %add3A_246, %reduce_max3A_247 [1] : vector<768x512xf32> to vector<768xf32>
    %eq3A_249 = arith.constant 3 : i32
    %eq3A_250 = vector.broadcast %eq3A_249 : i32 to vector<1x512xi32>
    %eq3A_251 = arith.cmpi eq, %get3A_224, %eq3A_250 : vector<1x512xi32>
    %jit3A_252 = arith.constant 0.000000e+00 : f32
    %jit3A_253 = arith.constant -1.000000e+02 : f32
    %broadcast_in_dim3A_254 = vector.broadcast %jit3A_252 : f32 to vector<1x512xf32>
    %broadcast_in_dim3A_255 = vector.broadcast %jit3A_253 : f32 to vector<1x512xf32>
    %select_n3A_256 = arith.select %eq3A_251, %broadcast_in_dim3A_254, %broadcast_in_dim3A_255 : vector<1x512xi1>, vector<1x512xf32>
    %add3A_257 = vector.broadcast %select_n3A_256 : vector<1x512xf32> to vector<768x512xf32>
    %add3A_258 = arith.addf %get3A_219, %add3A_257 : vector<768x512xf32>
    %reduce_max3A_259 = arith.constant dense<0xFF800000> : vector<768xf32>
    %reduce_max3A_260 = vector.multi_reduction <maximumf>, %add3A_258, %reduce_max3A_259 [1] : vector<768x512xf32> to vector<768xf32>
    %stack3A_261 = vector.shape_cast %reduce_max3A_236 : vector<768xf32> to vector<1x768xf32>
    %stack3A_262 = vector.shape_cast %reduce_max3A_248 : vector<768xf32> to vector<1x768xf32>
    %stack3A_263 = vector.shape_cast %reduce_max3A_260 : vector<768xf32> to vector<1x768xf32>
    %stack3A_264 = tpu.concatenate %stack3A_261, %stack3A_262, %stack3A_263 in 0 : vector<1x768xf32>, vector<1x768xf32>, vector<1x768xf32> -> vector<3x768xf32>
    %swap3A_265 = arith.constant 4 : index
    %swap3A_266 = arith.constant 0 : index
    %swap3A_267 = arith.constant 0 : index
    %swap3A_268 = vector.load %arg3[%swap3A_265, %swap3A_266, %swap3A_267] : memref<8x3x768xf32, #tpu.memory_space<vmem>>, vector<1x3x768xf32>
    %swap3A_269 = vector.shape_cast %swap3A_268 : vector<1x3x768xf32> to vector<3x768xf32>
    %swap3A_270 = vector.shape_cast %stack3A_264 : vector<3x768xf32> to vector<1x3x768xf32>
    tpu.vector_store %arg3[%swap3A_265, %swap3A_266, %swap3A_267], %swap3A_270 {strides = array<i32>} : memref<8x3x768xf32, #tpu.memory_space<vmem>>, vector<1x3x768xf32>,
    %get3A_271 = arith.constant 5 : index
    %get3A_272 = arith.constant 0 : index
    %get3A_273 = arith.constant 0 : index
    %get3A_274 = vector.load %arg2[%get3A_271, %get3A_272, %get3A_273] : memref<8x768x512xf32, #tpu.memory_space<vmem>>, vector<1x768x512xf32>
    %get3A_275 = vector.shape_cast %get3A_274 : vector<1x768x512xf32> to vector<768x512xf32>
    %get3A_276 = arith.constant 5 : index
    %get3A_277 = arith.constant 0 : index
    %get3A_278 = arith.constant 0 : index
    %get3A_279 = vector.load %arg1[%get3A_276, %get3A_277, %get3A_278] : memref<8x1x512xi32, #tpu.memory_space<vmem>>, vector<1x1x512xi32>
    %get3A_280 = vector.shape_cast %get3A_279 : vector<1x1x512xi32> to vector<1x512xi32>
    %eq3A_281 = arith.constant 1 : i32
    %eq3A_282 = vector.broadcast %eq3A_281 : i32 to vector<1x512xi32>
    %eq3A_283 = arith.cmpi eq, %get3A_280, %eq3A_282 : vector<1x512xi32>
    %jit3A_284 = arith.constant 0.000000e+00 : f32
    %jit3A_285 = arith.constant -1.000000e+02 : f32
    %broadcast_in_dim3A_286 = vector.broadcast %jit3A_284 : f32 to vector<1x512xf32>
    %broadcast_in_dim3A_287 = vector.broadcast %jit3A_285 : f32 to vector<1x512xf32>
    %select_n3A_288 = arith.select %eq3A_283, %broadcast_in_dim3A_286, %broadcast_in_dim3A_287 : vector<1x512xi1>, vector<1x512xf32>
    %add3A_289 = vector.broadcast %select_n3A_288 : vector<1x512xf32> to vector<768x512xf32>
    %add3A_290 = arith.addf %get3A_275, %add3A_289 : vector<768x512xf32>
    %reduce_max3A_291 = arith.constant dense<0xFF800000> : vector<768xf32>
    %reduce_max3A_292 = vector.multi_reduction <maximumf>, %add3A_290, %reduce_max3A_291 [1] : vector<768x512xf32> to vector<768xf32>
    %eq3A_293 = arith.constant 2 : i32
    %eq3A_294 = vector.broadcast %eq3A_293 : i32 to vector<1x512xi32>
    %eq3A_295 = arith.cmpi eq, %get3A_280, %eq3A_294 : vector<1x512xi32>
    %jit3A_296 = arith.constant 0.000000e+00 : f32
    %jit3A_297 = arith.constant -1.000000e+02 : f32
    %broadcast_in_dim3A_298 = vector.broadcast %jit3A_296 : f32 to vector<1x512xf32>
    %broadcast_in_dim3A_299 = vector.broadcast %jit3A_297 : f32 to vector<1x512xf32>
    %select_n3A_300 = arith.select %eq3A_295, %broadcast_in_dim3A_298, %broadcast_in_dim3A_299 : vector<1x512xi1>, vector<1x512xf32>
    %add3A_301 = vector.broadcast %select_n3A_300 : vector<1x512xf32> to vector<768x512xf32>
    %add3A_302 = arith.addf %get3A_275, %add3A_301 : vector<768x512xf32>
    %reduce_max3A_303 = arith.constant dense<0xFF800000> : vector<768xf32>
    %reduce_max3A_304 = vector.multi_reduction <maximumf>, %add3A_302, %reduce_max3A_303 [1] : vector<768x512xf32> to vector<768xf32>
    %eq3A_305 = arith.constant 3 : i32
    %eq3A_306 = vector.broadcast %eq3A_305 : i32 to vector<1x512xi32>
    %eq3A_307 = arith.cmpi eq, %get3A_280, %eq3A_306 : vector<1x512xi32>
    %jit3A_308 = arith.constant 0.000000e+00 : f32
    %jit3A_309 = arith.constant -1.000000e+02 : f32
    %broadcast_in_dim3A_310 = vector.broadcast %jit3A_308 : f32 to vector<1x512xf32>
    %broadcast_in_dim3A_311 = vector.broadcast %jit3A_309 : f32 to vector<1x512xf32>
    %select_n3A_312 = arith.select %eq3A_307, %broadcast_in_dim3A_310, %broadcast_in_dim3A_311 : vector<1x512xi1>, vector<1x512xf32>
    %add3A_313 = vector.broadcast %select_n3A_312 : vector<1x512xf32> to vector<768x512xf32>
    %add3A_314 = arith.addf %get3A_275, %add3A_313 : vector<768x512xf32>
    %reduce_max3A_315 = arith.constant dense<0xFF800000> : vector<768xf32>
    %reduce_max3A_316 = vector.multi_reduction <maximumf>, %add3A_314, %reduce_max3A_315 [1] : vector<768x512xf32> to vector<768xf32>
    %stack3A_317 = vector.shape_cast %reduce_max3A_292 : vector<768xf32> to vector<1x768xf32>
    %stack3A_318 = vector.shape_cast %reduce_max3A_304 : vector<768xf32> to vector<1x768xf32>
    %stack3A_319 = vector.shape_cast %reduce_max3A_316 : vector<768xf32> to vector<1x768xf32>
    %stack3A_320 = tpu.concatenate %stack3A_317, %stack3A_318, %stack3A_319 in 0 : vector<1x768xf32>, vector<1x768xf32>, vector<1x768xf32> -> vector<3x768xf32>
    %swap3A_321 = arith.constant 5 : index
    %swap3A_322 = arith.constant 0 : index
    %swap3A_323 = arith.constant 0 : index
    %swap3A_324 = vector.load %arg3[%swap3A_321, %swap3A_322, %swap3A_323] : memref<8x3x768xf32, #tpu.memory_space<vmem>>, vector<1x3x768xf32>
    %swap3A_325 = vector.shape_cast %swap3A_324 : vector<1x3x768xf32> to vector<3x768xf32>
    %swap3A_326 = vector.shape_cast %stack3A_320 : vector<3x768xf32> to vector<1x3x768xf32>
    tpu.vector_store %arg3[%swap3A_321, %swap3A_322, %swap3A_323], %swap3A_326 {strides = array<i32>} : memref<8x3x768xf32, #tpu.memory_space<vmem>>, vector<1x3x768xf32>,
    %get3A_327 = arith.constant 6 : index
    %get3A_328 = arith.constant 0 : index
    %get3A_329 = arith.constant 0 : index
    %get3A_330 = vector.load %arg2[%get3A_327, %get3A_328, %get3A_329] : memref<8x768x512xf32, #tpu.memory_space<vmem>>, vector<1x768x512xf32>
    %get3A_331 = vector.shape_cast %get3A_330 : vector<1x768x512xf32> to vector<768x512xf32>
    %get3A_332 = arith.constant 6 : index
    %get3A_333 = arith.constant 0 : index
    %get3A_334 = arith.constant 0 : index
    %get3A_335 = vector.load %arg1[%get3A_332, %get3A_333, %get3A_334] : memref<8x1x512xi32, #tpu.memory_space<vmem>>, vector<1x1x512xi32>
    %get3A_336 = vector.shape_cast %get3A_335 : vector<1x1x512xi32> to vector<1x512xi32>
    %eq3A_337 = arith.constant 1 : i32
    %eq3A_338 = vector.broadcast %eq3A_337 : i32 to vector<1x512xi32>
    %eq3A_339 = arith.cmpi eq, %get3A_336, %eq3A_338 : vector<1x512xi32>
    %jit3A_340 = arith.constant 0.000000e+00 : f32
    %jit3A_341 = arith.constant -1.000000e+02 : f32
    %broadcast_in_dim3A_342 = vector.broadcast %jit3A_340 : f32 to vector<1x512xf32>
    %broadcast_in_dim3A_343 = vector.broadcast %jit3A_341 : f32 to vector<1x512xf32>
    %select_n3A_344 = arith.select %eq3A_339, %broadcast_in_dim3A_342, %broadcast_in_dim3A_343 : vector<1x512xi1>, vector<1x512xf32>
    %add3A_345 = vector.broadcast %select_n3A_344 : vector<1x512xf32> to vector<768x512xf32>
    %add3A_346 = arith.addf %get3A_331, %add3A_345 : vector<768x512xf32>
    %reduce_max3A_347 = arith.constant dense<0xFF800000> : vector<768xf32>
    %reduce_max3A_348 = vector.multi_reduction <maximumf>, %add3A_346, %reduce_max3A_347 [1] : vector<768x512xf32> to vector<768xf32>
    %eq3A_349 = arith.constant 2 : i32
    %eq3A_350 = vector.broadcast %eq3A_349 : i32 to vector<1x512xi32>
    %eq3A_351 = arith.cmpi eq, %get3A_336, %eq3A_350 : vector<1x512xi32>
    %jit3A_352 = arith.constant 0.000000e+00 : f32
    %jit3A_353 = arith.constant -1.000000e+02 : f32
    %broadcast_in_dim3A_354 = vector.broadcast %jit3A_352 : f32 to vector<1x512xf32>
    %broadcast_in_dim3A_355 = vector.broadcast %jit3A_353 : f32 to vector<1x512xf32>
    %select_n3A_356 = arith.select %eq3A_351, %broadcast_in_dim3A_354, %broadcast_in_dim3A_355 : vector<1x512xi1>, vector<1x512xf32>
    %add3A_357 = vector.broadcast %select_n3A_356 : vector<1x512xf32> to vector<768x512xf32>
    %add3A_358 = arith.addf %get3A_331, %add3A_357 : vector<768x512xf32>
    %reduce_max3A_359 = arith.constant dense<0xFF800000> : vector<768xf32>
    %reduce_max3A_360 = vector.multi_reduction <maximumf>, %add3A_358, %reduce_max3A_359 [1] : vector<768x512xf32> to vector<768xf32>
    %eq3A_361 = arith.constant 3 : i32
    %eq3A_362 = vector.broadcast %eq3A_361 : i32 to vector<1x512xi32>
    %eq3A_363 = arith.cmpi eq, %get3A_336, %eq3A_362 : vector<1x512xi32>
    %jit3A_364 = arith.constant 0.000000e+00 : f32
    %jit3A_365 = arith.constant -1.000000e+02 : f32
    %broadcast_in_dim3A_366 = vector.broadcast %jit3A_364 : f32 to vector<1x512xf32>
    %broadcast_in_dim3A_367 = vector.broadcast %jit3A_365 : f32 to vector<1x512xf32>
    %select_n3A_368 = arith.select %eq3A_363, %broadcast_in_dim3A_366, %broadcast_in_dim3A_367 : vector<1x512xi1>, vector<1x512xf32>
    %add3A_369 = vector.broadcast %select_n3A_368 : vector<1x512xf32> to vector<768x512xf32>
    %add3A_370 = arith.addf %get3A_331, %add3A_369 : vector<768x512xf32>
    %reduce_max3A_371 = arith.constant dense<0xFF800000> : vector<768xf32>
    %reduce_max3A_372 = vector.multi_reduction <maximumf>, %add3A_370, %reduce_max3A_371 [1] : vector<768x512xf32> to vector<768xf32>
    %stack3A_373 = vector.shape_cast %reduce_max3A_348 : vector<768xf32> to vector<1x768xf32>
    %stack3A_374 = vector.shape_cast %reduce_max3A_360 : vector<768xf32> to vector<1x768xf32>
    %stack3A_375 = vector.shape_cast %reduce_max3A_372 : vector<768xf32> to vector<1x768xf32>
    %stack3A_376 = tpu.concatenate %stack3A_373, %stack3A_374, %stack3A_375 in 0 : vector<1x768xf32>, vector<1x768xf32>, vector<1x768xf32> -> vector<3x768xf32>
    %swap3A_377 = arith.constant 6 : index
    %swap3A_378 = arith.constant 0 : index
    %swap3A_379 = arith.constant 0 : index
    %swap3A_380 = vector.load %arg3[%swap3A_377, %swap3A_378, %swap3A_379] : memref<8x3x768xf32, #tpu.memory_space<vmem>>, vector<1x3x768xf32>
    %swap3A_381 = vector.shape_cast %swap3A_380 : vector<1x3x768xf32> to vector<3x768xf32>
    %swap3A_382 = vector.shape_cast %stack3A_376 : vector<3x768xf32> to vector<1x3x768xf32>
    tpu.vector_store %arg3[%swap3A_377, %swap3A_378, %swap3A_379], %swap3A_382 {strides = array<i32>} : memref<8x3x768xf32, #tpu.memory_space<vmem>>, vector<1x3x768xf32>,
    %get3A_383 = arith.constant 7 : index
    %get3A_384 = arith.constant 0 : index
    %get3A_385 = arith.constant 0 : index
    %get3A_386 = vector.load %arg2[%get3A_383, %get3A_384, %get3A_385] : memref<8x768x512xf32, #tpu.memory_space<vmem>>, vector<1x768x512xf32>
    %get3A_387 = vector.shape_cast %get3A_386 : vector<1x768x512xf32> to vector<768x512xf32>
    %get3A_388 = arith.constant 7 : index
    %get3A_389 = arith.constant 0 : index
    %get3A_390 = arith.constant 0 : index
    %get3A_391 = vector.load %arg1[%get3A_388, %get3A_389, %get3A_390] : memref<8x1x512xi32, #tpu.memory_space<vmem>>, vector<1x1x512xi32>
    %get3A_392 = vector.shape_cast %get3A_391 : vector<1x1x512xi32> to vector<1x512xi32>
    %eq3A_393 = arith.constant 1 : i32
    %eq3A_394 = vector.broadcast %eq3A_393 : i32 to vector<1x512xi32>
    %eq3A_395 = arith.cmpi eq, %get3A_392, %eq3A_394 : vector<1x512xi32>
    %jit3A_396 = arith.constant 0.000000e+00 : f32
    %jit3A_397 = arith.constant -1.000000e+02 : f32
    %broadcast_in_dim3A_398 = vector.broadcast %jit3A_396 : f32 to vector<1x512xf32>
    %broadcast_in_dim3A_399 = vector.broadcast %jit3A_397 : f32 to vector<1x512xf32>
    %select_n3A_400 = arith.select %eq3A_395, %broadcast_in_dim3A_398, %broadcast_in_dim3A_399 : vector<1x512xi1>, vector<1x512xf32>
    %add3A_401 = vector.broadcast %select_n3A_400 : vector<1x512xf32> to vector<768x512xf32>
    %add3A_402 = arith.addf %get3A_387, %add3A_401 : vector<768x512xf32>
    %reduce_max3A_403 = arith.constant dense<0xFF800000> : vector<768xf32>
    %reduce_max3A_404 = vector.multi_reduction <maximumf>, %add3A_402, %reduce_max3A_403 [1] : vector<768x512xf32> to vector<768xf32>
    %eq3A_405 = arith.constant 2 : i32
    %eq3A_406 = vector.broadcast %eq3A_405 : i32 to vector<1x512xi32>
    %eq3A_407 = arith.cmpi eq, %get3A_392, %eq3A_406 : vector<1x512xi32>
    %jit3A_408 = arith.constant 0.000000e+00 : f32
    %jit3A_409 = arith.constant -1.000000e+02 : f32
    %broadcast_in_dim3A_410 = vector.broadcast %jit3A_408 : f32 to vector<1x512xf32>
    %broadcast_in_dim3A_411 = vector.broadcast %jit3A_409 : f32 to vector<1x512xf32>
    %select_n3A_412 = arith.select %eq3A_407, %broadcast_in_dim3A_410, %broadcast_in_dim3A_411 : vector<1x512xi1>, vector<1x512xf32>
    %add3A_413 = vector.broadcast %select_n3A_412 : vector<1x512xf32> to vector<768x512xf32>
    %add3A_414 = arith.addf %get3A_387, %add3A_413 : vector<768x512xf32>
    %reduce_max3A_415 = arith.constant dense<0xFF800000> : vector<768xf32>
    %reduce_max3A_416 = vector.multi_reduction <maximumf>, %add3A_414, %reduce_max3A_415 [1] : vector<768x512xf32> to vector<768xf32>
    %eq3A_417 = arith.constant 3 : i32
    %eq3A_418 = vector.broadcast %eq3A_417 : i32 to vector<1x512xi32>
    %eq3A_419 = arith.cmpi eq, %get3A_392, %eq3A_418 : vector<1x512xi32>
    %jit3A_420 = arith.constant 0.000000e+00 : f32
    %jit3A_421 = arith.constant -1.000000e+02 : f32
    %broadcast_in_dim3A_422 = vector.broadcast %jit3A_420 : f32 to vector<1x512xf32>
    %broadcast_in_dim3A_423 = vector.broadcast %jit3A_421 : f32 to vector<1x512xf32>
    %select_n3A_424 = arith.select %eq3A_419, %broadcast_in_dim3A_422, %broadcast_in_dim3A_423 : vector<1x512xi1>, vector<1x512xf32>
    %add3A_425 = vector.broadcast %select_n3A_424 : vector<1x512xf32> to vector<768x512xf32>
    %add3A_426 = arith.addf %get3A_387, %add3A_425 : vector<768x512xf32>
    %reduce_max3A_427 = arith.constant dense<0xFF800000> : vector<768xf32>
    %reduce_max3A_428 = vector.multi_reduction <maximumf>, %add3A_426, %reduce_max3A_427 [1] : vector<768x512xf32> to vector<768xf32>
    %stack3A_429 = vector.shape_cast %reduce_max3A_404 : vector<768xf32> to vector<1x768xf32>
    %stack3A_430 = vector.shape_cast %reduce_max3A_416 : vector<768xf32> to vector<1x768xf32>
    %stack3A_431 = vector.shape_cast %reduce_max3A_428 : vector<768xf32> to vector<1x768xf32>
    %stack3A_432 = tpu.concatenate %stack3A_429, %stack3A_430, %stack3A_431 in 0 : vector<1x768xf32>, vector<1x768xf32>, vector<1x768xf32> -> vector<3x768xf32>
    %swap3A_433 = arith.constant 7 : index
    %swap3A_434 = arith.constant 0 : index
    %swap3A_435 = arith.constant 0 : index
    %swap3A_436 = vector.load %arg3[%swap3A_433, %swap3A_434, %swap3A_435] : memref<8x3x768xf32, #tpu.memory_space<vmem>>, vector<1x3x768xf32>
    %swap3A_437 = vector.shape_cast %swap3A_436 : vector<1x3x768xf32> to vector<3x768xf32>
    %swap3A_438 = vector.shape_cast %stack3A_432 : vector<3x768xf32> to vector<1x3x768xf32>
    tpu.vector_store %arg3[%swap3A_433, %swap3A_434, %swap3A_435], %swap3A_438 {strides = array<i32>} : memref<8x3x768xf32, #tpu.memory_space<vmem>>, vector<1x3x768xf32>,
    return
  }
  func.func @transform_0(%arg0: i32) -> (i32, i32, i32) {
    %add3A = arith.constant 1 : i32
    %add3A_0 = arith.addi %arg0, %add3A : i32
    %c0_i32 = arith.constant 0 : i32
    %c0_i32_1 = arith.constant 0 : i32
    %c0_i32_2 = arith.constant 0 : i32
    return %add3A_0, %c0_i32, %c0_i32_1 : i32, i32, i32
  }
  func.func @transform_1(%arg0: i32) -> (i32, i32, i32) {
    %add3A = arith.constant 1 : i32
    %add3A_0 = arith.addi %arg0, %add3A : i32
    %c0_i32 = arith.constant 0 : i32
    %c0_i32_1 = arith.constant 0 : i32
    %c0_i32_2 = arith.constant 0 : i32
    return %add3A_0, %c0_i32, %c0_i32_1 : i32, i32, i32
  }
  func.func @transform_2(%arg0: i32) -> (i32, i32, i32) {
    %c0_i32 = arith.constant 0 : i32
    %c0_i32_0 = arith.constant 0 : i32
    %c0_i32_1 = arith.constant 0 : i32
    return %arg0, %c0_i32, %c0_i32_0 : i32, i32, i32
  }
}

</mosaic_0001>

<sc_bundles>
// kernel: kernel.4.cloned.1.call-start
scs
__scs_entry_jumppad:
0x0: {  	(pc) =	sbr.rel $0x88, $3  }
0x1: {  	(tag) =	ssettag $0x0;
	lr =	simm.s32 $0x1  }
0x2: {  	[smem:$0x3F9F] =	sst lr;
	_ =	strace $0xD0000000  }
0x3: {  	_ = 	snop  }
0x4: {  	_ = 	snop  }
0x5: {  	_ = 	snop  }
0x6: {  	_ = 	snop  }
0x7: {  	_ = 	snop  }
__scs_overlays_trampoline_lowered:
0x8: {  	[smem:$0x3FAE] =	sst s0  }
0x9: {  	[smem:$0x3FAF] =	sst s1  }
0xa: {  	[smem:$0x3FB0] =	sst s2  }
0xb: {  	[smem:$0x3FB1] =	sst s3  }
0xc: {  	[smem:$0x3FB2] =	sst s4  }
0xd: {  	[smem:$0x3FB3] =	sst s5  }
0xe: {  	[smem:$0x3FB4] =	sst s6  }
0xf: {  	[smem:$0x3FB5] =	sst s7  }
0x10: {  	[smem:$0x3FB6] =	sst s8  }
0x11: {  	[smem:$0x3FB7] =	sst s9;
	s0 =	simm.s32 @!p0 $0x0  }
0x12: {  	s1 =	sld [smem:$0x3F9D];
	s0 =	simm.s32 @p0 $0x1  }
0x13: {  	[smem:$0x3FB8] =	sst s0;
	s0 =	simm.s32 @!p1 $0x0  }
0x14: {  	s2 =	sld [smem:$0x3F9C];
	s0 =	simm.s32 @p1 $0x1  }
0x15: {  	[smem:$0x3FB9] =	sst s0;
	s0 =	simm.s32 @!p2 $0x0  }
0x16: {  	s3 =	sld [smem:$0x3FDB];
	s0 =	simm.s32 @p2 $0x1  }
0x17: {  	s4 =	simm.s32 $0x1BF5;
	[smem:$0x3FBB] =	sst s0  }
0x18: {  	s0 =	sld [smem:$0x3F9E];
	_ =	swait.ge [sflag:s4], $0x0  }
0x19: {  	s7 =	sld [smem:$0x3F9F]  }
0x1a: {  	s8 =	sadd.s32 $0xFFFFE003, lr  }
0x1b: {  	s9 =	sadd.s32 $0xFFFFFEF7, lr;
	s5 =	simm.s32 $0xFFFFFFFF;
	p2 =	slt.u32 s8, $0xFFFFF086  }
0x1c: {  	p1 =	slt.u32 s9, $0xF7A;
	s5 =	simm.s32 @!p2 $0x0  }
0x1d: {  	s5 =	simm.s32 @p1 $0x1;
	p0 =	seq.s32 s7, s2  }
0x1e: {  	s7 =	smul.u32 @!p0 $0xF7A, s2;
	p2 =	seq.s32 @!p0 s5, $0x0  }
0x1f: {  	s9 =	smul.u32 $0xF7A, s1;
	s8 =	simm.s32 @!p0 $0x1BF5;
	p2 =	por !p2, p0  }
0x20: {  	[sflag:s8] =	ssyncset.s32 @!p0 $0xFFFFF086;
	s6 =	sadd.s32 @!p0 s3, s7;
	s7 =	simm.s32 @!p0 $0x108  }
0x21: {  	s3 =	sadd.s32 s3, s9;
	s6 =	sadd.s32 @!p0 $0x88, s6;
	s7 =	simm.s32 @p2 $0x1082  }
0x22: {  	[simem:s7], [sflag:s8] =	dma.local @!p0 [hbm:s6], $0xF7A  }
0x23: {  	s9 =	sor.u32 $0xD0000000, s2;
	s6 =	simm.s32 $0x108;
	_ =	swait.ge @!p0 [sflag:s8], $0x0  }
0x24: {  	s3 =	sadd.s32 $0x88, s3;
	s6 =	simm.s32 @!p1 $0x1082;
	[sflag:s4] =	ssyncset.s32 $0xFFFFF086  }
0x25: {  	[simem:s6], [sflag:s4] =	dma.local [hbm:s3], $0xF7A  }
0x26: {  	[smem:$0x3F9F] =	sst s1;
	(tag) =	ssettag s2;
	_ =	strace s9  }
0x27: {  	s1 =	sld [smem:$0x3FAF]  }
0x28: {  	s2 =	sld [smem:$0x3FB0]  }
0x29: {  	s4 =	sld [smem:$0x3FB2]  }
0x2a: {  	p0 =	seq.s32 s5, $0x0;
	s5 =	sld [smem:$0x3FB3]  }
0x2b: {  	s6 =	sld [smem:$0x3FB4]  }
0x2c: {  	s7 =	sld [smem:$0x3FB5]  }
0x2d: {  	s3 =	simm.s32 $0x108;
	s8 =	sld [smem:$0x3FB6]  }
0x2e: {  	s3 =	simm.s32 @!p0 $0x1082;
	s9 =	sld [smem:$0x3FB7]  }
0x2f: {  	lr =	sadd.s32 s0, s3;
	s0 =	sld [smem:$0x3FAE]  }
0x30: {  	s3 =	sld [smem:$0x3FB1]  }
0x31: {  	[smem:$0x3FBA] =	sst s10  }
0x32: {  	s10 =	sld [smem:$0x3FB8];
	_ =	sdelay $0x3  }
0x33: {  	p0 =	seq.s32 s10, $0x1;
	s10 =	sld [smem:$0x3FBA];
	_ =	sdelay $0x3  }
0x34: {  	[smem:$0x3FBA] =	sst s10  }
0x35: {  	s10 =	sld [smem:$0x3FB9];
	_ =	sdelay $0x3  }
0x36: {  	p1 =	seq.s32 s10, $0x1;
	s10 =	sld [smem:$0x3FBA];
	_ =	sdelay $0x3  }
0x37: {  	[smem:$0x3FBA] =	sst s10  }
0x38: {  	s10 =	sld [smem:$0x3FBB]  }
0x39: {  	_ = 	snop;
	(pc) =	sbr.ind lr, $3  }
0x3a: {  	_ = 	snop  }
0x3b: {  	_ = 	snop  }
0x3c: {  	p2 =	seq.s32 s10, $0x1;
	s10 =	sld [smem:$0x3FBA]  }
0x3d: {  	_ =	shalt  }
0x3e: {  	_ =	shalt  }
0x3f: {  	_ =	shalt  }
0x40: {  	_ =	shalt  }
0x41: {  	_ =	shalt  }
0x42: {  	_ =	shalt  }
0x43: {  	_ =	shalt  }
0x44: {  	_ =	shalt  }
0x45: {  	_ =	shalt  }
0x46: {  	_ =	shalt  }
0x47: {  	_ =	shalt  }
0x48: {  	_ =	shalt  }
0x49: {  	_ =	shalt  }
0x4a: {  	_ =	shalt  }
0x4b: {  	_ =	shalt  }
0x4c: {  	_ =	shalt  }
0x4d: {  	_ =	shalt  }
0x4e: {  	_ =	shalt  }
0x4f: {  	_ =	shalt  }
0x50: {  	_ =	shalt  }
0x51: {  	_ =	shalt  }
0x52: {  	_ =	shalt  }
0x53: {  	_ =	shalt  }
0x54: {  	_ =	shalt  }
0x55: {  	_ =	shalt  }
0x56: {  	_ =	shalt  }
0x57: {  	_ =	shalt  }
0x58: {  	_ =	shalt  }
0x59: {  	_ =	shalt  }
0x5a: {  	_ =	shalt  }
0x5b: {  	_ =	shalt  }
0x5c: {  	_ =	shalt  }
0x5d: {  	_ =	shalt  }
0x5e: {  	_ =	shalt  }
0x5f: {  	_ =	shalt  }
0x60: {  	_ =	shalt  }
0x61: {  	_ =	shalt  }
0x62: {  	_ =	shalt  }
0x63: {  	_ =	shalt  }
0x64: {  	_ =	shalt  }
0x65: {  	_ =	shalt  }
0x66: {  	_ =	shalt  }
0x67: {  	_ =	shalt  }
0x68: {  	_ =	shalt  }
0x69: {  	_ =	shalt  }
0x6a: {  	_ =	shalt  }
0x6b: {  	_ =	shalt  }
0x6c: {  	_ =	shalt  }
0x6d: {  	_ =	shalt  }
0x6e: {  	_ =	shalt  }
0x6f: {  	_ =	shalt  }
0x70: {  	_ =	shalt  }
0x71: {  	_ =	shalt  }
0x72: {  	_ =	shalt  }
0x73: {  	_ =	shalt  }
0x74: {  	_ =	shalt  }
0x75: {  	_ =	shalt  }
0x76: {  	_ =	shalt  }
0x77: {  	_ =	shalt  }
0x78: {  	_ =	shalt  }
0x79: {  	_ =	shalt  }
0x7a: {  	_ =	shalt  }
0x7b: {  	_ =	shalt  }
0x7c: {  	_ =	shalt  }
0x7d: {  	_ =	shalt  }
0x7e: {  	_ =	shalt  }
0x7f: {  	_ =	shalt  }
0x80: {  	_ =	shalt  }
0x81: {  	_ =	shalt  }
0x82: {  	_ =	shalt  }
0x83: {  	_ =	shalt  }
0x84: {  	_ =	shalt  }
0x85: {  	_ =	shalt  }
0x86: {  	_ =	shalt  }
0x87: {  	_ =	shalt  }
.Lfunc_end0:
.L_simem_size_0:
called_computation_lowered:
.L_overlay_start_0:
0x88: {  	s2 =	sld [smem:$0x3FD9]  }
0x89: {  	s3 =	sld [smem:$0x3FFE];
	_ =	sdelay $0x1  }
0x8a: {  	s1 =	srdreg.scid  }
0x8b: {  	s0 =	sand.u32 $0x1, s1  }
0x8c: {  	s17 =	sshll.u32 s0, $0xA;
	s2 =	sadd.s32 s3, s2  }
0x8d: {  	s2 =	sadd.s32 s2, s17  }
0x8e: {  	[smem:$0x3FC6] =	sst s2  }
0x8f: {  	_ = 	snop  }
0x90: {  	s2 =	sld [smem:$0x3FC9]  }
0x91: {  	s18 =	sld [smem:$0x3FC8]  }
0x92: {  	s4 =	sld [smem:$0x3FD0];
	(tm) =	ssettm $0x1  }
0x93: {  	s5 =	sld [smem:$0x3FFB];
	_ =	sdelay $0x3  }
0x94: {  	_ =	strace s5  }
0x95: {  	s5 =	sld [smem:$0x3FFC];
	_ =	sdelay $0x3  }
0x96: {  	_ =	strace s5  }
0x97: {  	s5 =	sld [smem:$0x3FFD];
	_ =	sdelay $0x3  }
0x98: {  	_ =	strace s5  }
0x99: {  	_ =	strace $0x8FFFFFFF  }
0x9a: {  	s19 =	sld [smem:$0x3FDB];
	_ =	sdelay $0x1  }
0x9b: {  	s6 =	simm.s32 $_scs_section_size  }
0x9c: {  	s7 =	simm.s32 $_size__tile_overlayer_lowered;
	s8 =	simm.s32 $_tile_overlayer_lowered  }
0x9d: {  	s22 =	simm.s32 $0x1BFF;
	s21 =	sshll.u32 s8, $0x1;
	s5 =	sadd.s32 s6, s19  }
0x9e: {  	s9 =	simm.s32 $0x0;
	s20 =	sshll.u32 s7, $0x1;
	s7 =	sadd.s32 s21, s5  }
0x9f: {  	[timem:s9], [sflag:s22] =	dma.local [hbm:s7], s20  }
0xa0: {  	_ =	swait.ge [sflag:s22], s20  }
0xa1: {  	s6 =	ssub.s32 $0x0, s20;
	[sflag:s22] =	ssyncset.done $0x0  }
0xa2: {  	[sflag:s22] =	ssyncadd.s32 s6;
	_ =	sdelay $0x1  }
0xa3: {  	s23 =	simm.s32 $0x1B8B  }
0xa4: {  	_ =	swait.ge [sflag:s23], $0x1  }
0xa5: {  	[sflag:s23] =	ssyncset.done $0x0  }
0xa6: {  	s25 =	simm.s32 $0x1B8E;
	s24 =	sld [smem:$0x3FFE];
	[sflag:s23] =	ssyncadd.s32 $0xFFFFFFFF  }
0xa7: {  	s26 =	simm.s32 $execute0_lowered;
	[smem:$0x3FD2] =	sst s25  }
0xa8: {  	s7 =	sshll.u32 s26, $0x1;
	_ =	strace $0x80000046;
	[dreg:$0x1] =	wrdreg $0xFFFFFFFF  }
0xa9: {  	s28 =	simm.s32 $_size_execute0_lowered;
	s5 =	sadd.s32 s5, s7;
	[dreg:$0x0] =	wrdreg $0x0  }
0xaa: {  	s7 =	sshll.u32 s28, $0x1;
	[dreg:$0x2] =	wrdreg s5  }
0xab: {  	[dreg:$0x3] =	wrdreg s7  }
0xac: {  	[dreg:$0x4] =	wrdreg $0xC0  }
0xad: {  	_ =	task [dreg:s9], $0x5FFFF  }
0xae: {  	[dreg:$0x1] =	wrdreg $0xFFFFFFFF  }
0xaf: {  	[dreg:$0x0] =	wrdreg $0x60  }
0xb0: {  	[dreg:$0x2] =	wrdreg s2  }
0xb1: {  	[dreg:$0x3] =	wrdreg s18  }
0xb2: {  	[dreg:$0x4] =	wrdreg s4  }
0xb3: {  	[dreg:$0x5] =	wrdreg s24  }
0xb4: {  	[dreg:$0x6] =	wrdreg $0x9  }
0xb5: {  	_ =	task.clear_ibuf [dreg:s9], $0x7FFFF;
	_ =	strace $0x90000046  }
0xb6: {  	s29 =	simm.s32 $0x9;
	_ =	strace $0x80000057  }
0xb7: {  	_ =	swait.ge [sflag:s29], $0x1  }
0xb8: {  	[sflag:s29] =	ssyncadd.s32 $0xFFFFFFFF  }
0xb9: {  	_ =	strace $0x90000057  }
0xba: {  	_ =	sfence  }
0xbb: {  	s30 =	sld [smem:$0x0];
	_ =	sdelay $0x2  }
0xbc: {  	s31 =	sshll.u32 s1, $0xD;
	s1 =	sshrl.u32 s1, $0x2  }
0xbd: {  	s3 =	sand.u32 $0x4000, s31;
	s1 =	sadd.s32 s1, s30  }
0xbe: {  	s0 =	sor.u32 s3, s0;
	s1 =	sshll.u32 s1, $0x11  }
0xbf: {  	s0 =	sor.u32 s1, s0  }
0xc0: {  	s0 =	sadd.s32 $0x8F2B, s0  }
0xc1: {  	[sflag:s0] =	ssyncadd.remote.s32 $0x1  }
0xc2: {  	_ =	sfence.sel $0xFFFF  }
0xc3: {  	[dreg:$0x0] =	wrdreg $0xFFFFFFFF;
	(pc) =	sbr.abs _section_cstart, $3  }
0xc4: {  	[dreg:$0x1] =	wrdreg $0xFFFFFFFF  }
0xc5: {  	_ =	task.clear_ibuf [dreg:s9], $0x2FFFF;
	_ =	strace $0x9FFFFFFF  }
0xc6: {  	(tm) =	ssettm $0x7FFFFFFF  }
0xc7: {  	_ =	shalt  }
tec
execute0_lowered:
.L_overlay_start_1:
0x0: {  	(tag) =	ssettag $0x1  }
0x1: {  	s1 =	srdreg.scid  }
0x2: {  	s7 =	sand.u32 $0x1, s1  }
0x3: {  	p0 =	seq.s32 s7, $0x1  }
.Ltmp0:
0x4: {  	s4 =	rddreg [dreg:$0x0];
	(pc) =	sbr.rel @p0 .LBB2_10-.Ltmp0, $4  }
0x5: {  	s8 =	rddreg [dreg:$0x1]  }
0x6: {  	s0 =	rddreg [dreg:$0x3];
	s3 =	simm.s32 $0x0  }
0x7: {  	[smem:$0x7FF] =	sst s3  }
0x8: {  	s2 =	rddreg [dreg:$0x4];
	s1 =	stileid.u32;
	_ =	strace $0x80000047  }
0x9: {  	s6 =	sshll.u32 s7, $0x4;
	p0 =	seq.s32 s7, $0x0;
	s7 =	simm.s32 $0x7  }
0xa: {  	s2 =	sadd.s32 $0xA00, s0;
	s24 =	sadd.s32 $0xE00, s0;
	s26 =	simm.s32 $0x1100  }
0xb: {  	s30 =	simm.s32 $0x80;
	s31 =	simm.s32 $0x400;
	s11 =	simm.s32 $0xD100  }
0xc: {  	s12 =	simm.s32 $0x1;
	s13 =	simm.s32 $0x800;
	s14 =	simm.s32 $0x0  }
0xd: {  	s15 =	simm.s32 $0x0;
	s28 =	simm.s32 $0x0;
	s6 =	sor.u32 s1, s6  }
0xe: {  	s16 =	simm.s32 $0x0;
	s29 =	simm.s32 $0x0;
	s1 =	smin.u32 s6, $0x10  }
0xf: {  	s17 =	simm.s32 $0x0;
	[dreg:$0x6] =	wrdreg s2;
	s9 =	smul.u32 $0xC00, s1  }
0x10: {  	s18 =	simm.s32 $0x0;
	s19 =	simm.s32 $0x0;
	[dreg:$0x7] =	wrdreg s24  }
0x11: {  	s20 =	simm.s32 $0x1;
	_ =	strace $0x80000048;
	s25 =	sadd.s32 s4, s9  }
0x12: {  	[tilespmem:s26], [sflag:$0x1] =	stream.linear.gather [hbm4b:s25+s3], $0x6000, $0x200038;
	[tilespmem:$0xD680] =	vst v63  }
0x13: {  	s21 =	simm.s32 $0x0;
	s7 =	simm.s32 @!p0 $0xFFFFFFFF;
	[dreg:$0x5] =	wrdreg s1  }
0x14: {  	v1 =	vlaneseq.u32;
	[tilespmem:s11], [sflag:$0x3] =	stream.strided.gather [hbm4b:s8+s30], $0x200, s31, s30, $0x200038;
	[tilespmem:$0xD680] =	vst v63  }
0x15: {  	v0 =	vimm.f32 $-1.000000000e+02;
	v1 =	vmul.u32 $0x30, v1;
	s9 =	simm.s32 $0x0;
	s11 =	smul.u32 $0x6000, s1;
	_ =	strace $0x90000048  }
.LBB2_2:
0x16: {  	s24 =	smov.u32 s14;
	s14 =	sadd.s32 $0x1, s14  }
0x17: {  	p0 =	seq.s32 s14, $0x8  }
0x18: {  	s14 =	simm.s32 @p0 $0x0  }
0x19: {  	p1 =	slt.s32 s21, s7;
	p0 =	sne.s32 s24, s14  }
0x1a: {  	p1 =	por !p1, !p0  }
0x1b: {  	p1 =	por !p1, !p1  }
0x1c: {  	s0 =	smul.u32 @p1 $0x60000, s14;
	s22 =	sand.u32 @p1 $0x1, s20  }
0x1d: {  	s23 =	smul.u32 @p1 $0x18000, s22  }
0x1e: {  	_ =	strace @p1 $0x80000049;
	s0 =	sadd.s32 @p1 s11, s0  }
0x1f: {  	s25 =	simm.s32 @p1 $0x0;
	s23 =	sshrl.u32 @p1 s23, $0x2;
	s0 =	sshrl.u32 @p1 s0, $0x3  }
0x20: {  	s22 =	sadd.s32 @p1 $0x1, s22;
	s23 =	sor.u32 @p1 $0x1100, s23;
	s0 =	sadd.s32 @p1 s4, s0  }
0x21: {  	[tilespmem:s23], [sflag:s22] =	stream.linear.gather @p1 [hbm4b:s0+s25], $0x6000, $0x200038;
	[tilespmem:$0xD680] =	vst v63  }
0x22: {  	s26 =	simm.s32 @p1 $0x400;
	s0 =	sshll.u32 @p1 s14, $0x9;
	s22 =	sshll.u32 @p1 s14, $0x7  }
0x23: {  	s23 =	sand.u32 @p1 $0x1, s12;
	s0 =	sand.u32 @p1 $0xFFFFF000, s0;
	s22 =	sand.u32 @p1 $0x380, s22  }
0x24: {  	s25 =	simm.s32 @p1 $0x80;
	_ =	strace @p1 $0x90000049;
	s0 =	sor.u32 @p1 s22, s0  }
0x25: {  	_ =	strace @p1 $0x8000004A;
	s22 =	sshll.u32 @p1 s23, $0x9;
	s0 =	sshrl.u32 @p1 s0, $0x3  }
0x26: {  	s23 =	sadd.s32 @p1 $0x3, s23;
	s22 =	sor.u32 @p1 $0xD100, s22;
	s0 =	sadd.s32 @p1 s8, s0  }
0x27: {  	[tilespmem:s22], [sflag:s23] =	stream.strided.gather @p1 [hbm4b:s0+s25], $0x200, s26, s25, $0x200038;
	[tilespmem:$0xD680] =	vst v63  }
0x28: {  	s25 =	sand.u32 $0x1, s19;
	_ =	strace @p1 $0x9000004A  }
0x29: {  	s22 =	sadd.s32 $0x1, s25;
	_ =	strace $0x8000004B  }
0x2a: {  	_ =	swait.ge [sflag:s22], $0x6000  }
0x2b: {  	[sflag:s22] =	ssyncset.done $0x0  }
0x2c: {  	s26 =	sshll.u32 s18, $0x9;
	[sflag:s22] =	ssyncadd.s32 $0xFFFFA000  }
0x2d: {  	s23 =	sand.u32 $0x1, s18;
	s1 =	sand.u32 $0x200, s26;
	_ =	strace $0x9000004B  }
0x2e: {  	s0 =	sadd.s32 $0x3, s23;
	s26 =	sor.u32 $0xD100, s1;
	_ =	strace $0x8000004C  }
0x2f: {  	v2 =	vmov s26;
	_ =	swait.ge [sflag:s0], $0x200  }
0x30: {  	[sflag:s0] =	ssyncset.done $0x0  }
0x31: {  	[sflag:s0] =	ssyncadd.s32 $0xFFFFFE00  }
0x32: {  	_ =	strace $0x9000004C  }
0x33: {  	s2 =	simm.s32 $0x0;
	_ =	strace $0x8000004D  }
0x34: {  	v3 =	vld.idx.msk [tilespmem:v2+s2+$0x0 ss:$0x1], $0xffff;
	_ =	sdelay $0x1  }
0x35: {  	s23 =	smov.u32 s28;
	s28 =	simm.s32 $0x0;
	s22 =	simm.s32 $0x1  }
0x36: {  	s30 =	sand.u32 $0x40, s28;
	s22 =	simm.s32 @!p1 $0x0;
	p1 =	por $0x0, $0x0  }
0x37: {  	s20 =	sadd.s32 s22, s20;
	s12 =	sadd.s32 s22, s12;
	s0 =	simm.s32 $0x1  }
0x38: {  	s22 =	smov.u32 s29;
	s29 =	sand.u32 $0x600, s28;
	s0 =	simm.s32 @!p1 $0x0;
	vm0 =	veq.s32 v3, $0x1  }
0x39: {  	s3 =	smov.u32 s4;
	s31 =	sor.u32 s30, s29;
	s0 =	sshll.u32 s0, $0x6;
	vm1 =	veq.s32 v3, $0x2;
	v4 =	vsel vm0, $0x0, v0  }
0x3a: {  	s5 =	smov.u32 s8;
	s4 =	sand.u32 $0x180, s28;
	s1 =	sadd.s32 $0x0, s0;
	vm9 =	veq.s32 v3, $0x3;
	v3 =	vsel vm1, $0x0, v0;
	[tilespmem:s31+$0x0] =	vst v4  }
0x3b: {  	s8 =	sadd.s32 s4, s26;
	s10 =	sor.u32 $0x10, s30;
	s6 =	sor.u32 $0x100, s1;
	v4 =	vsel vm9, $0x0, v0;
	[tilespmem:s31+$0x80] =	vst v3  }
0x3c: {  	s2 =	sadd.s32 s10, s8;
	[tilespmem:s6+$0x0] =	vst v4  }
0x3d: {  	v3 =	vld [tilespmem:s2+$0x0];
	_ =	sdelay $0x4  }
0x3e: {  	vm10 =	veq.s32 v3, $0x1  }
0x3f: {  	s0 =	sor.u32 s10, s29;
	vm11 =	veq.s32 v3, $0x2;
	v4 =	vsel vm10, $0x0, v0  }
0x40: {  	s6 =	sadd.s32 $0x10, s1;
	vm12 =	veq.s32 v3, $0x3;
	v3 =	vsel vm11, $0x0, v0;
	[tilespmem:s0+$0x0] =	vst v4  }
0x41: {  	s31 =	sor.u32 $0x20, s30;
	s4 =	sor.u32 $0x100, s6;
	v4 =	vsel vm12, $0x0, v0;
	[tilespmem:s0+$0x80] =	vst v3  }
0x42: {  	s10 =	sadd.s32 s31, s8;
	[tilespmem:s4+$0x0] =	vst v4  }
0x43: {  	v3 =	vld [tilespmem:s10+$0x0];
	_ =	sdelay $0x4  }
0x44: {  	vm13 =	veq.s32 v3, $0x1  }
0x45: {  	s2 =	sor.u32 s31, s29;
	vm14 =	veq.s32 v3, $0x2;
	v4 =	vsel vm13, $0x0, v0  }
0x46: {  	s6 =	sadd.s32 $0x20, s1;
	vm15 =	veq.s32 v3, $0x3;
	v3 =	vsel vm14, $0x0, v0;
	[tilespmem:s2+$0x0] =	vst v4  }
0x47: {  	s31 =	sor.u32 $0x100, s6;
	s0 =	sor.u32 $0x30, s30;
	v4 =	vsel vm15, $0x0, v0;
	[tilespmem:s2+$0x80] =	vst v3  }
0x48: {  	s10 =	sadd.s32 s0, s8;
	[tilespmem:s31+$0x0] =	vst v4  }
0x49: {  	v3 =	vld [tilespmem:s10+$0x0];
	_ =	sdelay $0x2  }
0x4a: {  	s1 =	sadd.s32 $0x30, s1  }
0x4b: {  	s30 =	simm.s32 $0x100;
	s31 =	sor.u32 $0x100, s1  }
.LBB2_3:
0x4c: {  	p2 =	seq.s32 s30, $0x700;
	vm0 =	veq.s32 v3, $0x1;
	vm1 =	veq.s32 v3, $0x2;
	vm2 =	veq.s32 v3, $0x3;
	p1 =	por !p1, !p1;
	s28 =	sadd.s32 $0x40, s28  }
0x4d: {  	s0 =	sor.u32 s0, s29;
	s1 =	smov.u32 s30;
	s30 =	sadd.s32 $0x100, s30;
	v3 =	vsel vm0, $0x0, v0;
	v4 =	vsel vm1, $0x0, v0;
	v5 =	vsel vm2, $0x0, v0  }
0x4e: {  	[tilespmem:s0+$0x0] =	vst v3  }
0x4f: {  	[tilespmem:s0+$0x80] =	vst v4  }
0x50: {  	s0 =	sshra.s32 s1, $0x2;
	[tilespmem:s31+$0x0] =	vst v5  }
0x51: {  	v3 =	vld.idx.msk [tilespmem:v2+s0+$0x0 ss:$0x1], $0xffff;
	_ =	sdelay $0x3  }
0x52: {  	s0 =	simm.s32 $0x1  }
0x53: {  	s0 =	simm.s32 @!p1 $0x0  }
0x54: {  	s4 =	sand.u32 $0x40, s28;
	s29 =	sand.u32 $0x600, s1;
	s0 =	sshll.u32 s0, $0x6;
	vm0 =	veq.s32 v3, $0x1;
	vm1 =	veq.s32 v3, $0x2;
	vm2 =	veq.s32 v3, $0x3  }
0x55: {  	s8 =	sor.u32 s4, s29;
	s0 =	sadd.s32 s0, s1;
	s1 =	sand.u32 $0x180, s28;
	v3 =	vsel vm0, $0x0, v0;
	v4 =	vsel vm1, $0x0, v0  }
0x56: {  	s31 =	sor.u32 $0x100, s0;
	s1 =	sadd.s32 s1, s26;
	s10 =	sadd.s32 $0x10, s0;
	[tilespmem:s8+$0x0] =	vst v3;
	v3 =	vsel vm2, $0x0, v0  }
0x57: {  	s6 =	sadd.s32 $0x20, s0;
	s2 =	sadd.s32 $0x30, s0;
	[tilespmem:s8+$0x80] =	vst v4;
	s8 =	sor.u32 $0x10, s4  }
0x58: {  	[tilespmem:s31+$0x0] =	vst v3;
	s0 =	sadd.s32 s8, s1  }
0x59: {  	v3 =	vld [tilespmem:s0+$0x0];
	_ =	sdelay $0x4  }
0x5a: {  	vm0 =	veq.s32 v3, $0x1;
	vm1 =	veq.s32 v3, $0x2;
	vm2 =	veq.s32 v3, $0x3  }
0x5b: {  	s0 =	sor.u32 s8, s29;
	s8 =	sor.u32 $0x100, s10;
	s10 =	sor.u32 $0x20, s4;
	v3 =	vsel vm0, $0x0, v0;
	v4 =	vsel vm1, $0x0, v0;
	v5 =	vsel vm2, $0x0, v0  }
0x5c: {  	s31 =	sadd.s32 s10, s1;
	[tilespmem:s0+$0x0] =	vst v3  }
0x5d: {  	[tilespmem:s0+$0x80] =	vst v4  }
0x5e: {  	[tilespmem:s8+$0x0] =	vst v5  }
0x5f: {  	v3 =	vld [tilespmem:s31+$0x0];
	_ =	sdelay $0x4  }
0x60: {  	s6 =	sor.u32 $0x100, s6;
	s0 =	sor.u32 $0x30, s4;
	vm0 =	veq.s32 v3, $0x1;
	vm1 =	veq.s32 v3, $0x2;
	vm2 =	veq.s32 v3, $0x3  }
0x61: {  	s4 =	sor.u32 s10, s29;
	s1 =	sadd.s32 s0, s1;
	v3 =	vsel vm0, $0x0, v0;
	v4 =	vsel vm1, $0x0, v0;
	v5 =	vsel vm2, $0x0, v0  }
0x62: {  	[tilespmem:s4+$0x0] =	vst v3  }
0x63: {  	[tilespmem:s4+$0x80] =	vst v4  }
0x64: {  	[tilespmem:s6+$0x0] =	vst v5  }
.Ltmp1:
0x65: {  	v3 =	vld [tilespmem:s1+$0x0];
	(pc) =	sbr.rel @!p2 .LBB2_3-.Ltmp1, $2  }
0x66: {  	_ =	sdelay $0x2  }
0x67: {  	s31 =	sor.u32 $0x100, s2  }
0x68: {  	vm0 =	veq.s32 v3, $0x1  }
0x69: {  	vm1 =	veq.s32 v3, $0x2;
	s0 =	sor.u32 s0, s29;
	v2 =	vsel vm0, $0x0, v0  }
0x6a: {  	vm15 =	veq.s32 v3, $0x3;
	v3 =	vsel vm1, $0x0, v0;
	[tilespmem:s0+$0x0] =	vst v2  }
0x6b: {  	p1 =	seq.s32 s25, $0x1;
	s25 =	simm.s32 $0x7140;
	s26 =	simm.s32 $0x0;
	v2 =	vsel vm15, $0x0, v0;
	[tilespmem:s0+$0x80] =	vst v3  }
0x6c: {  	s28 =	simm.s32 $0x0;
	s29 =	simm.s32 $0x0;
	s25 =	simm.s32 @!p1 $0x1140;
	[tilespmem:s31+$0x0] =	vst v2  }
.LBB2_5:
0x6d: {  	s0 =	simm.s32 $0xC0  }
0x6e: {  	v7 =	vld [tilespmem:s0+$0x90]  }
0x6f: {  	v14 =	vld [tilespmem:s0+$0x40]  }
0x70: {  	v10 =	vld [tilespmem:s0+$0xFFFFFF50]  }
0x71: {  	v13 =	vld [tilespmem:s0+$0xFFFFFFD0]  }
0x72: {  	v2 =	vld [tilespmem:s0+$0x30]  }
0x73: {  	v11 =	vld [tilespmem:s0+$0x50]  }
0x74: {  	s1 =	sshll.u32 s28, $0x2;
	s2 =	sand.u32 $0x7, s26;
	v8 =	vld [tilespmem:s0+$0xFFFFFFE0]  }
0x75: {  	s1 =	sand.u32 $0xFFFFC000, s1;
	s2 =	sshll.u32 s2, $0x9;
	v12 =	vld [tilespmem:s0+$0x60]  }
0x76: {  	v5 =	vld [tilespmem:s0+$0xFFFFFFB0];
	s1 =	sor.u32 s2, s1  }
0x77: {  	v16 =	vld [tilespmem:s0+$0xB0];
	s1 =	sshrl.u32 s1, $0x2  }
0x78: {  	v15 =	vld [tilespmem:s0+$0xFFFFFF70];
	s1 =	sadd.s32 s1, s25  }
0x79: {  	v17 =	vld [tilespmem:s0+$0xFFFFFFF0];
	v3 =	vmov s1  }
0x7a: {  	v18 =	vld [tilespmem:s0+$0x70]  }
0x7b: {  	v23 =	vld [tilespmem:s0+$0x80]  }
0x7c: {  	v24 =	vld [tilespmem:s0+$0xFFFFFFC0]  }
0x7d: {  	s10 =	simm.s32 $0x0;
	v26 =	vld [tilespmem:s0+$0xFFFFFF40]  }
0x7e: {  	v6 =	vld.idx.msk [tilespmem:v3+s10+$0x10 ss:$0x1], $0xffff  }
0x7f: {  	v19 =	vld.idx.msk [tilespmem:v3+s10+$0xFFFFFFF0 ss:$0x1], $0xffff  }
0x80: {  	v22 =	vld.idx.msk [tilespmem:v3+s10+$0xFFFFFFE0 ss:$0x1], $0xffff  }
0x81: {  	v21 =	vld.idx.msk [tilespmem:v3+s10+$0xFFFFFFD0 ss:$0x1], $0xffff  }
0x82: {  	v27 =	vld [tilespmem:s0+$0xFFFFFF60]  }
0x83: {  	v20 =	vld.idx.msk [tilespmem:v3+s10+$0x0 ss:$0x1], $0xffff  }
0x84: {  	v25 =	vld.idx.msk [tilespmem:v3+s10+$0xFFFFFFC0 ss:$0x1], $0xffff;
	v9 =	vadd.f32 v7, v6  }
0x85: {  	v30 =	vld [tilespmem:s0+$0xFFFFFF80];
	v15 =	vadd.f32 v15, v19;
	v28 =	vadd.f32 v17, v19  }
0x86: {  	v31 =	vld [tilespmem:s0+$0x0];
	v8 =	vadd.f32 v8, v22;
	v17 =	vadd.f32 v10, v21  }
0x87: {  	v4 =	vld.idx.msk [tilespmem:v3+s10+$0x20 ss:$0x1], $0xffff;
	v7 =	vimm.f32 $-Inf;
	v29 =	vadd.f32 v11, v21;
	v12 =	vadd.f32 v12, v22  }
0x88: {  	v10 =	vld.idx.msk [tilespmem:v3+s10+$0x30 ss:$0x1], $0xffff;
	v11 =	vadd.f32 v23, v20;
	v21 =	vadd.f32 v13, v21;
	v17 =	vmax.f32 v7, v17  }
0x89: {  	v32 =	vadd.f32 v24, v25;
	v26 =	vadd.f32 v26, v25;
	v13 =	vmax.f32 v17, v15;
	v17 =	vld [tilespmem:s0+$0x20]  }
0x8a: {  	v23 =	vadd.f32 v18, v19;
	v27 =	vadd.f32 v27, v22;
	v18 =	vmax.f32 v7, v21;
	v21 =	vld [tilespmem:s0+$0xFFFFFF90]  }
0x8b: {  	v25 =	vadd.f32 v14, v25;
	v22 =	vld [tilespmem:s0+$0x10];
	v24 =	vmax.f32 v7, v29;
	v29 =	vmax.f32 v7, v26  }
0x8c: {  	v19 =	vld [tilespmem:s0+$0xFFFFFFA0];
	v26 =	vadd.f32 v30, v20;
	v15 =	vmax.f32 v7, v32;
	v27 =	vmax.f32 v29, v27  }
0x8d: {  	s30 =	simm.s32 $0x1000;
	s31 =	simm.s32 $0x2C0;
	v18 =	vmax.f32 v18, v28;
	v14 =	vadd.f32 v16, v10;
	v16 =	vadd.f32 v31, v20;
	v20 =	vld [tilespmem:s0+$0xA0]  }
.LBB2_6:
0x8e: {  	s0 =	sshra.s32 s30, $0x2;
	v28 =	vld [tilespmem:s31+$0x90];
	p1 =	sne.s32 s30, $0x3000;
	s30 =	sadd.s32 $0x1000, s30;
	v23 =	vmax.f32 v24, v23;
	v24 =	vmax.f32 v27, v26;
	v17 =	vadd.f32 v17, v4  }
0x8f: {  	v7 =	vmax.f32 v7, v25;
	v26 =	vld [tilespmem:s31+$0x40];
	v21 =	vadd.f32 v21, v6;
	v9 =	vmax.f32 v23, v9  }
0x90: {  	v5 =	vadd.f32 v5, v10;
	v7 =	vmax.f32 v7, v12;
	v23 =	vld [tilespmem:s31+$0xFFFFFF50];
	v6 =	vadd.f32 v22, v6  }
0x91: {  	v10 =	vadd.f32 v2, v10;
	v7 =	vmax.f32 v7, v11;
	v22 =	vld [tilespmem:s31+$0xFFFFFFD0];
	v11 =	vadd.f32 v19, v4  }
0x92: {  	v12 =	vmax.f32 v13, v21;
	v2 =	vld [tilespmem:s31+$0x30];
	v6 =	vmax.f32 v18, v6;
	v4 =	vadd.f32 v20, v4  }
0x93: {  	v8 =	vmax.f32 v15, v8;
	v15 =	vmax.f32 v12, v5;
	v13 =	vld [tilespmem:s31+$0x50];
	v18 =	vmax.f32 v6, v10  }
0x94: {  	v14 =	vmax.f32 v9, v14;
	v5 =	vmax.f32 v8, v16;
	v10 =	vld [tilespmem:s31+$0xFFFFFFE0];
	v7 =	vmax.f32 v7, v4  }
0x95: {  	v16 =	vmax.f32 v24, v11;
	v19 =	vmax.f32 v5, v17;
	v12 =	vld [tilespmem:s31+$0x60]  }
0x96: {  	v5 =	vld [tilespmem:s31+$0xFFFFFFB0]  }
0x97: {  	v20 =	vld [tilespmem:s31+$0xB0]  }
0x98: {  	v8 =	vld [tilespmem:s31+$0xFFFFFF70]  }
0x99: {  	v11 =	vld [tilespmem:s31+$0xFFFFFFF0]  }
0x9a: {  	v17 =	vld [tilespmem:s31+$0x70]  }
0x9b: {  	v4 =	vld.idx.msk [tilespmem:v3+s0+$0x20 ss:$0x1], $0xffff  }
0x9c: {  	v29 =	vld.idx.msk [tilespmem:v3+s0+$0x0 ss:$0x1], $0xffff  }
0x9d: {  	v6 =	vld.idx.msk [tilespmem:v3+s0+$0x10 ss:$0x1], $0xffff  }
0x9e: {  	v21 =	vld.idx.msk [tilespmem:v3+s0+$0xFFFFFFF0 ss:$0x1], $0xffff  }
0x9f: {  	v25 =	vld.idx.msk [tilespmem:v3+s0+$0xFFFFFFE0 ss:$0x1], $0xffff  }
0xa0: {  	v24 =	vld.idx.msk [tilespmem:v3+s0+$0xFFFFFFD0 ss:$0x1], $0xffff  }
0xa1: {  	v27 =	vld [tilespmem:s31+$0x80]  }
0xa2: {  	v30 =	vld.idx.msk [tilespmem:v3+s0+$0xFFFFFFC0 ss:$0x1], $0xffff  }
0xa3: {  	v9 =	vadd.f32 v28, v6;
	v31 =	vld [tilespmem:s31+$0xFFFFFFC0]  }
0xa4: {  	v32 =	vadd.f32 v8, v21;
	v33 =	vadd.f32 v11, v21;
	v28 =	vld [tilespmem:s31+$0xFFFFFF40]  }
0xa5: {  	v8 =	vadd.f32 v10, v25;
	v34 =	vld [tilespmem:s31+$0xFFFFFF60]  }
0xa6: {  	v23 =	vadd.f32 v23, v24;
	v35 =	vadd.f32 v13, v24;
	v10 =	vld.idx.msk [tilespmem:v3+s0+$0x30 ss:$0x1], $0xffff  }
0xa7: {  	v12 =	vadd.f32 v12, v25;
	v11 =	vadd.f32 v27, v29;
	v36 =	vld [tilespmem:s31+$0xFFFFFF80]  }
0xa8: {  	v13 =	vmax.f32 v15, v23;
	v15 =	vadd.f32 v22, v24;
	v27 =	vadd.f32 v31, v30;
	v31 =	vld [tilespmem:s31+$0x0]  }
.Ltmp2:
0xa9: {  	v23 =	vadd.f32 v17, v21;
	v13 =	vmax.f32 v13, v32;
	v22 =	vadd.f32 v28, v30;
	v17 =	vld [tilespmem:s31+$0x20];
	(pc) =	sbr.rel @p1 .LBB2_6-.Ltmp2, $4  }
0xaa: {  	v24 =	vmax.f32 v14, v35;
	v18 =	vmax.f32 v18, v15;
	v28 =	vadd.f32 v34, v25;
	v21 =	vld [tilespmem:s31+$0xFFFFFF90]  }
0xab: {  	v25 =	vadd.f32 v26, v30;
	v16 =	vmax.f32 v16, v22;
	v22 =	vld [tilespmem:s31+$0x10]  }
0xac: {  	v15 =	vmax.f32 v19, v27;
	v14 =	vadd.f32 v20, v10;
	v26 =	vadd.f32 v36, v29;
	v19 =	vld [tilespmem:s31+$0xFFFFFFA0]  }
0xad: {  	v18 =	vmax.f32 v18, v33;
	v27 =	vmax.f32 v16, v28;
	v16 =	vadd.f32 v31, v29;
	v20 =	vld [tilespmem:s31+$0xA0];
	s31 =	sadd.s32 $0x200, s31  }
0xae: {  	v3 =	vmax.f32 v24, v23;
	v54 =	vmax.f32 v27, v26  }
0xaf: {  	v17 =	vadd.f32 v17, v4;
	v7 =	vmax.f32 v7, v25;
	v5 =	vadd.f32 v5, v10  }
0xb0: {  	v2 =	vadd.f32 v2, v10;
	v58 =	vadd.s32 s29, v1;
	v8 =	vmax.f32 v15, v8  }
0xb1: {  	s0 =	sor.u32 $0x300, s29;
	s31 =	sor.u32 $0x600, s29;
	v21 =	vadd.f32 v21, v6;
	v3 =	vmax.f32 v3, v9;
	v7 =	vmax.f32 v7, v12  }
0xb2: {  	v60 =	vadd.s32 s0, v1;
	v61 =	vadd.s32 s31, v1;
	v55 =	vadd.f32 v22, v6  }
0xb3: {  	s29 =	sadd.s32 $0x1, s29;
	v62 =	vmax.f32 v8, v16;
	v7 =	vmax.f32 v7, v11;
	v56 =	vadd.f32 v19, v4  }
0xb4: {  	p1 =	sne.s32 s29, $0x30;
	v3 =	vmax.f32 v3, v14;
	v57 =	vmax.f32 v13, v21;
	v6 =	vmax.f32 v18, v55  }
.Ltmp3:
0xb5: {  	v59 =	vadd.f32 v20, v4;
	v5 =	vmax.f32 v57, v5;
	v63 =	vmax.f32 v54, v56;
	(pc) =	sbr.rel @p1 .LBB2_5-.Ltmp3, $4  }
0xb6: {  	v2 =	vmax.f32 v6, v2;
	v6 =	vmax.f32 v62, v17;
	v5 =	vmax.f32 v63, v5  }
0xb7: {  	v4 =	vmax.f32 v7, v59;
	v2 =	vmax.f32 v6, v2;
	[tilespmem:v58+s13+$0x0] =	vst.idx.msk $0xffff, v5  }
0xb8: {  	[tilespmem:v60+s13+$0x0] =	vst.idx.msk $0xffff, v2;
	v2 =	vmax.f32 v4, v3  }
0xb9: {  	s28 =	sadd.s32 $0x200, s28;
	s26 =	sadd.s32 $0x1, s26;
	[tilespmem:v61+s13+$0x0] =	vst.idx.msk $0xffff, v2  }
0xba: {  	v2 =	vld [tilespmem:$0x800]  }
0xbb: {  	v3 =	vld [tilespmem:$0x830]  }
0xbc: {  	v4 =	vld [tilespmem:$0x860]  }
0xbd: {  	v5 =	vld [tilespmem:$0x890]  }
0xbe: {  	v6 =	vld [tilespmem:$0x8C0]  }
0xbf: {  	v7 =	vld [tilespmem:$0x8F0]  }
0xc0: {  	v2 =	vmax.f32 v2, v3;
	v3 =	vld [tilespmem:$0x920]  }
0xc1: {  	v15 =	vld [tilespmem:$0x950];
	v2 =	vmax.f32 v2, v4  }
0xc2: {  	v16 =	vld [tilespmem:$0x980];
	v2 =	vmax.f32 v2, v5  }
0xc3: {  	v17 =	vld [tilespmem:$0x9B0];
	v2 =	vmax.f32 v2, v6  }
0xc4: {  	v18 =	vld [tilespmem:$0x9E0];
	v2 =	vmax.f32 v2, v7  }
0xc5: {  	v2 =	vmax.f32 v2, v3;
	v3 =	vld [tilespmem:$0xA10]  }
0xc6: {  	v19 =	vld [tilespmem:$0xA40];
	v2 =	vmax.f32 v2, v15  }
0xc7: {  	v20 =	vld [tilespmem:$0xA70];
	v2 =	vmax.f32 v2, v16  }
0xc8: {  	v21 =	vld [tilespmem:$0xAA0];
	v2 =	vmax.f32 v2, v17  }
0xc9: {  	v22 =	vld [tilespmem:$0xAD0];
	v2 =	vmax.f32 v2, v18  }
0xca: {  	v2 =	vmax.f32 v2, v3  }
0xcb: {  	s25 =	sand.u32 $0x1, s17;
	v2 =	vmax.f32 v2, v19  }
0xcc: {  	s0 =	smul.u32 $0xC0, s25;
	v2 =	vmax.f32 v2, v20  }
0xcd: {  	v2 =	vmax.f32 v2, v21  }
0xce: {  	s26 =	sshrl.u32 s0, $0x2;
	v2 =	vmax.f32 v2, v22  }
0xcf: {  	[tilespmem:s26+$0xD500] =	vst v2  }
0xd0: {  	v2 =	vld [tilespmem:$0x810]  }
0xd1: {  	v3 =	vld [tilespmem:$0x840]  }
0xd2: {  	v23 =	vld [tilespmem:$0x870]  }
0xd3: {  	v24 =	vld [tilespmem:$0x8A0]  }
0xd4: {  	v25 =	vld [tilespmem:$0x8D0]  }
0xd5: {  	v26 =	vld [tilespmem:$0x900]  }
0xd6: {  	v2 =	vmax.f32 v2, v3;
	v3 =	vld [tilespmem:$0x930]  }
0xd7: {  	v27 =	vld [tilespmem:$0x960];
	v2 =	vmax.f32 v2, v23  }
0xd8: {  	v28 =	vld [tilespmem:$0x990];
	v2 =	vmax.f32 v2, v24  }
0xd9: {  	v29 =	vld [tilespmem:$0x9C0];
	v2 =	vmax.f32 v2, v25  }
0xda: {  	v30 =	vld [tilespmem:$0x9F0];
	v2 =	vmax.f32 v2, v26  }
0xdb: {  	v2 =	vmax.f32 v2, v3;
	v3 =	vld [tilespmem:$0xA20]  }
0xdc: {  	v31 =	vld [tilespmem:$0xA50];
	v2 =	vmax.f32 v2, v27  }
0xdd: {  	v32 =	vld [tilespmem:$0xA80];
	v2 =	vmax.f32 v2, v28  }
0xde: {  	v33 =	vld [tilespmem:$0xAB0];
	v2 =	vmax.f32 v2, v29  }
0xdf: {  	v34 =	vld [tilespmem:$0xAE0];
	v2 =	vmax.f32 v2, v30  }
0xe0: {  	v2 =	vmax.f32 v2, v3  }
0xe1: {  	v2 =	vmax.f32 v2, v31  }
0xe2: {  	v2 =	vmax.f32 v2, v32  }
0xe3: {  	v2 =	vmax.f32 v2, v33  }
0xe4: {  	v2 =	vmax.f32 v2, v34  }
0xe5: {  	[tilespmem:s26+$0xD510] =	vst v2  }
0xe6: {  	v2 =	vld [tilespmem:$0x820]  }
0xe7: {  	v3 =	vld [tilespmem:$0x850]  }
0xe8: {  	v35 =	vld [tilespmem:$0x880]  }
0xe9: {  	v36 =	vld [tilespmem:$0x8B0]  }
0xea: {  	v37 =	vld [tilespmem:$0x8E0]  }
0xeb: {  	v38 =	vld [tilespmem:$0x910]  }
0xec: {  	v2 =	vmax.f32 v2, v3;
	v3 =	vld [tilespmem:$0x940]  }
0xed: {  	v39 =	vld [tilespmem:$0x970];
	v2 =	vmax.f32 v2, v35  }
0xee: {  	v40 =	vld [tilespmem:$0x9A0];
	v2 =	vmax.f32 v2, v36  }
0xef: {  	v41 =	vld [tilespmem:$0x9D0];
	v2 =	vmax.f32 v2, v37  }
0xf0: {  	v42 =	vld [tilespmem:$0xA00];
	v2 =	vmax.f32 v2, v38  }
0xf1: {  	v2 =	vmax.f32 v2, v3;
	v3 =	vld [tilespmem:$0xA30]  }
0xf2: {  	v43 =	vld [tilespmem:$0xA60];
	v2 =	vmax.f32 v2, v39  }
0xf3: {  	v44 =	vld [tilespmem:$0xA90];
	v2 =	vmax.f32 v2, v40  }
0xf4: {  	v45 =	vld [tilespmem:$0xAC0];
	v2 =	vmax.f32 v2, v41  }
0xf5: {  	v46 =	vld [tilespmem:$0xAF0];
	v2 =	vmax.f32 v2, v42  }
0xf6: {  	v2 =	vmax.f32 v2, v3  }
0xf7: {  	v2 =	vmax.f32 v2, v43  }
0xf8: {  	v2 =	vmax.f32 v2, v44  }
0xf9: {  	v2 =	vmax.f32 v2, v45  }
0xfa: {  	v2 =	vmax.f32 v2, v46  }
0xfb: {  	[tilespmem:s26+$0xD520] =	vst v2  }
0xfc: {  	v2 =	vld [tilespmem:$0xB00]  }
0xfd: {  	v3 =	vld [tilespmem:$0xB30]  }
0xfe: {  	v47 =	vld [tilespmem:$0xB60]  }
0xff: {  	v48 =	vld [tilespmem:$0xB90]  }
0x100: {  	v49 =	vld [tilespmem:$0xBC0]  }
0x101: {  	v50 =	vld [tilespmem:$0xBF0]  }
0x102: {  	v2 =	vmax.f32 v2, v3;
	v3 =	vld [tilespmem:$0xC20]  }
0x103: {  	v51 =	vld [tilespmem:$0xC50];
	v2 =	vmax.f32 v2, v47  }
0x104: {  	v52 =	vld [tilespmem:$0xC80];
	v2 =	vmax.f32 v2, v48  }
0x105: {  	v53 =	vld [tilespmem:$0xCB0];
	v2 =	vmax.f32 v2, v49  }
0x106: {  	v54 =	vld [tilespmem:$0xCE0];
	v2 =	vmax.f32 v2, v50  }
0x107: {  	v2 =	vmax.f32 v2, v3;
	v3 =	vld [tilespmem:$0xD10]  }
0x108: {  	v55 =	vld [tilespmem:$0xD40];
	v2 =	vmax.f32 v2, v51  }
0x109: {  	v56 =	vld [tilespmem:$0xD70];
	v2 =	vmax.f32 v2, v52  }
0x10a: {  	v57 =	vld [tilespmem:$0xDA0];
	v2 =	vmax.f32 v2, v53  }
0x10b: {  	v58 =	vld [tilespmem:$0xDD0];
	v2 =	vmax.f32 v2, v54  }
0x10c: {  	v2 =	vmax.f32 v2, v3  }
0x10d: {  	s28 =	sand.u32 $0x1, s16;
	v2 =	vmax.f32 v2, v55  }
0x10e: {  	s30 =	smul.u32 $0xC0, s28;
	v2 =	vmax.f32 v2, v56  }
0x10f: {  	v2 =	vmax.f32 v2, v57  }
0x110: {  	s29 =	sshrl.u32 s30, $0x2;
	v2 =	vmax.f32 v2, v58  }
0x111: {  	[tilespmem:s29+$0xD580] =	vst v2  }
0x112: {  	v2 =	vld [tilespmem:$0xB10]  }
0x113: {  	v3 =	vld [tilespmem:$0xB40]  }
0x114: {  	v59 =	vld [tilespmem:$0xB70]  }
0x115: {  	v60 =	vld [tilespmem:$0xBA0]  }
0x116: {  	v61 =	vld [tilespmem:$0xBD0]  }
0x117: {  	v62 =	vld [tilespmem:$0xC00]  }
0x118: {  	v2 =	vmax.f32 v2, v3;
	v3 =	vld [tilespmem:$0xC30]  }
0x119: {  	v63 =	vld [tilespmem:$0xC60];
	v2 =	vmax.f32 v2, v59  }
0x11a: {  	v9 =	vld [tilespmem:$0xC90];
	v2 =	vmax.f32 v2, v60  }
0x11b: {  	v10 =	vld [tilespmem:$0xCC0];
	v2 =	vmax.f32 v2, v61  }
0x11c: {  	v11 =	vld [tilespmem:$0xCF0];
	v2 =	vmax.f32 v2, v62  }
0x11d: {  	v2 =	vmax.f32 v2, v3;
	v3 =	vld [tilespmem:$0xD20]  }
0x11e: {  	v12 =	vld [tilespmem:$0xD50];
	v2 =	vmax.f32 v2, v63  }
0x11f: {  	v13 =	vld [tilespmem:$0xD80];
	v2 =	vmax.f32 v2, v9  }
0x120: {  	v14 =	vld [tilespmem:$0xDB0];
	v2 =	vmax.f32 v2, v10  }
0x121: {  	v15 =	vld [tilespmem:$0xDE0];
	v2 =	vmax.f32 v2, v11  }
0x122: {  	v2 =	vmax.f32 v2, v3  }
0x123: {  	v2 =	vmax.f32 v2, v12  }
0x124: {  	v2 =	vmax.f32 v2, v13  }
0x125: {  	v2 =	vmax.f32 v2, v14  }
0x126: {  	v2 =	vmax.f32 v2, v15  }
0x127: {  	[tilespmem:s29+$0xD590] =	vst v2  }
0x128: {  	v2 =	vld [tilespmem:$0xB20]  }
0x129: {  	v3 =	vld [tilespmem:$0xB50]  }
0x12a: {  	v16 =	vld [tilespmem:$0xB80]  }
0x12b: {  	v17 =	vld [tilespmem:$0xBB0]  }
0x12c: {  	v18 =	vld [tilespmem:$0xBE0]  }
0x12d: {  	v19 =	vld [tilespmem:$0xC10]  }
0x12e: {  	v2 =	vmax.f32 v2, v3;
	v3 =	vld [tilespmem:$0xC40]  }
0x12f: {  	v20 =	vld [tilespmem:$0xC70];
	v2 =	vmax.f32 v2, v16  }
0x130: {  	v21 =	vld [tilespmem:$0xCA0];
	v2 =	vmax.f32 v2, v17  }
0x131: {  	v22 =	vld [tilespmem:$0xCD0];
	v2 =	vmax.f32 v2, v18  }
0x132: {  	v23 =	vld [tilespmem:$0xD00];
	v2 =	vmax.f32 v2, v19  }
0x133: {  	v2 =	vmax.f32 v2, v3;
	v3 =	vld [tilespmem:$0xD30]  }
0x134: {  	v24 =	vld [tilespmem:$0xD60];
	v2 =	vmax.f32 v2, v20  }
0x135: {  	v25 =	vld [tilespmem:$0xD90];
	v2 =	vmax.f32 v2, v21  }
0x136: {  	v26 =	vld [tilespmem:$0xDC0];
	v2 =	vmax.f32 v2, v22  }
0x137: {  	v27 =	vld [tilespmem:$0xDF0];
	v2 =	vmax.f32 v2, v23  }
0x138: {  	v2 =	vmax.f32 v2, v3  }
0x139: {  	v2 =	vmax.f32 v2, v24  }
0x13a: {  	v2 =	vmax.f32 v2, v25  }
0x13b: {  	v2 =	vmax.f32 v2, v26  }
0x13c: {  	v2 =	vmax.f32 v2, v27  }
0x13d: {  	[tilespmem:s29+$0xD5A0] =	vst v2  }
0x13e: {  	v2 =	vld [tilespmem:$0xE00]  }
0x13f: {  	v3 =	vld [tilespmem:$0xE30]  }
0x140: {  	v28 =	vld [tilespmem:$0xE60]  }
0x141: {  	v29 =	vld [tilespmem:$0xE90]  }
0x142: {  	v30 =	vld [tilespmem:$0xEC0]  }
0x143: {  	v31 =	vld [tilespmem:$0xEF0]  }
0x144: {  	v2 =	vmax.f32 v2, v3;
	v3 =	vld [tilespmem:$0xF20]  }
0x145: {  	v32 =	vld [tilespmem:$0xF50];
	v2 =	vmax.f32 v2, v28  }
0x146: {  	v33 =	vld [tilespmem:$0xF80];
	v2 =	vmax.f32 v2, v29  }
0x147: {  	v34 =	vld [tilespmem:$0xFB0];
	v2 =	vmax.f32 v2, v30  }
0x148: {  	v35 =	vld [tilespmem:$0xFE0];
	v2 =	vmax.f32 v2, v31  }
0x149: {  	v2 =	vmax.f32 v2, v3;
	v3 =	vld [tilespmem:$0x1010]  }
0x14a: {  	v36 =	vld [tilespmem:$0x1040];
	v2 =	vmax.f32 v2, v32  }
0x14b: {  	v37 =	vld [tilespmem:$0x1070];
	v2 =	vmax.f32 v2, v33  }
0x14c: {  	v38 =	vld [tilespmem:$0x10A0];
	v2 =	vmax.f32 v2, v34  }
0x14d: {  	v39 =	vld [tilespmem:$0x10D0];
	v2 =	vmax.f32 v2, v35  }
0x14e: {  	v2 =	vmax.f32 v2, v3  }
0x14f: {  	s30 =	sand.u32 $0x1, s15;
	v2 =	vmax.f32 v2, v36  }
0x150: {  	s31 =	smul.u32 $0xC0, s30;
	v2 =	vmax.f32 v2, v37  }
0x151: {  	v2 =	vmax.f32 v2, v38  }
0x152: {  	s31 =	sshrl.u32 s31, $0x2;
	v2 =	vmax.f32 v2, v39  }
0x153: {  	[tilespmem:s31+$0xD600] =	vst v2  }
0x154: {  	v2 =	vld [tilespmem:$0xE10]  }
0x155: {  	v3 =	vld [tilespmem:$0xE40]  }
0x156: {  	v40 =	vld [tilespmem:$0xE70]  }
0x157: {  	v41 =	vld [tilespmem:$0xEA0]  }
0x158: {  	v42 =	vld [tilespmem:$0xED0]  }
0x159: {  	v43 =	vld [tilespmem:$0xF00]  }
0x15a: {  	v2 =	vmax.f32 v2, v3;
	v3 =	vld [tilespmem:$0xF30]  }
0x15b: {  	v44 =	vld [tilespmem:$0xF60];
	v2 =	vmax.f32 v2, v40  }
0x15c: {  	v45 =	vld [tilespmem:$0xF90];
	v2 =	vmax.f32 v2, v41  }
0x15d: {  	v46 =	vld [tilespmem:$0xFC0];
	v2 =	vmax.f32 v2, v42  }
0x15e: {  	v47 =	vld [tilespmem:$0xFF0];
	v2 =	vmax.f32 v2, v43  }
0x15f: {  	v2 =	vmax.f32 v2, v3;
	v3 =	vld [tilespmem:$0x1020]  }
0x160: {  	v48 =	vld [tilespmem:$0x1050];
	v2 =	vmax.f32 v2, v44  }
0x161: {  	v49 =	vld [tilespmem:$0x1080];
	v2 =	vmax.f32 v2, v45  }
0x162: {  	v50 =	vld [tilespmem:$0x10B0];
	v2 =	vmax.f32 v2, v46  }
0x163: {  	v51 =	vld [tilespmem:$0x10E0];
	v2 =	vmax.f32 v2, v47  }
0x164: {  	v2 =	vmax.f32 v2, v3  }
0x165: {  	v2 =	vmax.f32 v2, v48  }
0x166: {  	v2 =	vmax.f32 v2, v49  }
0x167: {  	v2 =	vmax.f32 v2, v50  }
0x168: {  	v2 =	vmax.f32 v2, v51  }
0x169: {  	[tilespmem:s31+$0xD610] =	vst v2  }
0x16a: {  	v2 =	vld [tilespmem:$0xE20]  }
0x16b: {  	v3 =	vld [tilespmem:$0xE50]  }
0x16c: {  	v52 =	vld [tilespmem:$0xE80]  }
0x16d: {  	v53 =	vld [tilespmem:$0xEB0]  }
0x16e: {  	v54 =	vld [tilespmem:$0xEE0]  }
0x16f: {  	v55 =	vld [tilespmem:$0xF10]  }
0x170: {  	v2 =	vmax.f32 v2, v3;
	v3 =	vld [tilespmem:$0xF40]  }
0x171: {  	v56 =	vld [tilespmem:$0xF70];
	v2 =	vmax.f32 v2, v52  }
0x172: {  	v57 =	vld [tilespmem:$0xFA0];
	v2 =	vmax.f32 v2, v53  }
0x173: {  	v58 =	vld [tilespmem:$0xFD0];
	v2 =	vmax.f32 v2, v54  }
0x174: {  	v59 =	vld [tilespmem:$0x1000];
	v2 =	vmax.f32 v2, v55  }
0x175: {  	v2 =	vmax.f32 v2, v3;
	v3 =	vld [tilespmem:$0x1030]  }
0x176: {  	v60 =	vld [tilespmem:$0x1060];
	v2 =	vmax.f32 v2, v56  }
0x177: {  	v61 =	vld [tilespmem:$0x1090];
	v2 =	vmax.f32 v2, v57  }
0x178: {  	v62 =	vld [tilespmem:$0x10C0];
	v2 =	vmax.f32 v2, v58  }
0x179: {  	v63 =	vld [tilespmem:$0x10F0];
	v2 =	vmax.f32 v2, v59  }
0x17a: {  	v2 =	vmax.f32 v2, v3  }
0x17b: {  	v2 =	vmax.f32 v2, v60  }
0x17c: {  	v2 =	vmax.f32 v2, v61  }
0x17d: {  	v2 =	vmax.f32 v2, v62  }
0x17e: {  	p1 =	seq.s32 s21, s7;
	s24 =	sshll.u32 s24, $0x4;
	s0 =	sshll.u32 s14, $0x4;
	v2 =	vmax.f32 v2, v63  }
0x17f: {  	p2 =	seq.s32 @!p1 s24, s0;
	[tilespmem:s31+$0xD620] =	vst v2  }
0x180: {  	s0 =	simm.s32 $0x0;
	p2 =	por p1, !p2;
	_ =	strace $0x9000004D  }
0x181: {  	s0 =	rddreg @p2 [dreg:$0x5]  }
0x182: {  	s0 =	sor.u32 @p2 s24, s0  }
0x183: {  	s0 =	smul.u32 @p2 $0x30, s0  }
0x184: {  	_ =	strace @p2 $0x8000004E  }
0x185: {  	s1 =	sor.u32 @p2 $0xD500, s26;
	s4 =	rddreg @p2 [dreg:$0x2];
	s0 =	sshrl.u32 @p2 s0, $0x3  }
0x186: {  	s2 =	sadd.s32 @p2 $0x5, s25;
	s6 =	simm.s32 @p2 $0x0;
	s4 =	sadd.s32 @p2 s4, s0  }
0x187: {  	[hbm4b:s4+s6] =	stream.linear.scatter @p2 [tilespmem:s1], [sflag:s2], $0x30, $0x200038;
	[tilespmem:$0xD680] =	vst v63  }
0x188: {  	_ =	strace @p2 $0x9000004E  }
0x189: {  	_ =	strace @p2 $0x8000004F  }
0x18a: {  	s4 =	rddreg @p2 [dreg:$0x6]  }
0x18b: {  	s1 =	sor.u32 @p2 $0xD580, s29;
	s2 =	sadd.s32 @p2 $0x7, s28;
	s4 =	sadd.s32 @p2 s4, s0  }
0x18c: {  	[hbm4b:s4+s6] =	stream.linear.scatter @p2 [tilespmem:s1], [sflag:s2], $0x30, $0x200038;
	[tilespmem:$0xD680] =	vst v63  }
0x18d: {  	_ =	strace @p2 $0x9000004F  }
0x18e: {  	_ =	strace @p2 $0x80000050  }
0x18f: {  	s17 =	sadd.s32 @p2 $0x1, s17;
	s16 =	sadd.s32 @p2 $0x1, s16;
	s4 =	rddreg @p2 [dreg:$0x7]  }
0x190: {  	s1 =	sor.u32 @p2 $0xD600, s31;
	s2 =	sadd.s32 @p2 $0x9, s30;
	s0 =	sadd.s32 @p2 s4, s0  }
0x191: {  	[hbm4b:s0+s6] =	stream.linear.scatter @p2 [tilespmem:s1], [sflag:s2], $0x30, $0x200038;
	[tilespmem:$0xD680] =	vst v63  }
0x192: {  	s0 =	simm.s32 @p2 $0x1;
	_ =	strace @p2 $0x90000050;
	p2 =	seq.s32 s21, $0x0  }
0x193: {  	s1 =	sand.u32 @!p2 $0x1, s22  }
0x194: {  	_ =	strace @!p2 $0x80000051;
	s1 =	sadd.s32 @!p2 $0x5, s1  }
0x195: {  	_ =	swait.ge @!p2 [sflag:s1], $0x30  }
0x196: {  	[sflag:s1] =	ssyncset.done @!p2 $0x0  }
0x197: {  	[sflag:s1] =	ssyncadd.s32 @!p2 $0xFFFFFFD0  }
0x198: {  	s1 =	sand.u32 @!p2 $0x1, s23;
	_ =	strace @!p2 $0x90000051  }
0x199: {  	s1 =	sadd.s32 @!p2 $0x7, s1;
	_ =	strace @!p2 $0x80000052  }
0x19a: {  	_ =	swait.ge @!p2 [sflag:s1], $0x30  }
0x19b: {  	[sflag:s1] =	ssyncset.done @!p2 $0x0  }
0x19c: {  	[sflag:s1] =	ssyncadd.s32 @!p2 $0xFFFFFFD0  }
0x19d: {  	s1 =	sand.u32 @!p2 $0x1, s9;
	_ =	strace @!p2 $0x90000052  }
0x19e: {  	s1 =	sadd.s32 @!p2 $0x9, s1;
	_ =	strace @!p2 $0x80000053  }
0x19f: {  	_ =	swait.ge @!p2 [sflag:s1], $0x30  }
0x1a0: {  	p0 =	por p1, p0;
	[sflag:s1] =	ssyncset.done @!p2 $0x0  }
0x1a1: {  	s21 =	sadd.s32 $0x1, s21;
	[sflag:s1] =	ssyncadd.s32 @!p2 $0xFFFFFFD0;
	s1 =	simm.s32 $0x1  }
0x1a2: {  	s1 =	simm.s32 @!p0 $0x0;
	p0 =	sne.s32 s21, $0x8  }
.Ltmp4:
0x1a3: {  	s8 =	smov.u32 s5;
	(pc) =	sbr.rel @p0 .LBB2_2-.Ltmp4, $4  }
0x1a4: {  	s4 =	smov.u32 s3;
	s15 =	sadd.s32 s15, s0;
	s0 =	simm.s32 @!p2 $0x1  }
0x1a5: {  	s29 =	sadd.s32 @!p2 $0x1, s22;
	s28 =	sadd.s32 @!p2 $0x1, s23;
	s0 =	simm.s32 @p2 $0x0  }
0x1a6: {  	s28 =	smov.u32 @p2 s23;
	s29 =	smov.u32 @p2 s22;
	s9 =	sadd.s32 s9, s0  }
0x1a7: {  	_ =	strace @!p2 $0x90000053;
	s19 =	sadd.s32 s1, s19;
	s18 =	sadd.s32 s1, s18  }
0x1a8: {  	s0 =	sand.u32 $0x1, s29  }
0x1a9: {  	_ =	strace $0x80000054;
	s0 =	sadd.s32 $0x5, s0  }
0x1aa: {  	_ =	swait.ge [sflag:s0], $0x30  }
0x1ab: {  	[sflag:s0] =	ssyncset.done $0x0  }
0x1ac: {  	[sflag:s0] =	ssyncadd.s32 $0xFFFFFFD0  }
0x1ad: {  	s30 =	sand.u32 $0x1, s28;
	_ =	strace $0x90000054  }
0x1ae: {  	s0 =	sadd.s32 $0x7, s30;
	_ =	strace $0x80000055  }
0x1af: {  	_ =	swait.ge [sflag:s0], $0x30  }
0x1b0: {  	[sflag:s0] =	ssyncset.done $0x0  }
0x1b1: {  	[sflag:s0] =	ssyncadd.s32 $0xFFFFFFD0  }
0x1b2: {  	s31 =	sand.u32 $0x1, s9;
	_ =	strace $0x90000055  }
0x1b3: {  	s0 =	sadd.s32 $0x9, s31;
	_ =	strace $0x80000056  }
0x1b4: {  	_ =	swait.ge [sflag:s0], $0x30  }
0x1b5: {  	[sflag:s0] =	ssyncset.done $0x0  }
0x1b6: {  	[sflag:s0] =	ssyncadd.s32 $0xFFFFFFD0  }
0x1b7: {  	_ =	strace $0x90000056  }
0x1b8: {  	s1 =	stileid.u32;
	s2 =	rddreg [dreg:$0x4]  }
.LBB2_10:
0x1b9: {  	_ =	sfence.sel $0x180000  }
0x1ba: {  	[bflag:$0x0] =	sbarrier.arrive $0xFFFF  }
0x1bb: {  	p0 =	sne.s32 s1, $0x0;
	_ =	strace $0x90000047  }
0x1bc: {  	s0 =	sadd.s32 @!p0 $0x100000, s2;
	[bflag:$0x2] =	sbarrier.arrive $0xFFFF  }
0x1bd: {  	[sflag:s0] =	ssyncadd.tile.s32 @!p0 $0x1;
	_ =	shalt  }
.Lfunc_end2:
_tile_overlayer_lowered:
.L_overlay_start_2:
0x1be: {  	(tag) =	ssettag $0x2  }
0x1bf: {  	s0 =	rddreg [dreg:$0x0];
	s2 =	stileid.u32  }
0x1c0: {  	s1 =	rddreg [dreg:$0x1];
	p0 =	sne.s32 s2, $0x0  }
0x1c1: {  	s3 =	rddreg [dreg:$0x2];
	[bflag:$0x3] =	sbarrier.arrive $0xFFFF;
	s2 =	simm.s32 @!p0 $0x1C01  }
0x1c2: {  	[timem:s3], [sflag:s2] =	dma.local @!p0 [hbm:s0], s1  }
0x1c3: {  	s0 =	simm.s32 @!p0 $0x1  }
0x1c4: {  	_ =	swait.ge @!p0 [sflag:s0], s1  }
0x1c5: {  	s1 =	ssub.s32 @!p0 $0x0, s1;
	[sflag:s0] =	ssyncset.done @!p0 $0x0  }
0x1c6: {  	[sflag:s0] =	ssyncadd.s32 @!p0 s1  }
0x1c7: {  	[bflag:$0x3] =	sbarrier.arrive $0xFFFF  }
0x1c8: {  	_ =	shalt  }

</sc_bundles>
